<compile_context>
chip_gen: v7x
topology: tpu7x:2x2x1
jax: 0.10.2.dev20260603
libtpu: 0.0.44.dev20260713+nightly
codegen_flags: <defaults>
</compile_context>

<pallas_src>
import jax
import jax.numpy as jnp
from jax import lax
from jax.experimental import pallas as pl
from jax.experimental.pallas import tpu as pltpu
from jax.experimental.pallas import tpu_sc as plsc

NC = 2
NS = 16
NL = 16
NW = NC * NS

B = 16384
FORMULA_LEN = 3
N_PRED = 1000000
BPW = B // NW
KCH = 4
CW = BPW // KCH


def _depad_body(m_ref, w_ref, b_ref, c0_ref, c1_ref, c2_ref, scal_ref):
    c0_ref[...] = m_ref[0, :]
    c1_ref[...] = m_ref[1, :]
    c2_ref[...] = m_ref[2, :]
    wb = jnp.concatenate([w_ref[...], b_ref[...]], axis=0)
    scal_ref[...] = jnp.broadcast_to(wb[:, None], (4, NL))


def _body(x_hbm, scal_hbm, m0_hbm, m1_hbm, m2_hbm, p0_hbm, p1_hbm, p2_hbm,
          out_hbm, x_v, c0_v, c1_v, c2_v, a0_v, a1_v, a2_v,
          scal_v, out_v, sems):
    wid = lax.axis_index("s") * NC + lax.axis_index("c")

    pltpu.sync_copy(x_hbm.at[wid], x_v)
    pltpu.sync_copy(scal_hbm, scal_v)

    views = (m0_hbm, m1_hbm, m2_hbm)
    cols = (c0_v, c1_v, c2_v)
    acts = (a0_v, a1_v, a2_v)
    preds = (p0_hbm, p1_hbm, p2_hbm)

    l1 = [[pltpu.make_async_copy(views[i].at[x_v.at[j]], cols[i].at[j],
                                 sems.at[j])
           for i in range(FORMULA_LEN)] for j in range(KCH)]
    for j in range(KCH):
        for c in l1[j]:
            c.start()
    l2 = []
    for j in range(KCH):
        for c in l1[j]:
            c.wait()
        l2.append([pltpu.make_async_copy(preds[i].at[0].at[cols[i].at[j]],
                                         acts[i].at[j], sems.at[j])
                   for i in range(FORMULA_LEN)])
        for c in l2[j]:
            c.start()

    w0 = scal_v[0, :]
    w1 = scal_v[1, :]
    w2 = scal_v[2, :]
    beta = scal_v[3, :]
    one = jnp.ones((NL,), jnp.float32)
    zero = jnp.zeros((NL,), jnp.float32)
    for j in range(KCH):
        for c in l2[j]:
            c.wait()
        for t in range(CW // NL):
            sl = pl.ds(t * NL, NL)
            a0 = a0_v[j, sl]
            a1 = a1_v[j, sl]
            a2 = a2_v[j, sl]
            s = w0 * (one - a0) + w1 * (one - a1) + w2 * (one - a2)
            out_v[j, sl] = jnp.minimum(jnp.maximum(beta - s, zero), one)

    pltpu.sync_copy(out_v, out_hbm.at[wid])


@jax.jit
def _run(x_tiles, scal, m0, m1, m2, p0, p1, p2):
    mesh = plsc.VectorSubcoreMesh(core_axis_name="c", subcore_axis_name="s",
                                  num_cores=NC, num_subcores=NS)
    f = pl.kernel(
        _body,
        out_type=jax.ShapeDtypeStruct((NW, KCH, CW), jnp.float32),
        mesh=mesh,
        scratch_types=[
            pltpu.VMEM((KCH, CW), jnp.int32),
            pltpu.VMEM((KCH, CW), jnp.int32),
            pltpu.VMEM((KCH, CW), jnp.int32),
            pltpu.VMEM((KCH, CW), jnp.int32),
            pltpu.VMEM((KCH, CW), jnp.float32),
            pltpu.VMEM((KCH, CW), jnp.float32),
            pltpu.VMEM((KCH, CW), jnp.float32),
            pltpu.VMEM((4, NL), jnp.float32),
            pltpu.VMEM((KCH, CW), jnp.float32),
            pltpu.SemaphoreType.DMA((KCH,)),
        ],
        name="meta_rule_sc",
    )
    return f(x_tiles, scal, m0, m1, m2, p0, p1, p2)


def kernel(x, mat, pred0, pred1, pred2, and_w, and_beta):
    x_tiles = x.astype(jnp.int32).reshape(NW, KCH, CW)
    m0, m1, m2, scal = pl.pallas_call(
        _depad_body,
        grid=(1,),
        in_specs=[pl.BlockSpec((FORMULA_LEN, N_PRED), lambda i: (0, 0)),
                  pl.BlockSpec((FORMULA_LEN,), lambda i: (0,)),
                  pl.BlockSpec((1,), lambda i: (0,))],
        out_specs=[pl.BlockSpec((N_PRED,), lambda i: (0,))] * FORMULA_LEN
        + [pl.BlockSpec((4, NL), lambda i: (0, 0))],
        out_shape=[jax.ShapeDtypeStruct((N_PRED,), jnp.int32)] * FORMULA_LEN
        + [jax.ShapeDtypeStruct((4, NL), jnp.float32)],
    )(mat.astype(jnp.int32).T, and_w.astype(jnp.float32),
      and_beta.astype(jnp.float32))
    p0 = pred0.reshape(1, -1)
    p1 = pred1.reshape(1, -1)
    p2 = pred2.reshape(1, -1)
    out = _run(x_tiles, scal, m0, m1, m2, p0, p1, p2)
    ret = out.reshape(B, 1)
    slacks = jnp.zeros((), dtype=jnp.float32)
    return (ret, slacks)

# --- scband reference (transcript-rebuilt; emitter-appended) ---
"""Pipeline reference for scband-meta-rule-67001489817856 (READ-ONLY COPY).

The authoritative reference and input builder live on the scoring server;
editing this copy changes nothing except your own understanding.
"""

import jax, jax.numpy as jnp
import numpy as np

N_PRED = 1000000   # rows in each body predicate's df
N_JOIN = 1000000   # rows in self.df / self.mat after lineage joins
B = 16384          # mini-batch of tuple ids
FORMULA_LEN = 3


def setup_inputs(seed: int = 0) -> dict:
    key = jax.random.key(seed)
    ks = jax.random.split(key, 8)
    x = jax.random.randint(ks[0], (B,), 0, N_JOIN, dtype=jnp.int64) if jax.config.jax_enable_x64 else jax.random.randint(ks[0], (B,), 0, N_JOIN).astype(jnp.int32)
    mat = jax.random.randint(ks[1], (N_JOIN, FORMULA_LEN), 0, N_PRED)
    pred0 = jax.random.uniform(ks[2], (N_PRED, 1), dtype=jnp.float32)
    pred1 = jax.random.uniform(ks[3], (N_PRED, 1), dtype=jnp.float32)
    pred2 = jax.random.uniform(ks[4], (N_PRED, 1), dtype=jnp.float32)
    # learned parameters of the Lukasiewicz AND (lnn_operators.and_lukasiewicz)
    and_w = jax.random.uniform(ks[5], (FORMULA_LEN,), dtype=jnp.float32)
    and_beta = jnp.ones((1,), dtype=jnp.float32)
    return {"x": x, "mat": mat, "pred0": pred0, "pred1": pred1,
            "pred2": pred2, "and_w": and_w, "and_beta": and_beta}


def reference(x, mat, pred0, pred1, pred2, and_w, and_beta):
    """Faithful translation of MetaRule.forward.

    Each body predicate i: compute preds only on the unique tuple ids
    referenced by the batch (body[i](idx) modeled as a table gather),
    scatter-overwrite them into a zeros buffer sized by the predicate's df,
    then gather activations via the lineage matrix mat[x, i].
    Finally apply the Lukasiewicz AND over the concatenated activations.
    """
    tables = [pred0, pred1, pred2]
    acts = []
    slacks = jnp.zeros((), dtype=jnp.float32)  # with_slack=False -> zero slacks
    for i in range(FORMULA_LEN):
        col = mat[x, i]                                   # gather lineage column
        idx = jnp.unique(col, size=col.shape[0], fill_value=0)  # self.get_indices(...)
        preds = tables[i][idx]                            # body[i](idx, choice, mask)
        body_pred = jnp.zeros((tables[i].shape[0], 1), dtype=jnp.float32)
        body_pred = body_pred.at[idx].set(preds)          # scatter-overwrite
        acts.append(body_pred[col])                       # gather activations
    activations = jnp.concatenate(acts, axis=1)           # [B, formula_len]
    # weighted Lukasiewicz conjunction: clamp(beta - sum_i w_i * (1 - a_i), 0, 1)
    ret = jnp.clip(and_beta - jnp.sum((1.0 - activations) * and_w, axis=1, keepdims=True), 0.0, 1.0)
    return (ret, slacks)

if __name__ == "__main__":
    import jax
    _d = setup_inputs()
    print(jax.jit(kernel)(*tuple(_d.values())))

</pallas_src>

<mosaic_0001>
#map = affine_map<(d0, d1) -> (0, 0, 0)>
#map1 = affine_map<(d0, d1) -> (0, 0)>
#map2 = affine_map<(d0, d1) -> (0)>
module attributes {stable_mosaic.version = 14 : i64} {
  func.func @meta_rule_sc(%arg0: i32, %arg1: i32, %arg2: memref<32x4x128xi32, #tpu.memory_space<hbm>>, %arg3: memref<4x16xf32, #tpu.memory_space<hbm>>, %arg4: memref<1000000xi32, #tpu.memory_space<hbm>>, %arg5: memref<1000000xi32, #tpu.memory_space<hbm>>, %arg6: memref<1000000xi32, #tpu.memory_space<hbm>>, %arg7: memref<1x1000000xf32, #tpu.memory_space<hbm>>, %arg8: memref<1x1000000xf32, #tpu.memory_space<hbm>>, %arg9: memref<1x1000000xf32, #tpu.memory_space<hbm>>, %arg10: memref<32x4x128xf32, #tpu.memory_space<hbm>>, %arg11: memref<4x128xi32, #tpu.memory_space<vmem>>, %arg12: memref<4x128xi32, #tpu.memory_space<vmem>>, %arg13: memref<4x128xi32, #tpu.memory_space<vmem>>, %arg14: memref<4x128xi32, #tpu.memory_space<vmem>>, %arg15: memref<4x128xf32, #tpu.memory_space<vmem>>, %arg16: memref<4x128xf32, #tpu.memory_space<vmem>>, %arg17: memref<4x128xf32, #tpu.memory_space<vmem>>, %arg18: memref<4x16xf32, #tpu.memory_space<vmem>>, %arg19: memref<4x128xf32, #tpu.memory_space<vmem>>, %arg20: memref<4x!tpu.dma_semaphore, #tpu.memory_space<semaphore_mem>>) attributes {dimension_semantics = [#tpu.dimension_semantics<core_parallel>, #tpu.dimension_semantics<subcore_parallel>], iteration_bounds = array<i64: 2, 16>, scalar_prefetch = 0 : i64, scratch_operands = 10 : i64, tpu.core_type = #tpu.core_type<sc_vector_subcore>, window_params = [{transform_indices = #map}, {transform_indices = #map1}, {transform_indices = #map2}, {transform_indices = #map2}, {transform_indices = #map2}, {transform_indices = #map1}, {transform_indices = #map1}, {transform_indices = #map1}, {transform_indices = #map}]} {
    %mul3A = arith.constant 2 : i32
    %mul3A_0 = arith.muli %arg1, %mul3A : i32
    %add3A = arith.addi %mul3A_0, %arg0 : i32
    "tpu.region"() ({
      %run_scoped3A = tpu.sem_alloc : memref<!tpu.dma_semaphore, #tpu.memory_space<semaphore_mem>>
      %dma_start3A_1761 = arith.constant 0 : i32
      %dma_start3A_1762 = arith.constant 0 : i32
      %dma_start3A_1763 = tpu.memref_slice %arg2[%add3A, %dma_start3A_1761, %dma_start3A_1762] : memref<32x4x128xi32, #tpu.memory_space<hbm>> -> memref<1x4x128xi32, #tpu.memory_space<hbm>>
      %dma_start3A_1764 = tpu.memref_squeeze %dma_start3A_1763 : memref<1x4x128xi32, #tpu.memory_space<hbm>> -> memref<4x128xi32, #tpu.memory_space<hbm>>
      %dma_start3A_1765 = arith.constant 0 : i32
      %dma_start3A_1766 = arith.constant 0 : i32
      %dma_start3A_1767 = tpu.memref_slice %arg2[%add3A, %dma_start3A_1765, %dma_start3A_1766] : memref<32x4x128xi32, #tpu.memory_space<hbm>> -> memref<1x4x128xi32, #tpu.memory_space<hbm>>
      %dma_start3A_1768 = tpu.memref_squeeze %dma_start3A_1767 : memref<1x4x128xi32, #tpu.memory_space<hbm>> -> memref<4x128xi32, #tpu.memory_space<hbm>>
      tpu.enqueue_dma source(%dma_start3A_1768 : memref<4x128xi32, #tpu.memory_space<hbm>>) target(%arg11 : memref<4x128xi32, #tpu.memory_space<vmem>>) target_semaphore(%run_scoped3A : memref<!tpu.dma_semaphore, #tpu.memory_space<semaphore_mem>>)
      %dma_wait3A_1769 = arith.constant 0 : i32
      %dma_wait3A_1770 = arith.constant 0 : i32
      %dma_wait3A_1771 = tpu.memref_slice %arg2[%add3A, %dma_wait3A_1769, %dma_wait3A_1770] : memref<32x4x128xi32, #tpu.memory_space<hbm>> -> memref<1x4x128xi32, #tpu.memory_space<hbm>>
      %dma_wait3A_1772 = tpu.memref_squeeze %dma_wait3A_1771 : memref<1x4x128xi32, #tpu.memory_space<hbm>> -> memref<4x128xi32, #tpu.memory_space<hbm>>
      %dma_wait3A_1773 = arith.constant 0 : i32
      %dma_wait3A_1774 = arith.constant 0 : i32
      %dma_wait3A_1775 = tpu.memref_slice %arg2[%add3A, %dma_wait3A_1773, %dma_wait3A_1774] : memref<32x4x128xi32, #tpu.memory_space<hbm>> -> memref<1x4x128xi32, #tpu.memory_space<hbm>>
      %dma_wait3A_1776 = tpu.memref_squeeze %dma_wait3A_1775 : memref<1x4x128xi32, #tpu.memory_space<hbm>> -> memref<4x128xi32, #tpu.memory_space<hbm>>
      tpu.wait_dma2 semaphore(%run_scoped3A : memref<!tpu.dma_semaphore, #tpu.memory_space<semaphore_mem>>) src(%dma_wait3A_1776 : memref<4x128xi32, #tpu.memory_space<hbm>>) dst(%arg11 : memref<4x128xi32, #tpu.memory_space<vmem>>)
      tpu.yield
    }) : () -> ()
    "tpu.region"() ({
      %run_scoped3A = tpu.sem_alloc : memref<!tpu.dma_semaphore, #tpu.memory_space<semaphore_mem>>
      tpu.enqueue_dma source(%arg3 : memref<4x16xf32, #tpu.memory_space<hbm>>) target(%arg18 : memref<4x16xf32, #tpu.memory_space<vmem>>) target_semaphore(%run_scoped3A : memref<!tpu.dma_semaphore, #tpu.memory_space<semaphore_mem>>)
      tpu.wait_dma2 semaphore(%run_scoped3A : memref<!tpu.dma_semaphore, #tpu.memory_space<semaphore_mem>>) src(%arg3 : memref<4x16xf32, #tpu.memory_space<hbm>>) dst(%arg18 : memref<4x16xf32, #tpu.memory_space<vmem>>)
      tpu.yield
    }) : () -> ()
    %dma_start3A = arith.constant 0 : i32
    %dma_start3A_1 = arith.constant 0 : i32
    %dma_start3A_2 = arith.constant 0 : i32
    %dma_start3A_3 = arith.constant 0 : i32
    %dma_start3A_4 = tpu.memref_slice %arg12[%dma_start3A_1, %dma_start3A_3] : memref<4x128xi32, #tpu.memory_space<vmem>> -> memref<1x128xi32, #tpu.memory_space<vmem>>
    %dma_start3A_5 = tpu.memref_squeeze %dma_start3A_4 : memref<1x128xi32, #tpu.memory_space<vmem>> -> memref<128xi32, #tpu.memory_space<vmem>>
    %dma_start3A_6 = arith.constant 0 : i32
    %dma_start3A_7 = tpu.memref_slice %arg11[%dma_start3A, %dma_start3A_6] : memref<4x128xi32, #tpu.memory_space<vmem>> -> memref<1x128xi32, #tpu.memory_space<vmem>>
    %dma_start3A_8 = tpu.memref_squeeze %dma_start3A_7 : memref<1x128xi32, #tpu.memory_space<vmem>> -> memref<128xi32, #tpu.memory_space<vmem>>
    %dma_start3A_9 = arith.constant 0 : i32
    %dma_start3A_10 = tpu.memref_slice %arg4[%dma_start3A_9] : memref<1000000xi32, #tpu.memory_space<hbm>> -> memref<1000000xi32, #tpu.memory_space<hbm>>
    %dma_start3A_11 = tpu.memref_slice %arg20[%dma_start3A_2] : memref<4x!tpu.dma_semaphore, #tpu.memory_space<semaphore_mem>> -> memref<1x!tpu.dma_semaphore, #tpu.memory_space<semaphore_mem>>
    %dma_start3A_12 = tpu.memref_squeeze %dma_start3A_11 : memref<1x!tpu.dma_semaphore, #tpu.memory_space<semaphore_mem>> -> memref<!tpu.dma_semaphore, #tpu.memory_space<semaphore_mem>>
    tpu.enqueue_indirect_dma source(%dma_start3A_10 : memref<1000000xi32, #tpu.memory_space<hbm>>) target(%dma_start3A_5 : memref<128xi32, #tpu.memory_space<vmem>>) offsets(%dma_start3A_8 : memref<128xi32, #tpu.memory_space<vmem>>) semaphore(%dma_start3A_12 : memref<!tpu.dma_semaphore, #tpu.memory_space<semaphore_mem>>)
    %dma_start3A_13 = arith.constant 0 : i32
    %dma_start3A_14 = arith.constant 0 : i32
    %dma_start3A_15 = arith.constant 0 : i32
    %dma_start3A_16 = arith.constant 0 : i32
    %dma_start3A_17 = tpu.memref_slice %arg13[%dma_start3A_14, %dma_start3A_16] : memref<4x128xi32, #tpu.memory_space<vmem>> -> memref<1x128xi32, #tpu.memory_space<vmem>>
    %dma_start3A_18 = tpu.memref_squeeze %dma_start3A_17 : memref<1x128xi32, #tpu.memory_space<vmem>> -> memref<128xi32, #tpu.memory_space<vmem>>
    %dma_start3A_19 = arith.constant 0 : i32
    %dma_start3A_20 = tpu.memref_slice %arg11[%dma_start3A_13, %dma_start3A_19] : memref<4x128xi32, #tpu.memory_space<vmem>> -> memref<1x128xi32, #tpu.memory_space<vmem>>
    %dma_start3A_21 = tpu.memref_squeeze %dma_start3A_20 : memref<1x128xi32, #tpu.memory_space<vmem>> -> memref<128xi32, #tpu.memory_space<vmem>>
    %dma_start3A_22 = arith.constant 0 : i32
    %dma_start3A_23 = tpu.memref_slice %arg5[%dma_start3A_22] : memref<1000000xi32, #tpu.memory_space<hbm>> -> memref<1000000xi32, #tpu.memory_space<hbm>>
    %dma_start3A_24 = tpu.memref_slice %arg20[%dma_start3A_15] : memref<4x!tpu.dma_semaphore, #tpu.memory_space<semaphore_mem>> -> memref<1x!tpu.dma_semaphore, #tpu.memory_space<semaphore_mem>>
    %dma_start3A_25 = tpu.memref_squeeze %dma_start3A_24 : memref<1x!tpu.dma_semaphore, #tpu.memory_space<semaphore_mem>> -> memref<!tpu.dma_semaphore, #tpu.memory_space<semaphore_mem>>
    tpu.enqueue_indirect_dma source(%dma_start3A_23 : memref<1000000xi32, #tpu.memory_space<hbm>>) target(%dma_start3A_18 : memref<128xi32, #tpu.memory_space<vmem>>) offsets(%dma_start3A_21 : memref<128xi32, #tpu.memory_space<vmem>>) semaphore(%dma_start3A_25 : memref<!tpu.dma_semaphore, #tpu.memory_space<semaphore_mem>>)
    %dma_start3A_26 = arith.constant 0 : i32
    %dma_start3A_27 = arith.constant 0 : i32
    %dma_start3A_28 = arith.constant 0 : i32
    %dma_start3A_29 = arith.constant 0 : i32
    %dma_start3A_30 = tpu.memref_slice %arg14[%dma_start3A_27, %dma_start3A_29] : memref<4x128xi32, #tpu.memory_space<vmem>> -> memref<1x128xi32, #tpu.memory_space<vmem>>
    %dma_start3A_31 = tpu.memref_squeeze %dma_start3A_30 : memref<1x128xi32, #tpu.memory_space<vmem>> -> memref<128xi32, #tpu.memory_space<vmem>>
    %dma_start3A_32 = arith.constant 0 : i32
    %dma_start3A_33 = tpu.memref_slice %arg11[%dma_start3A_26, %dma_start3A_32] : memref<4x128xi32, #tpu.memory_space<vmem>> -> memref<1x128xi32, #tpu.memory_space<vmem>>
    %dma_start3A_34 = tpu.memref_squeeze %dma_start3A_33 : memref<1x128xi32, #tpu.memory_space<vmem>> -> memref<128xi32, #tpu.memory_space<vmem>>
    %dma_start3A_35 = arith.constant 0 : i32
    %dma_start3A_36 = tpu.memref_slice %arg6[%dma_start3A_35] : memref<1000000xi32, #tpu.memory_space<hbm>> -> memref<1000000xi32, #tpu.memory_space<hbm>>
    %dma_start3A_37 = tpu.memref_slice %arg20[%dma_start3A_28] : memref<4x!tpu.dma_semaphore, #tpu.memory_space<semaphore_mem>> -> memref<1x!tpu.dma_semaphore, #tpu.memory_space<semaphore_mem>>
    %dma_start3A_38 = tpu.memref_squeeze %dma_start3A_37 : memref<1x!tpu.dma_semaphore, #tpu.memory_space<semaphore_mem>> -> memref<!tpu.dma_semaphore, #tpu.memory_space<semaphore_mem>>
    tpu.enqueue_indirect_dma source(%dma_start3A_36 : memref<1000000xi32, #tpu.memory_space<hbm>>) target(%dma_start3A_31 : memref<128xi32, #tpu.memory_space<vmem>>) offsets(%dma_start3A_34 : memref<128xi32, #tpu.memory_space<vmem>>) semaphore(%dma_start3A_38 : memref<!tpu.dma_semaphore, #tpu.memory_space<semaphore_mem>>)
    %dma_start3A_39 = arith.constant 1 : i32
    %dma_start3A_40 = arith.constant 1 : i32
    %dma_start3A_41 = arith.constant 1 : i32
    %dma_start3A_42 = arith.constant 0 : i32
    %dma_start3A_43 = tpu.memref_slice %arg12[%dma_start3A_40, %dma_start3A_42] : memref<4x128xi32, #tpu.memory_space<vmem>> -> memref<1x128xi32, #tpu.memory_space<vmem>>
    %dma_start3A_44 = tpu.memref_squeeze %dma_start3A_43 : memref<1x128xi32, #tpu.memory_space<vmem>> -> memref<128xi32, #tpu.memory_space<vmem>>
    %dma_start3A_45 = arith.constant 0 : i32
    %dma_start3A_46 = tpu.memref_slice %arg11[%dma_start3A_39, %dma_start3A_45] : memref<4x128xi32, #tpu.memory_space<vmem>> -> memref<1x128xi32, #tpu.memory_space<vmem>>
    %dma_start3A_47 = tpu.memref_squeeze %dma_start3A_46 : memref<1x128xi32, #tpu.memory_space<vmem>> -> memref<128xi32, #tpu.memory_space<vmem>>
    %dma_start3A_48 = arith.constant 0 : i32
    %dma_start3A_49 = tpu.memref_slice %arg4[%dma_start3A_48] : memref<1000000xi32, #tpu.memory_space<hbm>> -> memref<1000000xi32, #tpu.memory_space<hbm>>
    %dma_start3A_50 = tpu.memref_slice %arg20[%dma_start3A_41] : memref<4x!tpu.dma_semaphore, #tpu.memory_space<semaphore_mem>> -> memref<1x!tpu.dma_semaphore, #tpu.memory_space<semaphore_mem>>
    %dma_start3A_51 = tpu.memref_squeeze %dma_start3A_50 : memref<1x!tpu.dma_semaphore, #tpu.memory_space<semaphore_mem>> -> memref<!tpu.dma_semaphore, #tpu.memory_space<semaphore_mem>>
    tpu.enqueue_indirect_dma source(%dma_start3A_49 : memref<1000000xi32, #tpu.memory_space<hbm>>) target(%dma_start3A_44 : memref<128xi32, #tpu.memory_space<vmem>>) offsets(%dma_start3A_47 : memref<128xi32, #tpu.memory_space<vmem>>) semaphore(%dma_start3A_51 : memref<!tpu.dma_semaphore, #tpu.memory_space<semaphore_mem>>)
    %dma_start3A_52 = arith.constant 1 : i32
    %dma_start3A_53 = arith.constant 1 : i32
    %dma_start3A_54 = arith.constant 1 : i32
    %dma_start3A_55 = arith.constant 0 : i32
    %dma_start3A_56 = tpu.memref_slice %arg13[%dma_start3A_53, %dma_start3A_55] : memref<4x128xi32, #tpu.memory_space<vmem>> -> memref<1x128xi32, #tpu.memory_space<vmem>>
    %dma_start3A_57 = tpu.memref_squeeze %dma_start3A_56 : memref<1x128xi32, #tpu.memory_space<vmem>> -> memref<128xi32, #tpu.memory_space<vmem>>
    %dma_start3A_58 = arith.constant 0 : i32
    %dma_start3A_59 = tpu.memref_slice %arg11[%dma_start3A_52, %dma_start3A_58] : memref<4x128xi32, #tpu.memory_space<vmem>> -> memref<1x128xi32, #tpu.memory_space<vmem>>
    %dma_start3A_60 = tpu.memref_squeeze %dma_start3A_59 : memref<1x128xi32, #tpu.memory_space<vmem>> -> memref<128xi32, #tpu.memory_space<vmem>>
    %dma_start3A_61 = arith.constant 0 : i32
    %dma_start3A_62 = tpu.memref_slice %arg5[%dma_start3A_61] : memref<1000000xi32, #tpu.memory_space<hbm>> -> memref<1000000xi32, #tpu.memory_space<hbm>>
    %dma_start3A_63 = tpu.memref_slice %arg20[%dma_start3A_54] : memref<4x!tpu.dma_semaphore, #tpu.memory_space<semaphore_mem>> -> memref<1x!tpu.dma_semaphore, #tpu.memory_space<semaphore_mem>>
    %dma_start3A_64 = tpu.memref_squeeze %dma_start3A_63 : memref<1x!tpu.dma_semaphore, #tpu.memory_space<semaphore_mem>> -> memref<!tpu.dma_semaphore, #tpu.memory_space<semaphore_mem>>
    tpu.enqueue_indirect_dma source(%dma_start3A_62 : memref<1000000xi32, #tpu.memory_space<hbm>>) target(%dma_start3A_57 : memref<128xi32, #tpu.memory_space<vmem>>) offsets(%dma_start3A_60 : memref<128xi32, #tpu.memory_space<vmem>>) semaphore(%dma_start3A_64 : memref<!tpu.dma_semaphore, #tpu.memory_space<semaphore_mem>>)
    %dma_start3A_65 = arith.constant 1 : i32
    %dma_start3A_66 = arith.constant 1 : i32
    %dma_start3A_67 = arith.constant 1 : i32
    %dma_start3A_68 = arith.constant 0 : i32
    %dma_start3A_69 = tpu.memref_slice %arg14[%dma_start3A_66, %dma_start3A_68] : memref<4x128xi32, #tpu.memory_space<vmem>> -> memref<1x128xi32, #tpu.memory_space<vmem>>
    %dma_start3A_70 = tpu.memref_squeeze %dma_start3A_69 : memref<1x128xi32, #tpu.memory_space<vmem>> -> memref<128xi32, #tpu.memory_space<vmem>>
    %dma_start3A_71 = arith.constant 0 : i32
    %dma_start3A_72 = tpu.memref_slice %arg11[%dma_start3A_65, %dma_start3A_71] : memref<4x128xi32, #tpu.memory_space<vmem>> -> memref<1x128xi32, #tpu.memory_space<vmem>>
    %dma_start3A_73 = tpu.memref_squeeze %dma_start3A_72 : memref<1x128xi32, #tpu.memory_space<vmem>> -> memref<128xi32, #tpu.memory_space<vmem>>
    %dma_start3A_74 = arith.constant 0 : i32
    %dma_start3A_75 = tpu.memref_slice %arg6[%dma_start3A_74] : memref<1000000xi32, #tpu.memory_space<hbm>> -> memref<1000000xi32, #tpu.memory_space<hbm>>
    %dma_start3A_76 = tpu.memref_slice %arg20[%dma_start3A_67] : memref<4x!tpu.dma_semaphore, #tpu.memory_space<semaphore_mem>> -> memref<1x!tpu.dma_semaphore, #tpu.memory_space<semaphore_mem>>
    %dma_start3A_77 = tpu.memref_squeeze %dma_start3A_76 : memref<1x!tpu.dma_semaphore, #tpu.memory_space<semaphore_mem>> -> memref<!tpu.dma_semaphore, #tpu.memory_space<semaphore_mem>>
    tpu.enqueue_indirect_dma source(%dma_start3A_75 : memref<1000000xi32, #tpu.memory_space<hbm>>) target(%dma_start3A_70 : memref<128xi32, #tpu.memory_space<vmem>>) offsets(%dma_start3A_73 : memref<128xi32, #tpu.memory_space<vmem>>) semaphore(%dma_start3A_77 : memref<!tpu.dma_semaphore, #tpu.memory_space<semaphore_mem>>)
    %dma_start3A_78 = arith.constant 2 : i32
    %dma_start3A_79 = arith.constant 2 : i32
    %dma_start3A_80 = arith.constant 2 : i32
    %dma_start3A_81 = arith.constant 0 : i32
    %dma_start3A_82 = tpu.memref_slice %arg12[%dma_start3A_79, %dma_start3A_81] : memref<4x128xi32, #tpu.memory_space<vmem>> -> memref<1x128xi32, #tpu.memory_space<vmem>>
    %dma_start3A_83 = tpu.memref_squeeze %dma_start3A_82 : memref<1x128xi32, #tpu.memory_space<vmem>> -> memref<128xi32, #tpu.memory_space<vmem>>
    %dma_start3A_84 = arith.constant 0 : i32
    %dma_start3A_85 = tpu.memref_slice %arg11[%dma_start3A_78, %dma_start3A_84] : memref<4x128xi32, #tpu.memory_space<vmem>> -> memref<1x128xi32, #tpu.memory_space<vmem>>
    %dma_start3A_86 = tpu.memref_squeeze %dma_start3A_85 : memref<1x128xi32, #tpu.memory_space<vmem>> -> memref<128xi32, #tpu.memory_space<vmem>>
    %dma_start3A_87 = arith.constant 0 : i32
    %dma_start3A_88 = tpu.memref_slice %arg4[%dma_start3A_87] : memref<1000000xi32, #tpu.memory_space<hbm>> -> memref<1000000xi32, #tpu.memory_space<hbm>>
    %dma_start3A_89 = tpu.memref_slice %arg20[%dma_start3A_80] : memref<4x!tpu.dma_semaphore, #tpu.memory_space<semaphore_mem>> -> memref<1x!tpu.dma_semaphore, #tpu.memory_space<semaphore_mem>>
    %dma_start3A_90 = tpu.memref_squeeze %dma_start3A_89 : memref<1x!tpu.dma_semaphore, #tpu.memory_space<semaphore_mem>> -> memref<!tpu.dma_semaphore, #tpu.memory_space<semaphore_mem>>
    tpu.enqueue_indirect_dma source(%dma_start3A_88 : memref<1000000xi32, #tpu.memory_space<hbm>>) target(%dma_start3A_83 : memref<128xi32, #tpu.memory_space<vmem>>) offsets(%dma_start3A_86 : memref<128xi32, #tpu.memory_space<vmem>>) semaphore(%dma_start3A_90 : memref<!tpu.dma_semaphore, #tpu.memory_space<semaphore_mem>>)
    %dma_start3A_91 = arith.constant 2 : i32
    %dma_start3A_92 = arith.constant 2 : i32
    %dma_start3A_93 = arith.constant 2 : i32
    %dma_start3A_94 = arith.constant 0 : i32
    %dma_start3A_95 = tpu.memref_slice %arg13[%dma_start3A_92, %dma_start3A_94] : memref<4x128xi32, #tpu.memory_space<vmem>> -> memref<1x128xi32, #tpu.memory_space<vmem>>
    %dma_start3A_96 = tpu.memref_squeeze %dma_start3A_95 : memref<1x128xi32, #tpu.memory_space<vmem>> -> memref<128xi32, #tpu.memory_space<vmem>>
    %dma_start3A_97 = arith.constant 0 : i32
    %dma_start3A_98 = tpu.memref_slice %arg11[%dma_start3A_91, %dma_start3A_97] : memref<4x128xi32, #tpu.memory_space<vmem>> -> memref<1x128xi32, #tpu.memory_space<vmem>>
    %dma_start3A_99 = tpu.memref_squeeze %dma_start3A_98 : memref<1x128xi32, #tpu.memory_space<vmem>> -> memref<128xi32, #tpu.memory_space<vmem>>
    %dma_start3A_100 = arith.constant 0 : i32
    %dma_start3A_101 = tpu.memref_slice %arg5[%dma_start3A_100] : memref<1000000xi32, #tpu.memory_space<hbm>> -> memref<1000000xi32, #tpu.memory_space<hbm>>
    %dma_start3A_102 = tpu.memref_slice %arg20[%dma_start3A_93] : memref<4x!tpu.dma_semaphore, #tpu.memory_space<semaphore_mem>> -> memref<1x!tpu.dma_semaphore, #tpu.memory_space<semaphore_mem>>
    %dma_start3A_103 = tpu.memref_squeeze %dma_start3A_102 : memref<1x!tpu.dma_semaphore, #tpu.memory_space<semaphore_mem>> -> memref<!tpu.dma_semaphore, #tpu.memory_space<semaphore_mem>>
    tpu.enqueue_indirect_dma source(%dma_start3A_101 : memref<1000000xi32, #tpu.memory_space<hbm>>) target(%dma_start3A_96 : memref<128xi32, #tpu.memory_space<vmem>>) offsets(%dma_start3A_99 : memref<128xi32, #tpu.memory_space<vmem>>) semaphore(%dma_start3A_103 : memref<!tpu.dma_semaphore, #tpu.memory_space<semaphore_mem>>)
    %dma_start3A_104 = arith.constant 2 : i32
    %dma_start3A_105 = arith.constant 2 : i32
    %dma_start3A_106 = arith.constant 2 : i32
    %dma_start3A_107 = arith.constant 0 : i32
    %dma_start3A_108 = tpu.memref_slice %arg14[%dma_start3A_105, %dma_start3A_107] : memref<4x128xi32, #tpu.memory_space<vmem>> -> memref<1x128xi32, #tpu.memory_space<vmem>>
    %dma_start3A_109 = tpu.memref_squeeze %dma_start3A_108 : memref<1x128xi32, #tpu.memory_space<vmem>> -> memref<128xi32, #tpu.memory_space<vmem>>
    %dma_start3A_110 = arith.constant 0 : i32
    %dma_start3A_111 = tpu.memref_slice %arg11[%dma_start3A_104, %dma_start3A_110] : memref<4x128xi32, #tpu.memory_space<vmem>> -> memref<1x128xi32, #tpu.memory_space<vmem>>
    %dma_start3A_112 = tpu.memref_squeeze %dma_start3A_111 : memref<1x128xi32, #tpu.memory_space<vmem>> -> memref<128xi32, #tpu.memory_space<vmem>>
    %dma_start3A_113 = arith.constant 0 : i32
    %dma_start3A_114 = tpu.memref_slice %arg6[%dma_start3A_113] : memref<1000000xi32, #tpu.memory_space<hbm>> -> memref<1000000xi32, #tpu.memory_space<hbm>>
    %dma_start3A_115 = tpu.memref_slice %arg20[%dma_start3A_106] : memref<4x!tpu.dma_semaphore, #tpu.memory_space<semaphore_mem>> -> memref<1x!tpu.dma_semaphore, #tpu.memory_space<semaphore_mem>>
    %dma_start3A_116 = tpu.memref_squeeze %dma_start3A_115 : memref<1x!tpu.dma_semaphore, #tpu.memory_space<semaphore_mem>> -> memref<!tpu.dma_semaphore, #tpu.memory_space<semaphore_mem>>
    tpu.enqueue_indirect_dma source(%dma_start3A_114 : memref<1000000xi32, #tpu.memory_space<hbm>>) target(%dma_start3A_109 : memref<128xi32, #tpu.memory_space<vmem>>) offsets(%dma_start3A_112 : memref<128xi32, #tpu.memory_space<vmem>>) semaphore(%dma_start3A_116 : memref<!tpu.dma_semaphore, #tpu.memory_space<semaphore_mem>>)
    %dma_start3A_117 = arith.constant 3 : i32
    %dma_start3A_118 = arith.constant 3 : i32
    %dma_start3A_119 = arith.constant 3 : i32
    %dma_start3A_120 = arith.constant 0 : i32
    %dma_start3A_121 = tpu.memref_slice %arg12[%dma_start3A_118, %dma_start3A_120] : memref<4x128xi32, #tpu.memory_space<vmem>> -> memref<1x128xi32, #tpu.memory_space<vmem>>
    %dma_start3A_122 = tpu.memref_squeeze %dma_start3A_121 : memref<1x128xi32, #tpu.memory_space<vmem>> -> memref<128xi32, #tpu.memory_space<vmem>>
    %dma_start3A_123 = arith.constant 0 : i32
    %dma_start3A_124 = tpu.memref_slice %arg11[%dma_start3A_117, %dma_start3A_123] : memref<4x128xi32, #tpu.memory_space<vmem>> -> memref<1x128xi32, #tpu.memory_space<vmem>>
    %dma_start3A_125 = tpu.memref_squeeze %dma_start3A_124 : memref<1x128xi32, #tpu.memory_space<vmem>> -> memref<128xi32, #tpu.memory_space<vmem>>
    %dma_start3A_126 = arith.constant 0 : i32
    %dma_start3A_127 = tpu.memref_slice %arg4[%dma_start3A_126] : memref<1000000xi32, #tpu.memory_space<hbm>> -> memref<1000000xi32, #tpu.memory_space<hbm>>
    %dma_start3A_128 = tpu.memref_slice %arg20[%dma_start3A_119] : memref<4x!tpu.dma_semaphore, #tpu.memory_space<semaphore_mem>> -> memref<1x!tpu.dma_semaphore, #tpu.memory_space<semaphore_mem>>
    %dma_start3A_129 = tpu.memref_squeeze %dma_start3A_128 : memref<1x!tpu.dma_semaphore, #tpu.memory_space<semaphore_mem>> -> memref<!tpu.dma_semaphore, #tpu.memory_space<semaphore_mem>>
    tpu.enqueue_indirect_dma source(%dma_start3A_127 : memref<1000000xi32, #tpu.memory_space<hbm>>) target(%dma_start3A_122 : memref<128xi32, #tpu.memory_space<vmem>>) offsets(%dma_start3A_125 : memref<128xi32, #tpu.memory_space<vmem>>) semaphore(%dma_start3A_129 : memref<!tpu.dma_semaphore, #tpu.memory_space<semaphore_mem>>)
    %dma_start3A_130 = arith.constant 3 : i32
    %dma_start3A_131 = arith.constant 3 : i32
    %dma_start3A_132 = arith.constant 3 : i32
    %dma_start3A_133 = arith.constant 0 : i32
    %dma_start3A_134 = tpu.memref_slice %arg13[%dma_start3A_131, %dma_start3A_133] : memref<4x128xi32, #tpu.memory_space<vmem>> -> memref<1x128xi32, #tpu.memory_space<vmem>>
    %dma_start3A_135 = tpu.memref_squeeze %dma_start3A_134 : memref<1x128xi32, #tpu.memory_space<vmem>> -> memref<128xi32, #tpu.memory_space<vmem>>
    %dma_start3A_136 = arith.constant 0 : i32
    %dma_start3A_137 = tpu.memref_slice %arg11[%dma_start3A_130, %dma_start3A_136] : memref<4x128xi32, #tpu.memory_space<vmem>> -> memref<1x128xi32, #tpu.memory_space<vmem>>
    %dma_start3A_138 = tpu.memref_squeeze %dma_start3A_137 : memref<1x128xi32, #tpu.memory_space<vmem>> -> memref<128xi32, #tpu.memory_space<vmem>>
    %dma_start3A_139 = arith.constant 0 : i32
    %dma_start3A_140 = tpu.memref_slice %arg5[%dma_start3A_139] : memref<1000000xi32, #tpu.memory_space<hbm>> -> memref<1000000xi32, #tpu.memory_space<hbm>>
    %dma_start3A_141 = tpu.memref_slice %arg20[%dma_start3A_132] : memref<4x!tpu.dma_semaphore, #tpu.memory_space<semaphore_mem>> -> memref<1x!tpu.dma_semaphore, #tpu.memory_space<semaphore_mem>>
    %dma_start3A_142 = tpu.memref_squeeze %dma_start3A_141 : memref<1x!tpu.dma_semaphore, #tpu.memory_space<semaphore_mem>> -> memref<!tpu.dma_semaphore, #tpu.memory_space<semaphore_mem>>
    tpu.enqueue_indirect_dma source(%dma_start3A_140 : memref<1000000xi32, #tpu.memory_space<hbm>>) target(%dma_start3A_135 : memref<128xi32, #tpu.memory_space<vmem>>) offsets(%dma_start3A_138 : memref<128xi32, #tpu.memory_space<vmem>>) semaphore(%dma_start3A_142 : memref<!tpu.dma_semaphore, #tpu.memory_space<semaphore_mem>>)
    %dma_start3A_143 = arith.constant 3 : i32
    %dma_start3A_144 = arith.constant 3 : i32
    %dma_start3A_145 = arith.constant 3 : i32
    %dma_start3A_146 = arith.constant 0 : i32
    %dma_start3A_147 = tpu.memref_slice %arg14[%dma_start3A_144, %dma_start3A_146] : memref<4x128xi32, #tpu.memory_space<vmem>> -> memref<1x128xi32, #tpu.memory_space<vmem>>
    %dma_start3A_148 = tpu.memref_squeeze %dma_start3A_147 : memref<1x128xi32, #tpu.memory_space<vmem>> -> memref<128xi32, #tpu.memory_space<vmem>>
    %dma_start3A_149 = arith.constant 0 : i32
    %dma_start3A_150 = tpu.memref_slice %arg11[%dma_start3A_143, %dma_start3A_149] : memref<4x128xi32, #tpu.memory_space<vmem>> -> memref<1x128xi32, #tpu.memory_space<vmem>>
    %dma_start3A_151 = tpu.memref_squeeze %dma_start3A_150 : memref<1x128xi32, #tpu.memory_space<vmem>> -> memref<128xi32, #tpu.memory_space<vmem>>
    %dma_start3A_152 = arith.constant 0 : i32
    %dma_start3A_153 = tpu.memref_slice %arg6[%dma_start3A_152] : memref<1000000xi32, #tpu.memory_space<hbm>> -> memref<1000000xi32, #tpu.memory_space<hbm>>
    %dma_start3A_154 = tpu.memref_slice %arg20[%dma_start3A_145] : memref<4x!tpu.dma_semaphore, #tpu.memory_space<semaphore_mem>> -> memref<1x!tpu.dma_semaphore, #tpu.memory_space<semaphore_mem>>
    %dma_start3A_155 = tpu.memref_squeeze %dma_start3A_154 : memref<1x!tpu.dma_semaphore, #tpu.memory_space<semaphore_mem>> -> memref<!tpu.dma_semaphore, #tpu.memory_space<semaphore_mem>>
    tpu.enqueue_indirect_dma source(%dma_start3A_153 : memref<1000000xi32, #tpu.memory_space<hbm>>) target(%dma_start3A_148 : memref<128xi32, #tpu.memory_space<vmem>>) offsets(%dma_start3A_151 : memref<128xi32, #tpu.memory_space<vmem>>) semaphore(%dma_start3A_155 : memref<!tpu.dma_semaphore, #tpu.memory_space<semaphore_mem>>)
    %dma_wait3A = arith.constant 0 : i32
    %dma_wait3A_156 = arith.constant 0 : i32
    %dma_wait3A_157 = arith.constant 0 : i32
    %dma_wait3A_158 = arith.constant 0 : i32
    %dma_wait3A_159 = tpu.memref_slice %arg12[%dma_wait3A_156, %dma_wait3A_158] : memref<4x128xi32, #tpu.memory_space<vmem>> -> memref<1x128xi32, #tpu.memory_space<vmem>>
    %dma_wait3A_160 = tpu.memref_squeeze %dma_wait3A_159 : memref<1x128xi32, #tpu.memory_space<vmem>> -> memref<128xi32, #tpu.memory_space<vmem>>
    %dma_wait3A_161 = arith.constant 0 : i32
    %dma_wait3A_162 = tpu.memref_slice %arg11[%dma_wait3A, %dma_wait3A_161] : memref<4x128xi32, #tpu.memory_space<vmem>> -> memref<1x128xi32, #tpu.memory_space<vmem>>
    %dma_wait3A_163 = tpu.memref_squeeze %dma_wait3A_162 : memref<1x128xi32, #tpu.memory_space<vmem>> -> memref<128xi32, #tpu.memory_space<vmem>>
    %dma_wait3A_164 = arith.constant 0 : i32
    %dma_wait3A_165 = tpu.memref_slice %arg4[%dma_wait3A_164] : memref<1000000xi32, #tpu.memory_space<hbm>> -> memref<1000000xi32, #tpu.memory_space<hbm>>
    %dma_wait3A_166 = tpu.memref_slice %arg20[%dma_wait3A_157] : memref<4x!tpu.dma_semaphore, #tpu.memory_space<semaphore_mem>> -> memref<1x!tpu.dma_semaphore, #tpu.memory_space<semaphore_mem>>
    %dma_wait3A_167 = tpu.memref_squeeze %dma_wait3A_166 : memref<1x!tpu.dma_semaphore, #tpu.memory_space<semaphore_mem>> -> memref<!tpu.dma_semaphore, #tpu.memory_space<semaphore_mem>>
    tpu.wait_indirect_dma semaphore(%dma_wait3A_167 : memref<!tpu.dma_semaphore, #tpu.memory_space<semaphore_mem>>) src(%dma_wait3A_165 : memref<1000000xi32, #tpu.memory_space<hbm>>) dst(%dma_wait3A_160 : memref<128xi32, #tpu.memory_space<vmem>>)
    %dma_wait3A_168 = arith.constant 0 : i32
    %dma_wait3A_169 = arith.constant 0 : i32
    %dma_wait3A_170 = arith.constant 0 : i32
    %dma_wait3A_171 = arith.constant 0 : i32
    %dma_wait3A_172 = tpu.memref_slice %arg13[%dma_wait3A_169, %dma_wait3A_171] : memref<4x128xi32, #tpu.memory_space<vmem>> -> memref<1x128xi32, #tpu.memory_space<vmem>>
    %dma_wait3A_173 = tpu.memref_squeeze %dma_wait3A_172 : memref<1x128xi32, #tpu.memory_space<vmem>> -> memref<128xi32, #tpu.memory_space<vmem>>
    %dma_wait3A_174 = arith.constant 0 : i32
    %dma_wait3A_175 = tpu.memref_slice %arg11[%dma_wait3A_168, %dma_wait3A_174] : memref<4x128xi32, #tpu.memory_space<vmem>> -> memref<1x128xi32, #tpu.memory_space<vmem>>
    %dma_wait3A_176 = tpu.memref_squeeze %dma_wait3A_175 : memref<1x128xi32, #tpu.memory_space<vmem>> -> memref<128xi32, #tpu.memory_space<vmem>>
    %dma_wait3A_177 = arith.constant 0 : i32
    %dma_wait3A_178 = tpu.memref_slice %arg5[%dma_wait3A_177] : memref<1000000xi32, #tpu.memory_space<hbm>> -> memref<1000000xi32, #tpu.memory_space<hbm>>
    %dma_wait3A_179 = tpu.memref_slice %arg20[%dma_wait3A_170] : memref<4x!tpu.dma_semaphore, #tpu.memory_space<semaphore_mem>> -> memref<1x!tpu.dma_semaphore, #tpu.memory_space<semaphore_mem>>
    %dma_wait3A_180 = tpu.memref_squeeze %dma_wait3A_179 : memref<1x!tpu.dma_semaphore, #tpu.memory_space<semaphore_mem>> -> memref<!tpu.dma_semaphore, #tpu.memory_space<semaphore_mem>>
    tpu.wait_indirect_dma semaphore(%dma_wait3A_180 : memref<!tpu.dma_semaphore, #tpu.memory_space<semaphore_mem>>) src(%dma_wait3A_178 : memref<1000000xi32, #tpu.memory_space<hbm>>) dst(%dma_wait3A_173 : memref<128xi32, #tpu.memory_space<vmem>>)
    %dma_wait3A_181 = arith.constant 0 : i32
    %dma_wait3A_182 = arith.constant 0 : i32
    %dma_wait3A_183 = arith.constant 0 : i32
    %dma_wait3A_184 = arith.constant 0 : i32
    %dma_wait3A_185 = tpu.memref_slice %arg14[%dma_wait3A_182, %dma_wait3A_184] : memref<4x128xi32, #tpu.memory_space<vmem>> -> memref<1x128xi32, #tpu.memory_space<vmem>>
    %dma_wait3A_186 = tpu.memref_squeeze %dma_wait3A_185 : memref<1x128xi32, #tpu.memory_space<vmem>> -> memref<128xi32, #tpu.memory_space<vmem>>
    %dma_wait3A_187 = arith.constant 0 : i32
    %dma_wait3A_188 = tpu.memref_slice %arg11[%dma_wait3A_181, %dma_wait3A_187] : memref<4x128xi32, #tpu.memory_space<vmem>> -> memref<1x128xi32, #tpu.memory_space<vmem>>
    %dma_wait3A_189 = tpu.memref_squeeze %dma_wait3A_188 : memref<1x128xi32, #tpu.memory_space<vmem>> -> memref<128xi32, #tpu.memory_space<vmem>>
    %dma_wait3A_190 = arith.constant 0 : i32
    %dma_wait3A_191 = tpu.memref_slice %arg6[%dma_wait3A_190] : memref<1000000xi32, #tpu.memory_space<hbm>> -> memref<1000000xi32, #tpu.memory_space<hbm>>
    %dma_wait3A_192 = tpu.memref_slice %arg20[%dma_wait3A_183] : memref<4x!tpu.dma_semaphore, #tpu.memory_space<semaphore_mem>> -> memref<1x!tpu.dma_semaphore, #tpu.memory_space<semaphore_mem>>
    %dma_wait3A_193 = tpu.memref_squeeze %dma_wait3A_192 : memref<1x!tpu.dma_semaphore, #tpu.memory_space<semaphore_mem>> -> memref<!tpu.dma_semaphore, #tpu.memory_space<semaphore_mem>>
    tpu.wait_indirect_dma semaphore(%dma_wait3A_193 : memref<!tpu.dma_semaphore, #tpu.memory_space<semaphore_mem>>) src(%dma_wait3A_191 : memref<1000000xi32, #tpu.memory_space<hbm>>) dst(%dma_wait3A_186 : memref<128xi32, #tpu.memory_space<vmem>>)
    %dma_start3A_194 = arith.constant 0 : i32
    %dma_start3A_195 = arith.constant 0 : i32
    %dma_start3A_196 = arith.constant 0 : i32
    %dma_start3A_197 = arith.constant 0 : i32
    %dma_start3A_198 = arith.constant 0 : i32
    %dma_start3A_199 = tpu.memref_slice %arg15[%dma_start3A_196, %dma_start3A_198] : memref<4x128xf32, #tpu.memory_space<vmem>> -> memref<1x128xf32, #tpu.memory_space<vmem>>
    %dma_start3A_200 = tpu.memref_squeeze %dma_start3A_199 : memref<1x128xf32, #tpu.memory_space<vmem>> -> memref<128xf32, #tpu.memory_space<vmem>>
    %dma_start3A_201 = arith.constant 0 : i32
    %dma_start3A_202 = tpu.memref_slice %arg12[%dma_start3A_195, %dma_start3A_201] : memref<4x128xi32, #tpu.memory_space<vmem>> -> memref<1x128xi32, #tpu.memory_space<vmem>>
    %dma_start3A_203 = tpu.memref_squeeze %dma_start3A_202 : memref<1x128xi32, #tpu.memory_space<vmem>> -> memref<128xi32, #tpu.memory_space<vmem>>
    %dma_start3A_204 = arith.constant 0 : i32
    %dma_start3A_205 = tpu.memref_slice %arg7[%dma_start3A_194, %dma_start3A_204] : memref<1x1000000xf32, #tpu.memory_space<hbm>> -> memref<1x1000000xf32, #tpu.memory_space<hbm>>
    %dma_start3A_206 = tpu.memref_squeeze %dma_start3A_205 : memref<1x1000000xf32, #tpu.memory_space<hbm>> -> memref<1000000xf32, #tpu.memory_space<hbm>>
    %dma_start3A_207 = arith.constant 0 : i32
    %dma_start3A_208 = tpu.memref_slice %dma_start3A_206[%dma_start3A_207] : memref<1000000xf32, #tpu.memory_space<hbm>> -> memref<1000000xf32, #tpu.memory_space<hbm>>
    %dma_start3A_209 = tpu.memref_slice %arg20[%dma_start3A_197] : memref<4x!tpu.dma_semaphore, #tpu.memory_space<semaphore_mem>> -> memref<1x!tpu.dma_semaphore, #tpu.memory_space<semaphore_mem>>
    %dma_start3A_210 = tpu.memref_squeeze %dma_start3A_209 : memref<1x!tpu.dma_semaphore, #tpu.memory_space<semaphore_mem>> -> memref<!tpu.dma_semaphore, #tpu.memory_space<semaphore_mem>>
    tpu.enqueue_indirect_dma source(%dma_start3A_208 : memref<1000000xf32, #tpu.memory_space<hbm>>) target(%dma_start3A_200 : memref<128xf32, #tpu.memory_space<vmem>>) offsets(%dma_start3A_203 : memref<128xi32, #tpu.memory_space<vmem>>) semaphore(%dma_start3A_210 : memref<!tpu.dma_semaphore, #tpu.memory_space<semaphore_mem>>)
    %dma_start3A_211 = arith.constant 0 : i32
    %dma_start3A_212 = arith.constant 0 : i32
    %dma_start3A_213 = arith.constant 0 : i32
    %dma_start3A_214 = arith.constant 0 : i32
    %dma_start3A_215 = arith.constant 0 : i32
    %dma_start3A_216 = tpu.memref_slice %arg16[%dma_start3A_213, %dma_start3A_215] : memref<4x128xf32, #tpu.memory_space<vmem>> -> memref<1x128xf32, #tpu.memory_space<vmem>>
    %dma_start3A_217 = tpu.memref_squeeze %dma_start3A_216 : memref<1x128xf32, #tpu.memory_space<vmem>> -> memref<128xf32, #tpu.memory_space<vmem>>
    %dma_start3A_218 = arith.constant 0 : i32
    %dma_start3A_219 = tpu.memref_slice %arg13[%dma_start3A_212, %dma_start3A_218] : memref<4x128xi32, #tpu.memory_space<vmem>> -> memref<1x128xi32, #tpu.memory_space<vmem>>
    %dma_start3A_220 = tpu.memref_squeeze %dma_start3A_219 : memref<1x128xi32, #tpu.memory_space<vmem>> -> memref<128xi32, #tpu.memory_space<vmem>>
    %dma_start3A_221 = arith.constant 0 : i32
    %dma_start3A_222 = tpu.memref_slice %arg8[%dma_start3A_211, %dma_start3A_221] : memref<1x1000000xf32, #tpu.memory_space<hbm>> -> memref<1x1000000xf32, #tpu.memory_space<hbm>>
    %dma_start3A_223 = tpu.memref_squeeze %dma_start3A_222 : memref<1x1000000xf32, #tpu.memory_space<hbm>> -> memref<1000000xf32, #tpu.memory_space<hbm>>
    %dma_start3A_224 = arith.constant 0 : i32
    %dma_start3A_225 = tpu.memref_slice %dma_start3A_223[%dma_start3A_224] : memref<1000000xf32, #tpu.memory_space<hbm>> -> memref<1000000xf32, #tpu.memory_space<hbm>>
    %dma_start3A_226 = tpu.memref_slice %arg20[%dma_start3A_214] : memref<4x!tpu.dma_semaphore, #tpu.memory_space<semaphore_mem>> -> memref<1x!tpu.dma_semaphore, #tpu.memory_space<semaphore_mem>>
    %dma_start3A_227 = tpu.memref_squeeze %dma_start3A_226 : memref<1x!tpu.dma_semaphore, #tpu.memory_space<semaphore_mem>> -> memref<!tpu.dma_semaphore, #tpu.memory_space<semaphore_mem>>
    tpu.enqueue_indirect_dma source(%dma_start3A_225 : memref<1000000xf32, #tpu.memory_space<hbm>>) target(%dma_start3A_217 : memref<128xf32, #tpu.memory_space<vmem>>) offsets(%dma_start3A_220 : memref<128xi32, #tpu.memory_space<vmem>>) semaphore(%dma_start3A_227 : memref<!tpu.dma_semaphore, #tpu.memory_space<semaphore_mem>>)
    %dma_start3A_228 = arith.constant 0 : i32
    %dma_start3A_229 = arith.constant 0 : i32
    %dma_start3A_230 = arith.constant 0 : i32
    %dma_start3A_231 = arith.constant 0 : i32
    %dma_start3A_232 = arith.constant 0 : i32
    %dma_start3A_233 = tpu.memref_slice %arg17[%dma_start3A_230, %dma_start3A_232] : memref<4x128xf32, #tpu.memory_space<vmem>> -> memref<1x128xf32, #tpu.memory_space<vmem>>
    %dma_start3A_234 = tpu.memref_squeeze %dma_start3A_233 : memref<1x128xf32, #tpu.memory_space<vmem>> -> memref<128xf32, #tpu.memory_space<vmem>>
    %dma_start3A_235 = arith.constant 0 : i32
    %dma_start3A_236 = tpu.memref_slice %arg14[%dma_start3A_229, %dma_start3A_235] : memref<4x128xi32, #tpu.memory_space<vmem>> -> memref<1x128xi32, #tpu.memory_space<vmem>>
    %dma_start3A_237 = tpu.memref_squeeze %dma_start3A_236 : memref<1x128xi32, #tpu.memory_space<vmem>> -> memref<128xi32, #tpu.memory_space<vmem>>
    %dma_start3A_238 = arith.constant 0 : i32
    %dma_start3A_239 = tpu.memref_slice %arg9[%dma_start3A_228, %dma_start3A_238] : memref<1x1000000xf32, #tpu.memory_space<hbm>> -> memref<1x1000000xf32, #tpu.memory_space<hbm>>
    %dma_start3A_240 = tpu.memref_squeeze %dma_start3A_239 : memref<1x1000000xf32, #tpu.memory_space<hbm>> -> memref<1000000xf32, #tpu.memory_space<hbm>>
    %dma_start3A_241 = arith.constant 0 : i32
    %dma_start3A_242 = tpu.memref_slice %dma_start3A_240[%dma_start3A_241] : memref<1000000xf32, #tpu.memory_space<hbm>> -> memref<1000000xf32, #tpu.memory_space<hbm>>
    %dma_start3A_243 = tpu.memref_slice %arg20[%dma_start3A_231] : memref<4x!tpu.dma_semaphore, #tpu.memory_space<semaphore_mem>> -> memref<1x!tpu.dma_semaphore, #tpu.memory_space<semaphore_mem>>
    %dma_start3A_244 = tpu.memref_squeeze %dma_start3A_243 : memref<1x!tpu.dma_semaphore, #tpu.memory_space<semaphore_mem>> -> memref<!tpu.dma_semaphore, #tpu.memory_space<semaphore_mem>>
    tpu.enqueue_indirect_dma source(%dma_start3A_242 : memref<1000000xf32, #tpu.memory_space<hbm>>) target(%dma_start3A_234 : memref<128xf32, #tpu.memory_space<vmem>>) offsets(%dma_start3A_237 : memref<128xi32, #tpu.memory_space<vmem>>) semaphore(%dma_start3A_244 : memref<!tpu.dma_semaphore, #tpu.memory_space<semaphore_mem>>)
    %dma_wait3A_245 = arith.constant 1 : i32
    %dma_wait3A_246 = arith.constant 1 : i32
    %dma_wait3A_247 = arith.constant 1 : i32
    %dma_wait3A_248 = arith.constant 0 : i32
    %dma_wait3A_249 = tpu.memref_slice %arg12[%dma_wait3A_246, %dma_wait3A_248] : memref<4x128xi32, #tpu.memory_space<vmem>> -> memref<1x128xi32, #tpu.memory_space<vmem>>
    %dma_wait3A_250 = tpu.memref_squeeze %dma_wait3A_249 : memref<1x128xi32, #tpu.memory_space<vmem>> -> memref<128xi32, #tpu.memory_space<vmem>>
    %dma_wait3A_251 = arith.constant 0 : i32
    %dma_wait3A_252 = tpu.memref_slice %arg11[%dma_wait3A_245, %dma_wait3A_251] : memref<4x128xi32, #tpu.memory_space<vmem>> -> memref<1x128xi32, #tpu.memory_space<vmem>>
    %dma_wait3A_253 = tpu.memref_squeeze %dma_wait3A_252 : memref<1x128xi32, #tpu.memory_space<vmem>> -> memref<128xi32, #tpu.memory_space<vmem>>
    %dma_wait3A_254 = arith.constant 0 : i32
    %dma_wait3A_255 = tpu.memref_slice %arg4[%dma_wait3A_254] : memref<1000000xi32, #tpu.memory_space<hbm>> -> memref<1000000xi32, #tpu.memory_space<hbm>>
    %dma_wait3A_256 = tpu.memref_slice %arg20[%dma_wait3A_247] : memref<4x!tpu.dma_semaphore, #tpu.memory_space<semaphore_mem>> -> memref<1x!tpu.dma_semaphore, #tpu.memory_space<semaphore_mem>>
    %dma_wait3A_257 = tpu.memref_squeeze %dma_wait3A_256 : memref<1x!tpu.dma_semaphore, #tpu.memory_space<semaphore_mem>> -> memref<!tpu.dma_semaphore, #tpu.memory_space<semaphore_mem>>
    tpu.wait_indirect_dma semaphore(%dma_wait3A_257 : memref<!tpu.dma_semaphore, #tpu.memory_space<semaphore_mem>>) src(%dma_wait3A_255 : memref<1000000xi32, #tpu.memory_space<hbm>>) dst(%dma_wait3A_250 : memref<128xi32, #tpu.memory_space<vmem>>)
    %dma_wait3A_258 = arith.constant 1 : i32
    %dma_wait3A_259 = arith.constant 1 : i32
    %dma_wait3A_260 = arith.constant 1 : i32
    %dma_wait3A_261 = arith.constant 0 : i32
    %dma_wait3A_262 = tpu.memref_slice %arg13[%dma_wait3A_259, %dma_wait3A_261] : memref<4x128xi32, #tpu.memory_space<vmem>> -> memref<1x128xi32, #tpu.memory_space<vmem>>
    %dma_wait3A_263 = tpu.memref_squeeze %dma_wait3A_262 : memref<1x128xi32, #tpu.memory_space<vmem>> -> memref<128xi32, #tpu.memory_space<vmem>>
    %dma_wait3A_264 = arith.constant 0 : i32
    %dma_wait3A_265 = tpu.memref_slice %arg11[%dma_wait3A_258, %dma_wait3A_264] : memref<4x128xi32, #tpu.memory_space<vmem>> -> memref<1x128xi32, #tpu.memory_space<vmem>>
    %dma_wait3A_266 = tpu.memref_squeeze %dma_wait3A_265 : memref<1x128xi32, #tpu.memory_space<vmem>> -> memref<128xi32, #tpu.memory_space<vmem>>
    %dma_wait3A_267 = arith.constant 0 : i32
    %dma_wait3A_268 = tpu.memref_slice %arg5[%dma_wait3A_267] : memref<1000000xi32, #tpu.memory_space<hbm>> -> memref<1000000xi32, #tpu.memory_space<hbm>>
    %dma_wait3A_269 = tpu.memref_slice %arg20[%dma_wait3A_260] : memref<4x!tpu.dma_semaphore, #tpu.memory_space<semaphore_mem>> -> memref<1x!tpu.dma_semaphore, #tpu.memory_space<semaphore_mem>>
    %dma_wait3A_270 = tpu.memref_squeeze %dma_wait3A_269 : memref<1x!tpu.dma_semaphore, #tpu.memory_space<semaphore_mem>> -> memref<!tpu.dma_semaphore, #tpu.memory_space<semaphore_mem>>
    tpu.wait_indirect_dma semaphore(%dma_wait3A_270 : memref<!tpu.dma_semaphore, #tpu.memory_space<semaphore_mem>>) src(%dma_wait3A_268 : memref<1000000xi32, #tpu.memory_space<hbm>>) dst(%dma_wait3A_263 : memref<128xi32, #tpu.memory_space<vmem>>)
    %dma_wait3A_271 = arith.constant 1 : i32
    %dma_wait3A_272 = arith.constant 1 : i32
    %dma_wait3A_273 = arith.constant 1 : i32
    %dma_wait3A_274 = arith.constant 0 : i32
    %dma_wait3A_275 = tpu.memref_slice %arg14[%dma_wait3A_272, %dma_wait3A_274] : memref<4x128xi32, #tpu.memory_space<vmem>> -> memref<1x128xi32, #tpu.memory_space<vmem>>
    %dma_wait3A_276 = tpu.memref_squeeze %dma_wait3A_275 : memref<1x128xi32, #tpu.memory_space<vmem>> -> memref<128xi32, #tpu.memory_space<vmem>>
    %dma_wait3A_277 = arith.constant 0 : i32
    %dma_wait3A_278 = tpu.memref_slice %arg11[%dma_wait3A_271, %dma_wait3A_277] : memref<4x128xi32, #tpu.memory_space<vmem>> -> memref<1x128xi32, #tpu.memory_space<vmem>>
    %dma_wait3A_279 = tpu.memref_squeeze %dma_wait3A_278 : memref<1x128xi32, #tpu.memory_space<vmem>> -> memref<128xi32, #tpu.memory_space<vmem>>
    %dma_wait3A_280 = arith.constant 0 : i32
    %dma_wait3A_281 = tpu.memref_slice %arg6[%dma_wait3A_280] : memref<1000000xi32, #tpu.memory_space<hbm>> -> memref<1000000xi32, #tpu.memory_space<hbm>>
    %dma_wait3A_282 = tpu.memref_slice %arg20[%dma_wait3A_273] : memref<4x!tpu.dma_semaphore, #tpu.memory_space<semaphore_mem>> -> memref<1x!tpu.dma_semaphore, #tpu.memory_space<semaphore_mem>>
    %dma_wait3A_283 = tpu.memref_squeeze %dma_wait3A_282 : memref<1x!tpu.dma_semaphore, #tpu.memory_space<semaphore_mem>> -> memref<!tpu.dma_semaphore, #tpu.memory_space<semaphore_mem>>
    tpu.wait_indirect_dma semaphore(%dma_wait3A_283 : memref<!tpu.dma_semaphore, #tpu.memory_space<semaphore_mem>>) src(%dma_wait3A_281 : memref<1000000xi32, #tpu.memory_space<hbm>>) dst(%dma_wait3A_276 : memref<128xi32, #tpu.memory_space<vmem>>)
    %dma_start3A_284 = arith.constant 0 : i32
    %dma_start3A_285 = arith.constant 1 : i32
    %dma_start3A_286 = arith.constant 1 : i32
    %dma_start3A_287 = arith.constant 1 : i32
    %dma_start3A_288 = arith.constant 0 : i32
    %dma_start3A_289 = tpu.memref_slice %arg15[%dma_start3A_286, %dma_start3A_288] : memref<4x128xf32, #tpu.memory_space<vmem>> -> memref<1x128xf32, #tpu.memory_space<vmem>>
    %dma_start3A_290 = tpu.memref_squeeze %dma_start3A_289 : memref<1x128xf32, #tpu.memory_space<vmem>> -> memref<128xf32, #tpu.memory_space<vmem>>
    %dma_start3A_291 = arith.constant 0 : i32
    %dma_start3A_292 = tpu.memref_slice %arg12[%dma_start3A_285, %dma_start3A_291] : memref<4x128xi32, #tpu.memory_space<vmem>> -> memref<1x128xi32, #tpu.memory_space<vmem>>
    %dma_start3A_293 = tpu.memref_squeeze %dma_start3A_292 : memref<1x128xi32, #tpu.memory_space<vmem>> -> memref<128xi32, #tpu.memory_space<vmem>>
    %dma_start3A_294 = arith.constant 0 : i32
    %dma_start3A_295 = tpu.memref_slice %arg7[%dma_start3A_284, %dma_start3A_294] : memref<1x1000000xf32, #tpu.memory_space<hbm>> -> memref<1x1000000xf32, #tpu.memory_space<hbm>>
    %dma_start3A_296 = tpu.memref_squeeze %dma_start3A_295 : memref<1x1000000xf32, #tpu.memory_space<hbm>> -> memref<1000000xf32, #tpu.memory_space<hbm>>
    %dma_start3A_297 = arith.constant 0 : i32
    %dma_start3A_298 = tpu.memref_slice %dma_start3A_296[%dma_start3A_297] : memref<1000000xf32, #tpu.memory_space<hbm>> -> memref<1000000xf32, #tpu.memory_space<hbm>>
    %dma_start3A_299 = tpu.memref_slice %arg20[%dma_start3A_287] : memref<4x!tpu.dma_semaphore, #tpu.memory_space<semaphore_mem>> -> memref<1x!tpu.dma_semaphore, #tpu.memory_space<semaphore_mem>>
    %dma_start3A_300 = tpu.memref_squeeze %dma_start3A_299 : memref<1x!tpu.dma_semaphore, #tpu.memory_space<semaphore_mem>> -> memref<!tpu.dma_semaphore, #tpu.memory_space<semaphore_mem>>
    tpu.enqueue_indirect_dma source(%dma_start3A_298 : memref<1000000xf32, #tpu.memory_space<hbm>>) target(%dma_start3A_290 : memref<128xf32, #tpu.memory_space<vmem>>) offsets(%dma_start3A_293 : memref<128xi32, #tpu.memory_space<vmem>>) semaphore(%dma_start3A_300 : memref<!tpu.dma_semaphore, #tpu.memory_space<semaphore_mem>>)
    %dma_start3A_301 = arith.constant 0 : i32
    %dma_start3A_302 = arith.constant 1 : i32
    %dma_start3A_303 = arith.constant 1 : i32
    %dma_start3A_304 = arith.constant 1 : i32
    %dma_start3A_305 = arith.constant 0 : i32
    %dma_start3A_306 = tpu.memref_slice %arg16[%dma_start3A_303, %dma_start3A_305] : memref<4x128xf32, #tpu.memory_space<vmem>> -> memref<1x128xf32, #tpu.memory_space<vmem>>
    %dma_start3A_307 = tpu.memref_squeeze %dma_start3A_306 : memref<1x128xf32, #tpu.memory_space<vmem>> -> memref<128xf32, #tpu.memory_space<vmem>>
    %dma_start3A_308 = arith.constant 0 : i32
    %dma_start3A_309 = tpu.memref_slice %arg13[%dma_start3A_302, %dma_start3A_308] : memref<4x128xi32, #tpu.memory_space<vmem>> -> memref<1x128xi32, #tpu.memory_space<vmem>>
    %dma_start3A_310 = tpu.memref_squeeze %dma_start3A_309 : memref<1x128xi32, #tpu.memory_space<vmem>> -> memref<128xi32, #tpu.memory_space<vmem>>
    %dma_start3A_311 = arith.constant 0 : i32
    %dma_start3A_312 = tpu.memref_slice %arg8[%dma_start3A_301, %dma_start3A_311] : memref<1x1000000xf32, #tpu.memory_space<hbm>> -> memref<1x1000000xf32, #tpu.memory_space<hbm>>
    %dma_start3A_313 = tpu.memref_squeeze %dma_start3A_312 : memref<1x1000000xf32, #tpu.memory_space<hbm>> -> memref<1000000xf32, #tpu.memory_space<hbm>>
    %dma_start3A_314 = arith.constant 0 : i32
    %dma_start3A_315 = tpu.memref_slice %dma_start3A_313[%dma_start3A_314] : memref<1000000xf32, #tpu.memory_space<hbm>> -> memref<1000000xf32, #tpu.memory_space<hbm>>
    %dma_start3A_316 = tpu.memref_slice %arg20[%dma_start3A_304] : memref<4x!tpu.dma_semaphore, #tpu.memory_space<semaphore_mem>> -> memref<1x!tpu.dma_semaphore, #tpu.memory_space<semaphore_mem>>
    %dma_start3A_317 = tpu.memref_squeeze %dma_start3A_316 : memref<1x!tpu.dma_semaphore, #tpu.memory_space<semaphore_mem>> -> memref<!tpu.dma_semaphore, #tpu.memory_space<semaphore_mem>>
    tpu.enqueue_indirect_dma source(%dma_start3A_315 : memref<1000000xf32, #tpu.memory_space<hbm>>) target(%dma_start3A_307 : memref<128xf32, #tpu.memory_space<vmem>>) offsets(%dma_start3A_310 : memref<128xi32, #tpu.memory_space<vmem>>) semaphore(%dma_start3A_317 : memref<!tpu.dma_semaphore, #tpu.memory_space<semaphore_mem>>)
    %dma_start3A_318 = arith.constant 0 : i32
    %dma_start3A_319 = arith.constant 1 : i32
    %dma_start3A_320 = arith.constant 1 : i32
    %dma_start3A_321 = arith.constant 1 : i32
    %dma_start3A_322 = arith.constant 0 : i32
    %dma_start3A_323 = tpu.memref_slice %arg17[%dma_start3A_320, %dma_start3A_322] : memref<4x128xf32, #tpu.memory_space<vmem>> -> memref<1x128xf32, #tpu.memory_space<vmem>>
    %dma_start3A_324 = tpu.memref_squeeze %dma_start3A_323 : memref<1x128xf32, #tpu.memory_space<vmem>> -> memref<128xf32, #tpu.memory_space<vmem>>
    %dma_start3A_325 = arith.constant 0 : i32
    %dma_start3A_326 = tpu.memref_slice %arg14[%dma_start3A_319, %dma_start3A_325] : memref<4x128xi32, #tpu.memory_space<vmem>> -> memref<1x128xi32, #tpu.memory_space<vmem>>
    %dma_start3A_327 = tpu.memref_squeeze %dma_start3A_326 : memref<1x128xi32, #tpu.memory_space<vmem>> -> memref<128xi32, #tpu.memory_space<vmem>>
    %dma_start3A_328 = arith.constant 0 : i32
    %dma_start3A_329 = tpu.memref_slice %arg9[%dma_start3A_318, %dma_start3A_328] : memref<1x1000000xf32, #tpu.memory_space<hbm>> -> memref<1x1000000xf32, #tpu.memory_space<hbm>>
    %dma_start3A_330 = tpu.memref_squeeze %dma_start3A_329 : memref<1x1000000xf32, #tpu.memory_space<hbm>> -> memref<1000000xf32, #tpu.memory_space<hbm>>
    %dma_start3A_331 = arith.constant 0 : i32
    %dma_start3A_332 = tpu.memref_slice %dma_start3A_330[%dma_start3A_331] : memref<1000000xf32, #tpu.memory_space<hbm>> -> memref<1000000xf32, #tpu.memory_space<hbm>>
    %dma_start3A_333 = tpu.memref_slice %arg20[%dma_start3A_321] : memref<4x!tpu.dma_semaphore, #tpu.memory_space<semaphore_mem>> -> memref<1x!tpu.dma_semaphore, #tpu.memory_space<semaphore_mem>>
    %dma_start3A_334 = tpu.memref_squeeze %dma_start3A_333 : memref<1x!tpu.dma_semaphore, #tpu.memory_space<semaphore_mem>> -> memref<!tpu.dma_semaphore, #tpu.memory_space<semaphore_mem>>
    tpu.enqueue_indirect_dma source(%dma_start3A_332 : memref<1000000xf32, #tpu.memory_space<hbm>>) target(%dma_start3A_324 : memref<128xf32, #tpu.memory_space<vmem>>) offsets(%dma_start3A_327 : memref<128xi32, #tpu.memory_space<vmem>>) semaphore(%dma_start3A_334 : memref<!tpu.dma_semaphore, #tpu.memory_space<semaphore_mem>>)
    %dma_wait3A_335 = arith.constant 2 : i32
    %dma_wait3A_336 = arith.constant 2 : i32
    %dma_wait3A_337 = arith.constant 2 : i32
    %dma_wait3A_338 = arith.constant 0 : i32
    %dma_wait3A_339 = tpu.memref_slice %arg12[%dma_wait3A_336, %dma_wait3A_338] : memref<4x128xi32, #tpu.memory_space<vmem>> -> memref<1x128xi32, #tpu.memory_space<vmem>>
    %dma_wait3A_340 = tpu.memref_squeeze %dma_wait3A_339 : memref<1x128xi32, #tpu.memory_space<vmem>> -> memref<128xi32, #tpu.memory_space<vmem>>
    %dma_wait3A_341 = arith.constant 0 : i32
    %dma_wait3A_342 = tpu.memref_slice %arg11[%dma_wait3A_335, %dma_wait3A_341] : memref<4x128xi32, #tpu.memory_space<vmem>> -> memref<1x128xi32, #tpu.memory_space<vmem>>
    %dma_wait3A_343 = tpu.memref_squeeze %dma_wait3A_342 : memref<1x128xi32, #tpu.memory_space<vmem>> -> memref<128xi32, #tpu.memory_space<vmem>>
    %dma_wait3A_344 = arith.constant 0 : i32
    %dma_wait3A_345 = tpu.memref_slice %arg4[%dma_wait3A_344] : memref<1000000xi32, #tpu.memory_space<hbm>> -> memref<1000000xi32, #tpu.memory_space<hbm>>
    %dma_wait3A_346 = tpu.memref_slice %arg20[%dma_wait3A_337] : memref<4x!tpu.dma_semaphore, #tpu.memory_space<semaphore_mem>> -> memref<1x!tpu.dma_semaphore, #tpu.memory_space<semaphore_mem>>
    %dma_wait3A_347 = tpu.memref_squeeze %dma_wait3A_346 : memref<1x!tpu.dma_semaphore, #tpu.memory_space<semaphore_mem>> -> memref<!tpu.dma_semaphore, #tpu.memory_space<semaphore_mem>>
    tpu.wait_indirect_dma semaphore(%dma_wait3A_347 : memref<!tpu.dma_semaphore, #tpu.memory_space<semaphore_mem>>) src(%dma_wait3A_345 : memref<1000000xi32, #tpu.memory_space<hbm>>) dst(%dma_wait3A_340 : memref<128xi32, #tpu.memory_space<vmem>>)
    %dma_wait3A_348 = arith.constant 2 : i32
    %dma_wait3A_349 = arith.constant 2 : i32
    %dma_wait3A_350 = arith.constant 2 : i32
    %dma_wait3A_351 = arith.constant 0 : i32
    %dma_wait3A_352 = tpu.memref_slice %arg13[%dma_wait3A_349, %dma_wait3A_351] : memref<4x128xi32, #tpu.memory_space<vmem>> -> memref<1x128xi32, #tpu.memory_space<vmem>>
    %dma_wait3A_353 = tpu.memref_squeeze %dma_wait3A_352 : memref<1x128xi32, #tpu.memory_space<vmem>> -> memref<128xi32, #tpu.memory_space<vmem>>
    %dma_wait3A_354 = arith.constant 0 : i32
    %dma_wait3A_355 = tpu.memref_slice %arg11[%dma_wait3A_348, %dma_wait3A_354] : memref<4x128xi32, #tpu.memory_space<vmem>> -> memref<1x128xi32, #tpu.memory_space<vmem>>
    %dma_wait3A_356 = tpu.memref_squeeze %dma_wait3A_355 : memref<1x128xi32, #tpu.memory_space<vmem>> -> memref<128xi32, #tpu.memory_space<vmem>>
    %dma_wait3A_357 = arith.constant 0 : i32
    %dma_wait3A_358 = tpu.memref_slice %arg5[%dma_wait3A_357] : memref<1000000xi32, #tpu.memory_space<hbm>> -> memref<1000000xi32, #tpu.memory_space<hbm>>
    %dma_wait3A_359 = tpu.memref_slice %arg20[%dma_wait3A_350] : memref<4x!tpu.dma_semaphore, #tpu.memory_space<semaphore_mem>> -> memref<1x!tpu.dma_semaphore, #tpu.memory_space<semaphore_mem>>
    %dma_wait3A_360 = tpu.memref_squeeze %dma_wait3A_359 : memref<1x!tpu.dma_semaphore, #tpu.memory_space<semaphore_mem>> -> memref<!tpu.dma_semaphore, #tpu.memory_space<semaphore_mem>>
    tpu.wait_indirect_dma semaphore(%dma_wait3A_360 : memref<!tpu.dma_semaphore, #tpu.memory_space<semaphore_mem>>) src(%dma_wait3A_358 : memref<1000000xi32, #tpu.memory_space<hbm>>) dst(%dma_wait3A_353 : memref<128xi32, #tpu.memory_space<vmem>>)
    %dma_wait3A_361 = arith.constant 2 : i32
    %dma_wait3A_362 = arith.constant 2 : i32
    %dma_wait3A_363 = arith.constant 2 : i32
    %dma_wait3A_364 = arith.constant 0 : i32
    %dma_wait3A_365 = tpu.memref_slice %arg14[%dma_wait3A_362, %dma_wait3A_364] : memref<4x128xi32, #tpu.memory_space<vmem>> -> memref<1x128xi32, #tpu.memory_space<vmem>>
    %dma_wait3A_366 = tpu.memref_squeeze %dma_wait3A_365 : memref<1x128xi32, #tpu.memory_space<vmem>> -> memref<128xi32, #tpu.memory_space<vmem>>
    %dma_wait3A_367 = arith.constant 0 : i32
    %dma_wait3A_368 = tpu.memref_slice %arg11[%dma_wait3A_361, %dma_wait3A_367] : memref<4x128xi32, #tpu.memory_space<vmem>> -> memref<1x128xi32, #tpu.memory_space<vmem>>
    %dma_wait3A_369 = tpu.memref_squeeze %dma_wait3A_368 : memref<1x128xi32, #tpu.memory_space<vmem>> -> memref<128xi32, #tpu.memory_space<vmem>>
    %dma_wait3A_370 = arith.constant 0 : i32
    %dma_wait3A_371 = tpu.memref_slice %arg6[%dma_wait3A_370] : memref<1000000xi32, #tpu.memory_space<hbm>> -> memref<1000000xi32, #tpu.memory_space<hbm>>
    %dma_wait3A_372 = tpu.memref_slice %arg20[%dma_wait3A_363] : memref<4x!tpu.dma_semaphore, #tpu.memory_space<semaphore_mem>> -> memref<1x!tpu.dma_semaphore, #tpu.memory_space<semaphore_mem>>
    %dma_wait3A_373 = tpu.memref_squeeze %dma_wait3A_372 : memref<1x!tpu.dma_semaphore, #tpu.memory_space<semaphore_mem>> -> memref<!tpu.dma_semaphore, #tpu.memory_space<semaphore_mem>>
    tpu.wait_indirect_dma semaphore(%dma_wait3A_373 : memref<!tpu.dma_semaphore, #tpu.memory_space<semaphore_mem>>) src(%dma_wait3A_371 : memref<1000000xi32, #tpu.memory_space<hbm>>) dst(%dma_wait3A_366 : memref<128xi32, #tpu.memory_space<vmem>>)
    %dma_start3A_374 = arith.constant 0 : i32
    %dma_start3A_375 = arith.constant 2 : i32
    %dma_start3A_376 = arith.constant 2 : i32
    %dma_start3A_377 = arith.constant 2 : i32
    %dma_start3A_378 = arith.constant 0 : i32
    %dma_start3A_379 = tpu.memref_slice %arg15[%dma_start3A_376, %dma_start3A_378] : memref<4x128xf32, #tpu.memory_space<vmem>> -> memref<1x128xf32, #tpu.memory_space<vmem>>
    %dma_start3A_380 = tpu.memref_squeeze %dma_start3A_379 : memref<1x128xf32, #tpu.memory_space<vmem>> -> memref<128xf32, #tpu.memory_space<vmem>>
    %dma_start3A_381 = arith.constant 0 : i32
    %dma_start3A_382 = tpu.memref_slice %arg12[%dma_start3A_375, %dma_start3A_381] : memref<4x128xi32, #tpu.memory_space<vmem>> -> memref<1x128xi32, #tpu.memory_space<vmem>>
    %dma_start3A_383 = tpu.memref_squeeze %dma_start3A_382 : memref<1x128xi32, #tpu.memory_space<vmem>> -> memref<128xi32, #tpu.memory_space<vmem>>
    %dma_start3A_384 = arith.constant 0 : i32
    %dma_start3A_385 = tpu.memref_slice %arg7[%dma_start3A_374, %dma_start3A_384] : memref<1x1000000xf32, #tpu.memory_space<hbm>> -> memref<1x1000000xf32, #tpu.memory_space<hbm>>
    %dma_start3A_386 = tpu.memref_squeeze %dma_start3A_385 : memref<1x1000000xf32, #tpu.memory_space<hbm>> -> memref<1000000xf32, #tpu.memory_space<hbm>>
    %dma_start3A_387 = arith.constant 0 : i32
    %dma_start3A_388 = tpu.memref_slice %dma_start3A_386[%dma_start3A_387] : memref<1000000xf32, #tpu.memory_space<hbm>> -> memref<1000000xf32, #tpu.memory_space<hbm>>
    %dma_start3A_389 = tpu.memref_slice %arg20[%dma_start3A_377] : memref<4x!tpu.dma_semaphore, #tpu.memory_space<semaphore_mem>> -> memref<1x!tpu.dma_semaphore, #tpu.memory_space<semaphore_mem>>
    %dma_start3A_390 = tpu.memref_squeeze %dma_start3A_389 : memref<1x!tpu.dma_semaphore, #tpu.memory_space<semaphore_mem>> -> memref<!tpu.dma_semaphore, #tpu.memory_space<semaphore_mem>>
    tpu.enqueue_indirect_dma source(%dma_start3A_388 : memref<1000000xf32, #tpu.memory_space<hbm>>) target(%dma_start3A_380 : memref<128xf32, #tpu.memory_space<vmem>>) offsets(%dma_start3A_383 : memref<128xi32, #tpu.memory_space<vmem>>) semaphore(%dma_start3A_390 : memref<!tpu.dma_semaphore, #tpu.memory_space<semaphore_mem>>)
    %dma_start3A_391 = arith.constant 0 : i32
    %dma_start3A_392 = arith.constant 2 : i32
    %dma_start3A_393 = arith.constant 2 : i32
    %dma_start3A_394 = arith.constant 2 : i32
    %dma_start3A_395 = arith.constant 0 : i32
    %dma_start3A_396 = tpu.memref_slice %arg16[%dma_start3A_393, %dma_start3A_395] : memref<4x128xf32, #tpu.memory_space<vmem>> -> memref<1x128xf32, #tpu.memory_space<vmem>>
    %dma_start3A_397 = tpu.memref_squeeze %dma_start3A_396 : memref<1x128xf32, #tpu.memory_space<vmem>> -> memref<128xf32, #tpu.memory_space<vmem>>
    %dma_start3A_398 = arith.constant 0 : i32
    %dma_start3A_399 = tpu.memref_slice %arg13[%dma_start3A_392, %dma_start3A_398] : memref<4x128xi32, #tpu.memory_space<vmem>> -> memref<1x128xi32, #tpu.memory_space<vmem>>
    %dma_start3A_400 = tpu.memref_squeeze %dma_start3A_399 : memref<1x128xi32, #tpu.memory_space<vmem>> -> memref<128xi32, #tpu.memory_space<vmem>>
    %dma_start3A_401 = arith.constant 0 : i32
    %dma_start3A_402 = tpu.memref_slice %arg8[%dma_start3A_391, %dma_start3A_401] : memref<1x1000000xf32, #tpu.memory_space<hbm>> -> memref<1x1000000xf32, #tpu.memory_space<hbm>>
    %dma_start3A_403 = tpu.memref_squeeze %dma_start3A_402 : memref<1x1000000xf32, #tpu.memory_space<hbm>> -> memref<1000000xf32, #tpu.memory_space<hbm>>
    %dma_start3A_404 = arith.constant 0 : i32
    %dma_start3A_405 = tpu.memref_slice %dma_start3A_403[%dma_start3A_404] : memref<1000000xf32, #tpu.memory_space<hbm>> -> memref<1000000xf32, #tpu.memory_space<hbm>>
    %dma_start3A_406 = tpu.memref_slice %arg20[%dma_start3A_394] : memref<4x!tpu.dma_semaphore, #tpu.memory_space<semaphore_mem>> -> memref<1x!tpu.dma_semaphore, #tpu.memory_space<semaphore_mem>>
    %dma_start3A_407 = tpu.memref_squeeze %dma_start3A_406 : memref<1x!tpu.dma_semaphore, #tpu.memory_space<semaphore_mem>> -> memref<!tpu.dma_semaphore, #tpu.memory_space<semaphore_mem>>
    tpu.enqueue_indirect_dma source(%dma_start3A_405 : memref<1000000xf32, #tpu.memory_space<hbm>>) target(%dma_start3A_397 : memref<128xf32, #tpu.memory_space<vmem>>) offsets(%dma_start3A_400 : memref<128xi32, #tpu.memory_space<vmem>>) semaphore(%dma_start3A_407 : memref<!tpu.dma_semaphore, #tpu.memory_space<semaphore_mem>>)
    %dma_start3A_408 = arith.constant 0 : i32
    %dma_start3A_409 = arith.constant 2 : i32
    %dma_start3A_410 = arith.constant 2 : i32
    %dma_start3A_411 = arith.constant 2 : i32
    %dma_start3A_412 = arith.constant 0 : i32
    %dma_start3A_413 = tpu.memref_slice %arg17[%dma_start3A_410, %dma_start3A_412] : memref<4x128xf32, #tpu.memory_space<vmem>> -> memref<1x128xf32, #tpu.memory_space<vmem>>
    %dma_start3A_414 = tpu.memref_squeeze %dma_start3A_413 : memref<1x128xf32, #tpu.memory_space<vmem>> -> memref<128xf32, #tpu.memory_space<vmem>>
    %dma_start3A_415 = arith.constant 0 : i32
    %dma_start3A_416 = tpu.memref_slice %arg14[%dma_start3A_409, %dma_start3A_415] : memref<4x128xi32, #tpu.memory_space<vmem>> -> memref<1x128xi32, #tpu.memory_space<vmem>>
    %dma_start3A_417 = tpu.memref_squeeze %dma_start3A_416 : memref<1x128xi32, #tpu.memory_space<vmem>> -> memref<128xi32, #tpu.memory_space<vmem>>
    %dma_start3A_418 = arith.constant 0 : i32
    %dma_start3A_419 = tpu.memref_slice %arg9[%dma_start3A_408, %dma_start3A_418] : memref<1x1000000xf32, #tpu.memory_space<hbm>> -> memref<1x1000000xf32, #tpu.memory_space<hbm>>
    %dma_start3A_420 = tpu.memref_squeeze %dma_start3A_419 : memref<1x1000000xf32, #tpu.memory_space<hbm>> -> memref<1000000xf32, #tpu.memory_space<hbm>>
    %dma_start3A_421 = arith.constant 0 : i32
    %dma_start3A_422 = tpu.memref_slice %dma_start3A_420[%dma_start3A_421] : memref<1000000xf32, #tpu.memory_space<hbm>> -> memref<1000000xf32, #tpu.memory_space<hbm>>
    %dma_start3A_423 = tpu.memref_slice %arg20[%dma_start3A_411] : memref<4x!tpu.dma_semaphore, #tpu.memory_space<semaphore_mem>> -> memref<1x!tpu.dma_semaphore, #tpu.memory_space<semaphore_mem>>
    %dma_start3A_424 = tpu.memref_squeeze %dma_start3A_423 : memref<1x!tpu.dma_semaphore, #tpu.memory_space<semaphore_mem>> -> memref<!tpu.dma_semaphore, #tpu.memory_space<semaphore_mem>>
    tpu.enqueue_indirect_dma source(%dma_start3A_422 : memref<1000000xf32, #tpu.memory_space<hbm>>) target(%dma_start3A_414 : memref<128xf32, #tpu.memory_space<vmem>>) offsets(%dma_start3A_417 : memref<128xi32, #tpu.memory_space<vmem>>) semaphore(%dma_start3A_424 : memref<!tpu.dma_semaphore, #tpu.memory_space<semaphore_mem>>)
    %dma_wait3A_425 = arith.constant 3 : i32
    %dma_wait3A_426 = arith.constant 3 : i32
    %dma_wait3A_427 = arith.constant 3 : i32
    %dma_wait3A_428 = arith.constant 0 : i32
    %dma_wait3A_429 = tpu.memref_slice %arg12[%dma_wait3A_426, %dma_wait3A_428] : memref<4x128xi32, #tpu.memory_space<vmem>> -> memref<1x128xi32, #tpu.memory_space<vmem>>
    %dma_wait3A_430 = tpu.memref_squeeze %dma_wait3A_429 : memref<1x128xi32, #tpu.memory_space<vmem>> -> memref<128xi32, #tpu.memory_space<vmem>>
    %dma_wait3A_431 = arith.constant 0 : i32
    %dma_wait3A_432 = tpu.memref_slice %arg11[%dma_wait3A_425, %dma_wait3A_431] : memref<4x128xi32, #tpu.memory_space<vmem>> -> memref<1x128xi32, #tpu.memory_space<vmem>>
    %dma_wait3A_433 = tpu.memref_squeeze %dma_wait3A_432 : memref<1x128xi32, #tpu.memory_space<vmem>> -> memref<128xi32, #tpu.memory_space<vmem>>
    %dma_wait3A_434 = arith.constant 0 : i32
    %dma_wait3A_435 = tpu.memref_slice %arg4[%dma_wait3A_434] : memref<1000000xi32, #tpu.memory_space<hbm>> -> memref<1000000xi32, #tpu.memory_space<hbm>>
    %dma_wait3A_436 = tpu.memref_slice %arg20[%dma_wait3A_427] : memref<4x!tpu.dma_semaphore, #tpu.memory_space<semaphore_mem>> -> memref<1x!tpu.dma_semaphore, #tpu.memory_space<semaphore_mem>>
    %dma_wait3A_437 = tpu.memref_squeeze %dma_wait3A_436 : memref<1x!tpu.dma_semaphore, #tpu.memory_space<semaphore_mem>> -> memref<!tpu.dma_semaphore, #tpu.memory_space<semaphore_mem>>
    tpu.wait_indirect_dma semaphore(%dma_wait3A_437 : memref<!tpu.dma_semaphore, #tpu.memory_space<semaphore_mem>>) src(%dma_wait3A_435 : memref<1000000xi32, #tpu.memory_space<hbm>>) dst(%dma_wait3A_430 : memref<128xi32, #tpu.memory_space<vmem>>)
    %dma_wait3A_438 = arith.constant 3 : i32
    %dma_wait3A_439 = arith.constant 3 : i32
    %dma_wait3A_440 = arith.constant 3 : i32
    %dma_wait3A_441 = arith.constant 0 : i32
    %dma_wait3A_442 = tpu.memref_slice %arg13[%dma_wait3A_439, %dma_wait3A_441] : memref<4x128xi32, #tpu.memory_space<vmem>> -> memref<1x128xi32, #tpu.memory_space<vmem>>
    %dma_wait3A_443 = tpu.memref_squeeze %dma_wait3A_442 : memref<1x128xi32, #tpu.memory_space<vmem>> -> memref<128xi32, #tpu.memory_space<vmem>>
    %dma_wait3A_444 = arith.constant 0 : i32
    %dma_wait3A_445 = tpu.memref_slice %arg11[%dma_wait3A_438, %dma_wait3A_444] : memref<4x128xi32, #tpu.memory_space<vmem>> -> memref<1x128xi32, #tpu.memory_space<vmem>>
    %dma_wait3A_446 = tpu.memref_squeeze %dma_wait3A_445 : memref<1x128xi32, #tpu.memory_space<vmem>> -> memref<128xi32, #tpu.memory_space<vmem>>
    %dma_wait3A_447 = arith.constant 0 : i32
    %dma_wait3A_448 = tpu.memref_slice %arg5[%dma_wait3A_447] : memref<1000000xi32, #tpu.memory_space<hbm>> -> memref<1000000xi32, #tpu.memory_space<hbm>>
    %dma_wait3A_449 = tpu.memref_slice %arg20[%dma_wait3A_440] : memref<4x!tpu.dma_semaphore, #tpu.memory_space<semaphore_mem>> -> memref<1x!tpu.dma_semaphore, #tpu.memory_space<semaphore_mem>>
    %dma_wait3A_450 = tpu.memref_squeeze %dma_wait3A_449 : memref<1x!tpu.dma_semaphore, #tpu.memory_space<semaphore_mem>> -> memref<!tpu.dma_semaphore, #tpu.memory_space<semaphore_mem>>
    tpu.wait_indirect_dma semaphore(%dma_wait3A_450 : memref<!tpu.dma_semaphore, #tpu.memory_space<semaphore_mem>>) src(%dma_wait3A_448 : memref<1000000xi32, #tpu.memory_space<hbm>>) dst(%dma_wait3A_443 : memref<128xi32, #tpu.memory_space<vmem>>)
    %dma_wait3A_451 = arith.constant 3 : i32
    %dma_wait3A_452 = arith.constant 3 : i32
    %dma_wait3A_453 = arith.constant 3 : i32
    %dma_wait3A_454 = arith.constant 0 : i32
    %dma_wait3A_455 = tpu.memref_slice %arg14[%dma_wait3A_452, %dma_wait3A_454] : memref<4x128xi32, #tpu.memory_space<vmem>> -> memref<1x128xi32, #tpu.memory_space<vmem>>
    %dma_wait3A_456 = tpu.memref_squeeze %dma_wait3A_455 : memref<1x128xi32, #tpu.memory_space<vmem>> -> memref<128xi32, #tpu.memory_space<vmem>>
    %dma_wait3A_457 = arith.constant 0 : i32
    %dma_wait3A_458 = tpu.memref_slice %arg11[%dma_wait3A_451, %dma_wait3A_457] : memref<4x128xi32, #tpu.memory_space<vmem>> -> memref<1x128xi32, #tpu.memory_space<vmem>>
    %dma_wait3A_459 = tpu.memref_squeeze %dma_wait3A_458 : memref<1x128xi32, #tpu.memory_space<vmem>> -> memref<128xi32, #tpu.memory_space<vmem>>
    %dma_wait3A_460 = arith.constant 0 : i32
    %dma_wait3A_461 = tpu.memref_slice %arg6[%dma_wait3A_460] : memref<1000000xi32, #tpu.memory_space<hbm>> -> memref<1000000xi32, #tpu.memory_space<hbm>>
    %dma_wait3A_462 = tpu.memref_slice %arg20[%dma_wait3A_453] : memref<4x!tpu.dma_semaphore, #tpu.memory_space<semaphore_mem>> -> memref<1x!tpu.dma_semaphore, #tpu.memory_space<semaphore_mem>>
    %dma_wait3A_463 = tpu.memref_squeeze %dma_wait3A_462 : memref<1x!tpu.dma_semaphore, #tpu.memory_space<semaphore_mem>> -> memref<!tpu.dma_semaphore, #tpu.memory_space<semaphore_mem>>
    tpu.wait_indirect_dma semaphore(%dma_wait3A_463 : memref<!tpu.dma_semaphore, #tpu.memory_space<semaphore_mem>>) src(%dma_wait3A_461 : memref<1000000xi32, #tpu.memory_space<hbm>>) dst(%dma_wait3A_456 : memref<128xi32, #tpu.memory_space<vmem>>)
    %dma_start3A_464 = arith.constant 0 : i32
    %dma_start3A_465 = arith.constant 3 : i32
    %dma_start3A_466 = arith.constant 3 : i32
    %dma_start3A_467 = arith.constant 3 : i32
    %dma_start3A_468 = arith.constant 0 : i32
    %dma_start3A_469 = tpu.memref_slice %arg15[%dma_start3A_466, %dma_start3A_468] : memref<4x128xf32, #tpu.memory_space<vmem>> -> memref<1x128xf32, #tpu.memory_space<vmem>>
    %dma_start3A_470 = tpu.memref_squeeze %dma_start3A_469 : memref<1x128xf32, #tpu.memory_space<vmem>> -> memref<128xf32, #tpu.memory_space<vmem>>
    %dma_start3A_471 = arith.constant 0 : i32
    %dma_start3A_472 = tpu.memref_slice %arg12[%dma_start3A_465, %dma_start3A_471] : memref<4x128xi32, #tpu.memory_space<vmem>> -> memref<1x128xi32, #tpu.memory_space<vmem>>
    %dma_start3A_473 = tpu.memref_squeeze %dma_start3A_472 : memref<1x128xi32, #tpu.memory_space<vmem>> -> memref<128xi32, #tpu.memory_space<vmem>>
    %dma_start3A_474 = arith.constant 0 : i32
    %dma_start3A_475 = tpu.memref_slice %arg7[%dma_start3A_464, %dma_start3A_474] : memref<1x1000000xf32, #tpu.memory_space<hbm>> -> memref<1x1000000xf32, #tpu.memory_space<hbm>>
    %dma_start3A_476 = tpu.memref_squeeze %dma_start3A_475 : memref<1x1000000xf32, #tpu.memory_space<hbm>> -> memref<1000000xf32, #tpu.memory_space<hbm>>
    %dma_start3A_477 = arith.constant 0 : i32
    %dma_start3A_478 = tpu.memref_slice %dma_start3A_476[%dma_start3A_477] : memref<1000000xf32, #tpu.memory_space<hbm>> -> memref<1000000xf32, #tpu.memory_space<hbm>>
    %dma_start3A_479 = tpu.memref_slice %arg20[%dma_start3A_467] : memref<4x!tpu.dma_semaphore, #tpu.memory_space<semaphore_mem>> -> memref<1x!tpu.dma_semaphore, #tpu.memory_space<semaphore_mem>>
    %dma_start3A_480 = tpu.memref_squeeze %dma_start3A_479 : memref<1x!tpu.dma_semaphore, #tpu.memory_space<semaphore_mem>> -> memref<!tpu.dma_semaphore, #tpu.memory_space<semaphore_mem>>
    tpu.enqueue_indirect_dma source(%dma_start3A_478 : memref<1000000xf32, #tpu.memory_space<hbm>>) target(%dma_start3A_470 : memref<128xf32, #tpu.memory_space<vmem>>) offsets(%dma_start3A_473 : memref<128xi32, #tpu.memory_space<vmem>>) semaphore(%dma_start3A_480 : memref<!tpu.dma_semaphore, #tpu.memory_space<semaphore_mem>>)
    %dma_start3A_481 = arith.constant 0 : i32
    %dma_start3A_482 = arith.constant 3 : i32
    %dma_start3A_483 = arith.constant 3 : i32
    %dma_start3A_484 = arith.constant 3 : i32
    %dma_start3A_485 = arith.constant 0 : i32
    %dma_start3A_486 = tpu.memref_slice %arg16[%dma_start3A_483, %dma_start3A_485] : memref<4x128xf32, #tpu.memory_space<vmem>> -> memref<1x128xf32, #tpu.memory_space<vmem>>
    %dma_start3A_487 = tpu.memref_squeeze %dma_start3A_486 : memref<1x128xf32, #tpu.memory_space<vmem>> -> memref<128xf32, #tpu.memory_space<vmem>>
    %dma_start3A_488 = arith.constant 0 : i32
    %dma_start3A_489 = tpu.memref_slice %arg13[%dma_start3A_482, %dma_start3A_488] : memref<4x128xi32, #tpu.memory_space<vmem>> -> memref<1x128xi32, #tpu.memory_space<vmem>>
    %dma_start3A_490 = tpu.memref_squeeze %dma_start3A_489 : memref<1x128xi32, #tpu.memory_space<vmem>> -> memref<128xi32, #tpu.memory_space<vmem>>
    %dma_start3A_491 = arith.constant 0 : i32
    %dma_start3A_492 = tpu.memref_slice %arg8[%dma_start3A_481, %dma_start3A_491] : memref<1x1000000xf32, #tpu.memory_space<hbm>> -> memref<1x1000000xf32, #tpu.memory_space<hbm>>
    %dma_start3A_493 = tpu.memref_squeeze %dma_start3A_492 : memref<1x1000000xf32, #tpu.memory_space<hbm>> -> memref<1000000xf32, #tpu.memory_space<hbm>>
    %dma_start3A_494 = arith.constant 0 : i32
    %dma_start3A_495 = tpu.memref_slice %dma_start3A_493[%dma_start3A_494] : memref<1000000xf32, #tpu.memory_space<hbm>> -> memref<1000000xf32, #tpu.memory_space<hbm>>
    %dma_start3A_496 = tpu.memref_slice %arg20[%dma_start3A_484] : memref<4x!tpu.dma_semaphore, #tpu.memory_space<semaphore_mem>> -> memref<1x!tpu.dma_semaphore, #tpu.memory_space<semaphore_mem>>
    %dma_start3A_497 = tpu.memref_squeeze %dma_start3A_496 : memref<1x!tpu.dma_semaphore, #tpu.memory_space<semaphore_mem>> -> memref<!tpu.dma_semaphore, #tpu.memory_space<semaphore_mem>>
    tpu.enqueue_indirect_dma source(%dma_start3A_495 : memref<1000000xf32, #tpu.memory_space<hbm>>) target(%dma_start3A_487 : memref<128xf32, #tpu.memory_space<vmem>>) offsets(%dma_start3A_490 : memref<128xi32, #tpu.memory_space<vmem>>) semaphore(%dma_start3A_497 : memref<!tpu.dma_semaphore, #tpu.memory_space<semaphore_mem>>)
    %dma_start3A_498 = arith.constant 0 : i32
    %dma_start3A_499 = arith.constant 3 : i32
    %dma_start3A_500 = arith.constant 3 : i32
    %dma_start3A_501 = arith.constant 3 : i32
    %dma_start3A_502 = arith.constant 0 : i32
    %dma_start3A_503 = tpu.memref_slice %arg17[%dma_start3A_500, %dma_start3A_502] : memref<4x128xf32, #tpu.memory_space<vmem>> -> memref<1x128xf32, #tpu.memory_space<vmem>>
    %dma_start3A_504 = tpu.memref_squeeze %dma_start3A_503 : memref<1x128xf32, #tpu.memory_space<vmem>> -> memref<128xf32, #tpu.memory_space<vmem>>
    %dma_start3A_505 = arith.constant 0 : i32
    %dma_start3A_506 = tpu.memref_slice %arg14[%dma_start3A_499, %dma_start3A_505] : memref<4x128xi32, #tpu.memory_space<vmem>> -> memref<1x128xi32, #tpu.memory_space<vmem>>
    %dma_start3A_507 = tpu.memref_squeeze %dma_start3A_506 : memref<1x128xi32, #tpu.memory_space<vmem>> -> memref<128xi32, #tpu.memory_space<vmem>>
    %dma_start3A_508 = arith.constant 0 : i32
    %dma_start3A_509 = tpu.memref_slice %arg9[%dma_start3A_498, %dma_start3A_508] : memref<1x1000000xf32, #tpu.memory_space<hbm>> -> memref<1x1000000xf32, #tpu.memory_space<hbm>>
    %dma_start3A_510 = tpu.memref_squeeze %dma_start3A_509 : memref<1x1000000xf32, #tpu.memory_space<hbm>> -> memref<1000000xf32, #tpu.memory_space<hbm>>
    %dma_start3A_511 = arith.constant 0 : i32
    %dma_start3A_512 = tpu.memref_slice %dma_start3A_510[%dma_start3A_511] : memref<1000000xf32, #tpu.memory_space<hbm>> -> memref<1000000xf32, #tpu.memory_space<hbm>>
    %dma_start3A_513 = tpu.memref_slice %arg20[%dma_start3A_501] : memref<4x!tpu.dma_semaphore, #tpu.memory_space<semaphore_mem>> -> memref<1x!tpu.dma_semaphore, #tpu.memory_space<semaphore_mem>>
    %dma_start3A_514 = tpu.memref_squeeze %dma_start3A_513 : memref<1x!tpu.dma_semaphore, #tpu.memory_space<semaphore_mem>> -> memref<!tpu.dma_semaphore, #tpu.memory_space<semaphore_mem>>
    tpu.enqueue_indirect_dma source(%dma_start3A_512 : memref<1000000xf32, #tpu.memory_space<hbm>>) target(%dma_start3A_504 : memref<128xf32, #tpu.memory_space<vmem>>) offsets(%dma_start3A_507 : memref<128xi32, #tpu.memory_space<vmem>>) semaphore(%dma_start3A_514 : memref<!tpu.dma_semaphore, #tpu.memory_space<semaphore_mem>>)
    %get3A = arith.constant 0 : i32
    %get3A_515 = arith.index_cast %get3A : i32 to index
    %get3A_516 = arith.constant 0 : index
    %get3A_517 = tpu.vector_load %arg18[%get3A_515, %get3A_516] {strides = array<i32>} : memref<4x16xf32, #tpu.memory_space<vmem>>, vector<1x16xf32>,
    %get3A_518 = vector.shape_cast %get3A_517 : vector<1x16xf32> to vector<16xf32>
    %get3A_519 = arith.constant 1 : i32
    %get3A_520 = arith.index_cast %get3A_519 : i32 to index
    %get3A_521 = arith.constant 0 : index
    %get3A_522 = tpu.vector_load %arg18[%get3A_520, %get3A_521] {strides = array<i32>} : memref<4x16xf32, #tpu.memory_space<vmem>>, vector<1x16xf32>,
    %get3A_523 = vector.shape_cast %get3A_522 : vector<1x16xf32> to vector<16xf32>
    %get3A_524 = arith.constant 2 : i32
    %get3A_525 = arith.index_cast %get3A_524 : i32 to index
    %get3A_526 = arith.constant 0 : index
    %get3A_527 = tpu.vector_load %arg18[%get3A_525, %get3A_526] {strides = array<i32>} : memref<4x16xf32, #tpu.memory_space<vmem>>, vector<1x16xf32>,
    %get3A_528 = vector.shape_cast %get3A_527 : vector<1x16xf32> to vector<16xf32>
    %get3A_529 = arith.constant 3 : i32
    %get3A_530 = arith.index_cast %get3A_529 : i32 to index
    %get3A_531 = arith.constant 0 : index
    %get3A_532 = tpu.vector_load %arg18[%get3A_530, %get3A_531] {strides = array<i32>} : memref<4x16xf32, #tpu.memory_space<vmem>>, vector<1x16xf32>,
    %get3A_533 = vector.shape_cast %get3A_532 : vector<1x16xf32> to vector<16xf32>
    %broadcast_in_dim3A = arith.constant 1.000000e+00 : f32
    %broadcast_in_dim3A_534 = vector.broadcast %broadcast_in_dim3A : f32 to vector<16xf32>
    %broadcast_in_dim3A_535 = arith.constant 0.000000e+00 : f32
    %broadcast_in_dim3A_536 = vector.broadcast %broadcast_in_dim3A_535 : f32 to vector<16xf32>
    %dma_wait3A_537 = arith.constant 0 : i32
    %dma_wait3A_538 = arith.constant 0 : i32
    %dma_wait3A_539 = arith.constant 0 : i32
    %dma_wait3A_540 = arith.constant 0 : i32
    %dma_wait3A_541 = arith.constant 0 : i32
    %dma_wait3A_542 = tpu.memref_slice %arg15[%dma_wait3A_539, %dma_wait3A_541] : memref<4x128xf32, #tpu.memory_space<vmem>> -> memref<1x128xf32, #tpu.memory_space<vmem>>
    %dma_wait3A_543 = tpu.memref_squeeze %dma_wait3A_542 : memref<1x128xf32, #tpu.memory_space<vmem>> -> memref<128xf32, #tpu.memory_space<vmem>>
    %dma_wait3A_544 = arith.constant 0 : i32
    %dma_wait3A_545 = tpu.memref_slice %arg12[%dma_wait3A_538, %dma_wait3A_544] : memref<4x128xi32, #tpu.memory_space<vmem>> -> memref<1x128xi32, #tpu.memory_space<vmem>>
    %dma_wait3A_546 = tpu.memref_squeeze %dma_wait3A_545 : memref<1x128xi32, #tpu.memory_space<vmem>> -> memref<128xi32, #tpu.memory_space<vmem>>
    %dma_wait3A_547 = arith.constant 0 : i32
    %dma_wait3A_548 = tpu.memref_slice %arg7[%dma_wait3A_537, %dma_wait3A_547] : memref<1x1000000xf32, #tpu.memory_space<hbm>> -> memref<1x1000000xf32, #tpu.memory_space<hbm>>
    %dma_wait3A_549 = tpu.memref_squeeze %dma_wait3A_548 : memref<1x1000000xf32, #tpu.memory_space<hbm>> -> memref<1000000xf32, #tpu.memory_space<hbm>>
    %dma_wait3A_550 = arith.constant 0 : i32
    %dma_wait3A_551 = tpu.memref_slice %dma_wait3A_549[%dma_wait3A_550] : memref<1000000xf32, #tpu.memory_space<hbm>> -> memref<1000000xf32, #tpu.memory_space<hbm>>
    %dma_wait3A_552 = tpu.memref_slice %arg20[%dma_wait3A_540] : memref<4x!tpu.dma_semaphore, #tpu.memory_space<semaphore_mem>> -> memref<1x!tpu.dma_semaphore, #tpu.memory_space<semaphore_mem>>
    %dma_wait3A_553 = tpu.memref_squeeze %dma_wait3A_552 : memref<1x!tpu.dma_semaphore, #tpu.memory_space<semaphore_mem>> -> memref<!tpu.dma_semaphore, #tpu.memory_space<semaphore_mem>>
    tpu.wait_indirect_dma semaphore(%dma_wait3A_553 : memref<!tpu.dma_semaphore, #tpu.memory_space<semaphore_mem>>) src(%dma_wait3A_551 : memref<1000000xf32, #tpu.memory_space<hbm>>) dst(%dma_wait3A_543 : memref<128xf32, #tpu.memory_space<vmem>>)
    %dma_wait3A_554 = arith.constant 0 : i32
    %dma_wait3A_555 = arith.constant 0 : i32
    %dma_wait3A_556 = arith.constant 0 : i32
    %dma_wait3A_557 = arith.constant 0 : i32
    %dma_wait3A_558 = arith.constant 0 : i32
    %dma_wait3A_559 = tpu.memref_slice %arg16[%dma_wait3A_556, %dma_wait3A_558] : memref<4x128xf32, #tpu.memory_space<vmem>> -> memref<1x128xf32, #tpu.memory_space<vmem>>
    %dma_wait3A_560 = tpu.memref_squeeze %dma_wait3A_559 : memref<1x128xf32, #tpu.memory_space<vmem>> -> memref<128xf32, #tpu.memory_space<vmem>>
    %dma_wait3A_561 = arith.constant 0 : i32
    %dma_wait3A_562 = tpu.memref_slice %arg13[%dma_wait3A_555, %dma_wait3A_561] : memref<4x128xi32, #tpu.memory_space<vmem>> -> memref<1x128xi32, #tpu.memory_space<vmem>>
    %dma_wait3A_563 = tpu.memref_squeeze %dma_wait3A_562 : memref<1x128xi32, #tpu.memory_space<vmem>> -> memref<128xi32, #tpu.memory_space<vmem>>
    %dma_wait3A_564 = arith.constant 0 : i32
    %dma_wait3A_565 = tpu.memref_slice %arg8[%dma_wait3A_554, %dma_wait3A_564] : memref<1x1000000xf32, #tpu.memory_space<hbm>> -> memref<1x1000000xf32, #tpu.memory_space<hbm>>
    %dma_wait3A_566 = tpu.memref_squeeze %dma_wait3A_565 : memref<1x1000000xf32, #tpu.memory_space<hbm>> -> memref<1000000xf32, #tpu.memory_space<hbm>>
    %dma_wait3A_567 = arith.constant 0 : i32
    %dma_wait3A_568 = tpu.memref_slice %dma_wait3A_566[%dma_wait3A_567] : memref<1000000xf32, #tpu.memory_space<hbm>> -> memref<1000000xf32, #tpu.memory_space<hbm>>
    %dma_wait3A_569 = tpu.memref_slice %arg20[%dma_wait3A_557] : memref<4x!tpu.dma_semaphore, #tpu.memory_space<semaphore_mem>> -> memref<1x!tpu.dma_semaphore, #tpu.memory_space<semaphore_mem>>
    %dma_wait3A_570 = tpu.memref_squeeze %dma_wait3A_569 : memref<1x!tpu.dma_semaphore, #tpu.memory_space<semaphore_mem>> -> memref<!tpu.dma_semaphore, #tpu.memory_space<semaphore_mem>>
    tpu.wait_indirect_dma semaphore(%dma_wait3A_570 : memref<!tpu.dma_semaphore, #tpu.memory_space<semaphore_mem>>) src(%dma_wait3A_568 : memref<1000000xf32, #tpu.memory_space<hbm>>) dst(%dma_wait3A_560 : memref<128xf32, #tpu.memory_space<vmem>>)
    %dma_wait3A_571 = arith.constant 0 : i32
    %dma_wait3A_572 = arith.constant 0 : i32
    %dma_wait3A_573 = arith.constant 0 : i32
    %dma_wait3A_574 = arith.constant 0 : i32
    %dma_wait3A_575 = arith.constant 0 : i32
    %dma_wait3A_576 = tpu.memref_slice %arg17[%dma_wait3A_573, %dma_wait3A_575] : memref<4x128xf32, #tpu.memory_space<vmem>> -> memref<1x128xf32, #tpu.memory_space<vmem>>
    %dma_wait3A_577 = tpu.memref_squeeze %dma_wait3A_576 : memref<1x128xf32, #tpu.memory_space<vmem>> -> memref<128xf32, #tpu.memory_space<vmem>>
    %dma_wait3A_578 = arith.constant 0 : i32
    %dma_wait3A_579 = tpu.memref_slice %arg14[%dma_wait3A_572, %dma_wait3A_578] : memref<4x128xi32, #tpu.memory_space<vmem>> -> memref<1x128xi32, #tpu.memory_space<vmem>>
    %dma_wait3A_580 = tpu.memref_squeeze %dma_wait3A_579 : memref<1x128xi32, #tpu.memory_space<vmem>> -> memref<128xi32, #tpu.memory_space<vmem>>
    %dma_wait3A_581 = arith.constant 0 : i32
    %dma_wait3A_582 = tpu.memref_slice %arg9[%dma_wait3A_571, %dma_wait3A_581] : memref<1x1000000xf32, #tpu.memory_space<hbm>> -> memref<1x1000000xf32, #tpu.memory_space<hbm>>
    %dma_wait3A_583 = tpu.memref_squeeze %dma_wait3A_582 : memref<1x1000000xf32, #tpu.memory_space<hbm>> -> memref<1000000xf32, #tpu.memory_space<hbm>>
    %dma_wait3A_584 = arith.constant 0 : i32
    %dma_wait3A_585 = tpu.memref_slice %dma_wait3A_583[%dma_wait3A_584] : memref<1000000xf32, #tpu.memory_space<hbm>> -> memref<1000000xf32, #tpu.memory_space<hbm>>
    %dma_wait3A_586 = tpu.memref_slice %arg20[%dma_wait3A_574] : memref<4x!tpu.dma_semaphore, #tpu.memory_space<semaphore_mem>> -> memref<1x!tpu.dma_semaphore, #tpu.memory_space<semaphore_mem>>
    %dma_wait3A_587 = tpu.memref_squeeze %dma_wait3A_586 : memref<1x!tpu.dma_semaphore, #tpu.memory_space<semaphore_mem>> -> memref<!tpu.dma_semaphore, #tpu.memory_space<semaphore_mem>>
    tpu.wait_indirect_dma semaphore(%dma_wait3A_587 : memref<!tpu.dma_semaphore, #tpu.memory_space<semaphore_mem>>) src(%dma_wait3A_585 : memref<1000000xf32, #tpu.memory_space<hbm>>) dst(%dma_wait3A_577 : memref<128xf32, #tpu.memory_space<vmem>>)
    %get3A_588 = arith.constant 0 : i32
    %get3A_589 = arith.index_cast %get3A_588 : i32 to index
    %get3A_590 = arith.constant 0 : index
    %get3A_591 = tpu.vector_load %arg15[%get3A_589, %get3A_590] {strides = array<i32>} : memref<4x128xf32, #tpu.memory_space<vmem>>, vector<1x16xf32>,
    %get3A_592 = vector.shape_cast %get3A_591 : vector<1x16xf32> to vector<16xf32>
    %get3A_593 = arith.constant 0 : i32
    %get3A_594 = arith.index_cast %get3A_593 : i32 to index
    %get3A_595 = arith.constant 0 : index
    %get3A_596 = tpu.vector_load %arg16[%get3A_594, %get3A_595] {strides = array<i32>} : memref<4x128xf32, #tpu.memory_space<vmem>>, vector<1x16xf32>,
    %get3A_597 = vector.shape_cast %get3A_596 : vector<1x16xf32> to vector<16xf32>
    %get3A_598 = arith.constant 0 : i32
    %get3A_599 = arith.index_cast %get3A_598 : i32 to index
    %get3A_600 = arith.constant 0 : index
    %get3A_601 = tpu.vector_load %arg17[%get3A_599, %get3A_600] {strides = array<i32>} : memref<4x128xf32, #tpu.memory_space<vmem>>, vector<1x16xf32>,
    %get3A_602 = vector.shape_cast %get3A_601 : vector<1x16xf32> to vector<16xf32>
    %sub3A = arith.subf %broadcast_in_dim3A_534, %get3A_592 : vector<16xf32>
    %mul3A_603 = arith.mulf %get3A_518, %sub3A : vector<16xf32>
    %sub3A_604 = arith.subf %broadcast_in_dim3A_534, %get3A_597 : vector<16xf32>
    %mul3A_605 = arith.mulf %get3A_523, %sub3A_604 : vector<16xf32>
    %add3A_606 = arith.addf %mul3A_603, %mul3A_605 : vector<16xf32>
    %sub3A_607 = arith.subf %broadcast_in_dim3A_534, %get3A_602 : vector<16xf32>
    %mul3A_608 = arith.mulf %get3A_528, %sub3A_607 : vector<16xf32>
    %add3A_609 = arith.addf %add3A_606, %mul3A_608 : vector<16xf32>
    %sub3A_610 = arith.subf %get3A_533, %add3A_609 : vector<16xf32>
    %max3A = arith.maximumf %sub3A_610, %broadcast_in_dim3A_536 : vector<16xf32>
    %min3A = arith.minimumf %max3A, %broadcast_in_dim3A_534 : vector<16xf32>
    %swap3A = arith.constant 0 : i32
    %swap3A_611 = arith.index_cast %swap3A : i32 to index
    %swap3A_612 = arith.constant 0 : index
    %swap3A_613 = tpu.vector_load %arg19[%swap3A_611, %swap3A_612] {strides = array<i32>} : memref<4x128xf32, #tpu.memory_space<vmem>>, vector<1x16xf32>,
    %swap3A_614 = vector.shape_cast %swap3A_613 : vector<1x16xf32> to vector<16xf32>
    %swap3A_615 = vector.shape_cast %min3A : vector<16xf32> to vector<1x16xf32>
    tpu.vector_store %arg19[%swap3A_611, %swap3A_612], %swap3A_615 {strides = array<i32>} : memref<4x128xf32, #tpu.memory_space<vmem>>, vector<1x16xf32>,
    %get3A_616 = arith.constant 0 : i32
    %get3A_617 = arith.index_cast %get3A_616 : i32 to index
    %get3A_618 = arith.constant 16 : index
    %get3A_619 = tpu.vector_load %arg15[%get3A_617, %get3A_618] {strides = array<i32>} : memref<4x128xf32, #tpu.memory_space<vmem>>, vector<1x16xf32>,
    %get3A_620 = vector.shape_cast %get3A_619 : vector<1x16xf32> to vector<16xf32>
    %get3A_621 = arith.constant 0 : i32
    %get3A_622 = arith.index_cast %get3A_621 : i32 to index
    %get3A_623 = arith.constant 16 : index
    %get3A_624 = tpu.vector_load %arg16[%get3A_622, %get3A_623] {strides = array<i32>} : memref<4x128xf32, #tpu.memory_space<vmem>>, vector<1x16xf32>,
    %get3A_625 = vector.shape_cast %get3A_624 : vector<1x16xf32> to vector<16xf32>
    %get3A_626 = arith.constant 0 : i32
    %get3A_627 = arith.index_cast %get3A_626 : i32 to index
    %get3A_628 = arith.constant 16 : index
    %get3A_629 = tpu.vector_load %arg17[%get3A_627, %get3A_628] {strides = array<i32>} : memref<4x128xf32, #tpu.memory_space<vmem>>, vector<1x16xf32>,
    %get3A_630 = vector.shape_cast %get3A_629 : vector<1x16xf32> to vector<16xf32>
    %sub3A_631 = arith.subf %broadcast_in_dim3A_534, %get3A_620 : vector<16xf32>
    %mul3A_632 = arith.mulf %get3A_518, %sub3A_631 : vector<16xf32>
    %sub3A_633 = arith.subf %broadcast_in_dim3A_534, %get3A_625 : vector<16xf32>
    %mul3A_634 = arith.mulf %get3A_523, %sub3A_633 : vector<16xf32>
    %add3A_635 = arith.addf %mul3A_632, %mul3A_634 : vector<16xf32>
    %sub3A_636 = arith.subf %broadcast_in_dim3A_534, %get3A_630 : vector<16xf32>
    %mul3A_637 = arith.mulf %get3A_528, %sub3A_636 : vector<16xf32>
    %add3A_638 = arith.addf %add3A_635, %mul3A_637 : vector<16xf32>
    %sub3A_639 = arith.subf %get3A_533, %add3A_638 : vector<16xf32>
    %max3A_640 = arith.maximumf %sub3A_639, %broadcast_in_dim3A_536 : vector<16xf32>
    %min3A_641 = arith.minimumf %max3A_640, %broadcast_in_dim3A_534 : vector<16xf32>
    %swap3A_642 = arith.constant 0 : i32
    %swap3A_643 = arith.index_cast %swap3A_642 : i32 to index
    %swap3A_644 = arith.constant 16 : index
    %swap3A_645 = tpu.vector_load %arg19[%swap3A_643, %swap3A_644] {strides = array<i32>} : memref<4x128xf32, #tpu.memory_space<vmem>>, vector<1x16xf32>,
    %swap3A_646 = vector.shape_cast %swap3A_645 : vector<1x16xf32> to vector<16xf32>
    %swap3A_647 = vector.shape_cast %min3A_641 : vector<16xf32> to vector<1x16xf32>
    tpu.vector_store %arg19[%swap3A_643, %swap3A_644], %swap3A_647 {strides = array<i32>} : memref<4x128xf32, #tpu.memory_space<vmem>>, vector<1x16xf32>,
    %get3A_648 = arith.constant 0 : i32
    %get3A_649 = arith.index_cast %get3A_648 : i32 to index
    %get3A_650 = arith.constant 32 : index
    %get3A_651 = tpu.vector_load %arg15[%get3A_649, %get3A_650] {strides = array<i32>} : memref<4x128xf32, #tpu.memory_space<vmem>>, vector<1x16xf32>,
    %get3A_652 = vector.shape_cast %get3A_651 : vector<1x16xf32> to vector<16xf32>
    %get3A_653 = arith.constant 0 : i32
    %get3A_654 = arith.index_cast %get3A_653 : i32 to index
    %get3A_655 = arith.constant 32 : index
    %get3A_656 = tpu.vector_load %arg16[%get3A_654, %get3A_655] {strides = array<i32>} : memref<4x128xf32, #tpu.memory_space<vmem>>, vector<1x16xf32>,
    %get3A_657 = vector.shape_cast %get3A_656 : vector<1x16xf32> to vector<16xf32>
    %get3A_658 = arith.constant 0 : i32
    %get3A_659 = arith.index_cast %get3A_658 : i32 to index
    %get3A_660 = arith.constant 32 : index
    %get3A_661 = tpu.vector_load %arg17[%get3A_659, %get3A_660] {strides = array<i32>} : memref<4x128xf32, #tpu.memory_space<vmem>>, vector<1x16xf32>,
    %get3A_662 = vector.shape_cast %get3A_661 : vector<1x16xf32> to vector<16xf32>
    %sub3A_663 = arith.subf %broadcast_in_dim3A_534, %get3A_652 : vector<16xf32>
    %mul3A_664 = arith.mulf %get3A_518, %sub3A_663 : vector<16xf32>
    %sub3A_665 = arith.subf %broadcast_in_dim3A_534, %get3A_657 : vector<16xf32>
    %mul3A_666 = arith.mulf %get3A_523, %sub3A_665 : vector<16xf32>
    %add3A_667 = arith.addf %mul3A_664, %mul3A_666 : vector<16xf32>
    %sub3A_668 = arith.subf %broadcast_in_dim3A_534, %get3A_662 : vector<16xf32>
    %mul3A_669 = arith.mulf %get3A_528, %sub3A_668 : vector<16xf32>
    %add3A_670 = arith.addf %add3A_667, %mul3A_669 : vector<16xf32>
    %sub3A_671 = arith.subf %get3A_533, %add3A_670 : vector<16xf32>
    %max3A_672 = arith.maximumf %sub3A_671, %broadcast_in_dim3A_536 : vector<16xf32>
    %min3A_673 = arith.minimumf %max3A_672, %broadcast_in_dim3A_534 : vector<16xf32>
    %swap3A_674 = arith.constant 0 : i32
    %swap3A_675 = arith.index_cast %swap3A_674 : i32 to index
    %swap3A_676 = arith.constant 32 : index
    %swap3A_677 = tpu.vector_load %arg19[%swap3A_675, %swap3A_676] {strides = array<i32>} : memref<4x128xf32, #tpu.memory_space<vmem>>, vector<1x16xf32>,
    %swap3A_678 = vector.shape_cast %swap3A_677 : vector<1x16xf32> to vector<16xf32>
    %swap3A_679 = vector.shape_cast %min3A_673 : vector<16xf32> to vector<1x16xf32>
    tpu.vector_store %arg19[%swap3A_675, %swap3A_676], %swap3A_679 {strides = array<i32>} : memref<4x128xf32, #tpu.memory_space<vmem>>, vector<1x16xf32>,
    %get3A_680 = arith.constant 0 : i32
    %get3A_681 = arith.index_cast %get3A_680 : i32 to index
    %get3A_682 = arith.constant 48 : index
    %get3A_683 = tpu.vector_load %arg15[%get3A_681, %get3A_682] {strides = array<i32>} : memref<4x128xf32, #tpu.memory_space<vmem>>, vector<1x16xf32>,
    %get3A_684 = vector.shape_cast %get3A_683 : vector<1x16xf32> to vector<16xf32>
    %get3A_685 = arith.constant 0 : i32
    %get3A_686 = arith.index_cast %get3A_685 : i32 to index
    %get3A_687 = arith.constant 48 : index
    %get3A_688 = tpu.vector_load %arg16[%get3A_686, %get3A_687] {strides = array<i32>} : memref<4x128xf32, #tpu.memory_space<vmem>>, vector<1x16xf32>,
    %get3A_689 = vector.shape_cast %get3A_688 : vector<1x16xf32> to vector<16xf32>
    %get3A_690 = arith.constant 0 : i32
    %get3A_691 = arith.index_cast %get3A_690 : i32 to index
    %get3A_692 = arith.constant 48 : index
    %get3A_693 = tpu.vector_load %arg17[%get3A_691, %get3A_692] {strides = array<i32>} : memref<4x128xf32, #tpu.memory_space<vmem>>, vector<1x16xf32>,
    %get3A_694 = vector.shape_cast %get3A_693 : vector<1x16xf32> to vector<16xf32>
    %sub3A_695 = arith.subf %broadcast_in_dim3A_534, %get3A_684 : vector<16xf32>
    %mul3A_696 = arith.mulf %get3A_518, %sub3A_695 : vector<16xf32>
    %sub3A_697 = arith.subf %broadcast_in_dim3A_534, %get3A_689 : vector<16xf32>
    %mul3A_698 = arith.mulf %get3A_523, %sub3A_697 : vector<16xf32>
    %add3A_699 = arith.addf %mul3A_696, %mul3A_698 : vector<16xf32>
    %sub3A_700 = arith.subf %broadcast_in_dim3A_534, %get3A_694 : vector<16xf32>
    %mul3A_701 = arith.mulf %get3A_528, %sub3A_700 : vector<16xf32>
    %add3A_702 = arith.addf %add3A_699, %mul3A_701 : vector<16xf32>
    %sub3A_703 = arith.subf %get3A_533, %add3A_702 : vector<16xf32>
    %max3A_704 = arith.maximumf %sub3A_703, %broadcast_in_dim3A_536 : vector<16xf32>
    %min3A_705 = arith.minimumf %max3A_704, %broadcast_in_dim3A_534 : vector<16xf32>
    %swap3A_706 = arith.constant 0 : i32
    %swap3A_707 = arith.index_cast %swap3A_706 : i32 to index
    %swap3A_708 = arith.constant 48 : index
    %swap3A_709 = tpu.vector_load %arg19[%swap3A_707, %swap3A_708] {strides = array<i32>} : memref<4x128xf32, #tpu.memory_space<vmem>>, vector<1x16xf32>,
    %swap3A_710 = vector.shape_cast %swap3A_709 : vector<1x16xf32> to vector<16xf32>
    %swap3A_711 = vector.shape_cast %min3A_705 : vector<16xf32> to vector<1x16xf32>
    tpu.vector_store %arg19[%swap3A_707, %swap3A_708], %swap3A_711 {strides = array<i32>} : memref<4x128xf32, #tpu.memory_space<vmem>>, vector<1x16xf32>,
    %get3A_712 = arith.constant 0 : i32
    %get3A_713 = arith.index_cast %get3A_712 : i32 to index
    %get3A_714 = arith.constant 64 : index
    %get3A_715 = tpu.vector_load %arg15[%get3A_713, %get3A_714] {strides = array<i32>} : memref<4x128xf32, #tpu.memory_space<vmem>>, vector<1x16xf32>,
    %get3A_716 = vector.shape_cast %get3A_715 : vector<1x16xf32> to vector<16xf32>
    %get3A_717 = arith.constant 0 : i32
    %get3A_718 = arith.index_cast %get3A_717 : i32 to index
    %get3A_719 = arith.constant 64 : index
    %get3A_720 = tpu.vector_load %arg16[%get3A_718, %get3A_719] {strides = array<i32>} : memref<4x128xf32, #tpu.memory_space<vmem>>, vector<1x16xf32>,
    %get3A_721 = vector.shape_cast %get3A_720 : vector<1x16xf32> to vector<16xf32>
    %get3A_722 = arith.constant 0 : i32
    %get3A_723 = arith.index_cast %get3A_722 : i32 to index
    %get3A_724 = arith.constant 64 : index
    %get3A_725 = tpu.vector_load %arg17[%get3A_723, %get3A_724] {strides = array<i32>} : memref<4x128xf32, #tpu.memory_space<vmem>>, vector<1x16xf32>,
    %get3A_726 = vector.shape_cast %get3A_725 : vector<1x16xf32> to vector<16xf32>
    %sub3A_727 = arith.subf %broadcast_in_dim3A_534, %get3A_716 : vector<16xf32>
    %mul3A_728 = arith.mulf %get3A_518, %sub3A_727 : vector<16xf32>
    %sub3A_729 = arith.subf %broadcast_in_dim3A_534, %get3A_721 : vector<16xf32>
    %mul3A_730 = arith.mulf %get3A_523, %sub3A_729 : vector<16xf32>
    %add3A_731 = arith.addf %mul3A_728, %mul3A_730 : vector<16xf32>
    %sub3A_732 = arith.subf %broadcast_in_dim3A_534, %get3A_726 : vector<16xf32>
    %mul3A_733 = arith.mulf %get3A_528, %sub3A_732 : vector<16xf32>
    %add3A_734 = arith.addf %add3A_731, %mul3A_733 : vector<16xf32>
    %sub3A_735 = arith.subf %get3A_533, %add3A_734 : vector<16xf32>
    %max3A_736 = arith.maximumf %sub3A_735, %broadcast_in_dim3A_536 : vector<16xf32>
    %min3A_737 = arith.minimumf %max3A_736, %broadcast_in_dim3A_534 : vector<16xf32>
    %swap3A_738 = arith.constant 0 : i32
    %swap3A_739 = arith.index_cast %swap3A_738 : i32 to index
    %swap3A_740 = arith.constant 64 : index
    %swap3A_741 = tpu.vector_load %arg19[%swap3A_739, %swap3A_740] {strides = array<i32>} : memref<4x128xf32, #tpu.memory_space<vmem>>, vector<1x16xf32>,
    %swap3A_742 = vector.shape_cast %swap3A_741 : vector<1x16xf32> to vector<16xf32>
    %swap3A_743 = vector.shape_cast %min3A_737 : vector<16xf32> to vector<1x16xf32>
    tpu.vector_store %arg19[%swap3A_739, %swap3A_740], %swap3A_743 {strides = array<i32>} : memref<4x128xf32, #tpu.memory_space<vmem>>, vector<1x16xf32>,
    %get3A_744 = arith.constant 0 : i32
    %get3A_745 = arith.index_cast %get3A_744 : i32 to index
    %get3A_746 = arith.constant 80 : index
    %get3A_747 = tpu.vector_load %arg15[%get3A_745, %get3A_746] {strides = array<i32>} : memref<4x128xf32, #tpu.memory_space<vmem>>, vector<1x16xf32>,
    %get3A_748 = vector.shape_cast %get3A_747 : vector<1x16xf32> to vector<16xf32>
    %get3A_749 = arith.constant 0 : i32
    %get3A_750 = arith.index_cast %get3A_749 : i32 to index
    %get3A_751 = arith.constant 80 : index
    %get3A_752 = tpu.vector_load %arg16[%get3A_750, %get3A_751] {strides = array<i32>} : memref<4x128xf32, #tpu.memory_space<vmem>>, vector<1x16xf32>,
    %get3A_753 = vector.shape_cast %get3A_752 : vector<1x16xf32> to vector<16xf32>
    %get3A_754 = arith.constant 0 : i32
    %get3A_755 = arith.index_cast %get3A_754 : i32 to index
    %get3A_756 = arith.constant 80 : index
    %get3A_757 = tpu.vector_load %arg17[%get3A_755, %get3A_756] {strides = array<i32>} : memref<4x128xf32, #tpu.memory_space<vmem>>, vector<1x16xf32>,
    %get3A_758 = vector.shape_cast %get3A_757 : vector<1x16xf32> to vector<16xf32>
    %sub3A_759 = arith.subf %broadcast_in_dim3A_534, %get3A_748 : vector<16xf32>
    %mul3A_760 = arith.mulf %get3A_518, %sub3A_759 : vector<16xf32>
    %sub3A_761 = arith.subf %broadcast_in_dim3A_534, %get3A_753 : vector<16xf32>
    %mul3A_762 = arith.mulf %get3A_523, %sub3A_761 : vector<16xf32>
    %add3A_763 = arith.addf %mul3A_760, %mul3A_762 : vector<16xf32>
    %sub3A_764 = arith.subf %broadcast_in_dim3A_534, %get3A_758 : vector<16xf32>
    %mul3A_765 = arith.mulf %get3A_528, %sub3A_764 : vector<16xf32>
    %add3A_766 = arith.addf %add3A_763, %mul3A_765 : vector<16xf32>
    %sub3A_767 = arith.subf %get3A_533, %add3A_766 : vector<16xf32>
    %max3A_768 = arith.maximumf %sub3A_767, %broadcast_in_dim3A_536 : vector<16xf32>
    %min3A_769 = arith.minimumf %max3A_768, %broadcast_in_dim3A_534 : vector<16xf32>
    %swap3A_770 = arith.constant 0 : i32
    %swap3A_771 = arith.index_cast %swap3A_770 : i32 to index
    %swap3A_772 = arith.constant 80 : index
    %swap3A_773 = tpu.vector_load %arg19[%swap3A_771, %swap3A_772] {strides = array<i32>} : memref<4x128xf32, #tpu.memory_space<vmem>>, vector<1x16xf32>,
    %swap3A_774 = vector.shape_cast %swap3A_773 : vector<1x16xf32> to vector<16xf32>
    %swap3A_775 = vector.shape_cast %min3A_769 : vector<16xf32> to vector<1x16xf32>
    tpu.vector_store %arg19[%swap3A_771, %swap3A_772], %swap3A_775 {strides = array<i32>} : memref<4x128xf32, #tpu.memory_space<vmem>>, vector<1x16xf32>,
    %get3A_776 = arith.constant 0 : i32
    %get3A_777 = arith.index_cast %get3A_776 : i32 to index
    %get3A_778 = arith.constant 96 : index
    %get3A_779 = tpu.vector_load %arg15[%get3A_777, %get3A_778] {strides = array<i32>} : memref<4x128xf32, #tpu.memory_space<vmem>>, vector<1x16xf32>,
    %get3A_780 = vector.shape_cast %get3A_779 : vector<1x16xf32> to vector<16xf32>
    %get3A_781 = arith.constant 0 : i32
    %get3A_782 = arith.index_cast %get3A_781 : i32 to index
    %get3A_783 = arith.constant 96 : index
    %get3A_784 = tpu.vector_load %arg16[%get3A_782, %get3A_783] {strides = array<i32>} : memref<4x128xf32, #tpu.memory_space<vmem>>, vector<1x16xf32>,
    %get3A_785 = vector.shape_cast %get3A_784 : vector<1x16xf32> to vector<16xf32>
    %get3A_786 = arith.constant 0 : i32
    %get3A_787 = arith.index_cast %get3A_786 : i32 to index
    %get3A_788 = arith.constant 96 : index
    %get3A_789 = tpu.vector_load %arg17[%get3A_787, %get3A_788] {strides = array<i32>} : memref<4x128xf32, #tpu.memory_space<vmem>>, vector<1x16xf32>,
    %get3A_790 = vector.shape_cast %get3A_789 : vector<1x16xf32> to vector<16xf32>
    %sub3A_791 = arith.subf %broadcast_in_dim3A_534, %get3A_780 : vector<16xf32>
    %mul3A_792 = arith.mulf %get3A_518, %sub3A_791 : vector<16xf32>
    %sub3A_793 = arith.subf %broadcast_in_dim3A_534, %get3A_785 : vector<16xf32>
    %mul3A_794 = arith.mulf %get3A_523, %sub3A_793 : vector<16xf32>
    %add3A_795 = arith.addf %mul3A_792, %mul3A_794 : vector<16xf32>
    %sub3A_796 = arith.subf %broadcast_in_dim3A_534, %get3A_790 : vector<16xf32>
    %mul3A_797 = arith.mulf %get3A_528, %sub3A_796 : vector<16xf32>
    %add3A_798 = arith.addf %add3A_795, %mul3A_797 : vector<16xf32>
    %sub3A_799 = arith.subf %get3A_533, %add3A_798 : vector<16xf32>
    %max3A_800 = arith.maximumf %sub3A_799, %broadcast_in_dim3A_536 : vector<16xf32>
    %min3A_801 = arith.minimumf %max3A_800, %broadcast_in_dim3A_534 : vector<16xf32>
    %swap3A_802 = arith.constant 0 : i32
    %swap3A_803 = arith.index_cast %swap3A_802 : i32 to index
    %swap3A_804 = arith.constant 96 : index
    %swap3A_805 = tpu.vector_load %arg19[%swap3A_803, %swap3A_804] {strides = array<i32>} : memref<4x128xf32, #tpu.memory_space<vmem>>, vector<1x16xf32>,
    %swap3A_806 = vector.shape_cast %swap3A_805 : vector<1x16xf32> to vector<16xf32>
    %swap3A_807 = vector.shape_cast %min3A_801 : vector<16xf32> to vector<1x16xf32>
    tpu.vector_store %arg19[%swap3A_803, %swap3A_804], %swap3A_807 {strides = array<i32>} : memref<4x128xf32, #tpu.memory_space<vmem>>, vector<1x16xf32>,
    %get3A_808 = arith.constant 0 : i32
    %get3A_809 = arith.index_cast %get3A_808 : i32 to index
    %get3A_810 = arith.constant 112 : index
    %get3A_811 = tpu.vector_load %arg15[%get3A_809, %get3A_810] {strides = array<i32>} : memref<4x128xf32, #tpu.memory_space<vmem>>, vector<1x16xf32>,
    %get3A_812 = vector.shape_cast %get3A_811 : vector<1x16xf32> to vector<16xf32>
    %get3A_813 = arith.constant 0 : i32
    %get3A_814 = arith.index_cast %get3A_813 : i32 to index
    %get3A_815 = arith.constant 112 : index
    %get3A_816 = tpu.vector_load %arg16[%get3A_814, %get3A_815] {strides = array<i32>} : memref<4x128xf32, #tpu.memory_space<vmem>>, vector<1x16xf32>,
    %get3A_817 = vector.shape_cast %get3A_816 : vector<1x16xf32> to vector<16xf32>
    %get3A_818 = arith.constant 0 : i32
    %get3A_819 = arith.index_cast %get3A_818 : i32 to index
    %get3A_820 = arith.constant 112 : index
    %get3A_821 = tpu.vector_load %arg17[%get3A_819, %get3A_820] {strides = array<i32>} : memref<4x128xf32, #tpu.memory_space<vmem>>, vector<1x16xf32>,
    %get3A_822 = vector.shape_cast %get3A_821 : vector<1x16xf32> to vector<16xf32>
    %sub3A_823 = arith.subf %broadcast_in_dim3A_534, %get3A_812 : vector<16xf32>
    %mul3A_824 = arith.mulf %get3A_518, %sub3A_823 : vector<16xf32>
    %sub3A_825 = arith.subf %broadcast_in_dim3A_534, %get3A_817 : vector<16xf32>
    %mul3A_826 = arith.mulf %get3A_523, %sub3A_825 : vector<16xf32>
    %add3A_827 = arith.addf %mul3A_824, %mul3A_826 : vector<16xf32>
    %sub3A_828 = arith.subf %broadcast_in_dim3A_534, %get3A_822 : vector<16xf32>
    %mul3A_829 = arith.mulf %get3A_528, %sub3A_828 : vector<16xf32>
    %add3A_830 = arith.addf %add3A_827, %mul3A_829 : vector<16xf32>
    %sub3A_831 = arith.subf %get3A_533, %add3A_830 : vector<16xf32>
    %max3A_832 = arith.maximumf %sub3A_831, %broadcast_in_dim3A_536 : vector<16xf32>
    %min3A_833 = arith.minimumf %max3A_832, %broadcast_in_dim3A_534 : vector<16xf32>
    %swap3A_834 = arith.constant 0 : i32
    %swap3A_835 = arith.index_cast %swap3A_834 : i32 to index
    %swap3A_836 = arith.constant 112 : index
    %swap3A_837 = tpu.vector_load %arg19[%swap3A_835, %swap3A_836] {strides = array<i32>} : memref<4x128xf32, #tpu.memory_space<vmem>>, vector<1x16xf32>,
    %swap3A_838 = vector.shape_cast %swap3A_837 : vector<1x16xf32> to vector<16xf32>
    %swap3A_839 = vector.shape_cast %min3A_833 : vector<16xf32> to vector<1x16xf32>
    tpu.vector_store %arg19[%swap3A_835, %swap3A_836], %swap3A_839 {strides = array<i32>} : memref<4x128xf32, #tpu.memory_space<vmem>>, vector<1x16xf32>,
    %dma_wait3A_840 = arith.constant 0 : i32
    %dma_wait3A_841 = arith.constant 1 : i32
    %dma_wait3A_842 = arith.constant 1 : i32
    %dma_wait3A_843 = arith.constant 1 : i32
    %dma_wait3A_844 = arith.constant 0 : i32
    %dma_wait3A_845 = tpu.memref_slice %arg15[%dma_wait3A_842, %dma_wait3A_844] : memref<4x128xf32, #tpu.memory_space<vmem>> -> memref<1x128xf32, #tpu.memory_space<vmem>>
    %dma_wait3A_846 = tpu.memref_squeeze %dma_wait3A_845 : memref<1x128xf32, #tpu.memory_space<vmem>> -> memref<128xf32, #tpu.memory_space<vmem>>
    %dma_wait3A_847 = arith.constant 0 : i32
    %dma_wait3A_848 = tpu.memref_slice %arg12[%dma_wait3A_841, %dma_wait3A_847] : memref<4x128xi32, #tpu.memory_space<vmem>> -> memref<1x128xi32, #tpu.memory_space<vmem>>
    %dma_wait3A_849 = tpu.memref_squeeze %dma_wait3A_848 : memref<1x128xi32, #tpu.memory_space<vmem>> -> memref<128xi32, #tpu.memory_space<vmem>>
    %dma_wait3A_850 = arith.constant 0 : i32
    %dma_wait3A_851 = tpu.memref_slice %arg7[%dma_wait3A_840, %dma_wait3A_850] : memref<1x1000000xf32, #tpu.memory_space<hbm>> -> memref<1x1000000xf32, #tpu.memory_space<hbm>>
    %dma_wait3A_852 = tpu.memref_squeeze %dma_wait3A_851 : memref<1x1000000xf32, #tpu.memory_space<hbm>> -> memref<1000000xf32, #tpu.memory_space<hbm>>
    %dma_wait3A_853 = arith.constant 0 : i32
    %dma_wait3A_854 = tpu.memref_slice %dma_wait3A_852[%dma_wait3A_853] : memref<1000000xf32, #tpu.memory_space<hbm>> -> memref<1000000xf32, #tpu.memory_space<hbm>>
    %dma_wait3A_855 = tpu.memref_slice %arg20[%dma_wait3A_843] : memref<4x!tpu.dma_semaphore, #tpu.memory_space<semaphore_mem>> -> memref<1x!tpu.dma_semaphore, #tpu.memory_space<semaphore_mem>>
    %dma_wait3A_856 = tpu.memref_squeeze %dma_wait3A_855 : memref<1x!tpu.dma_semaphore, #tpu.memory_space<semaphore_mem>> -> memref<!tpu.dma_semaphore, #tpu.memory_space<semaphore_mem>>
    tpu.wait_indirect_dma semaphore(%dma_wait3A_856 : memref<!tpu.dma_semaphore, #tpu.memory_space<semaphore_mem>>) src(%dma_wait3A_854 : memref<1000000xf32, #tpu.memory_space<hbm>>) dst(%dma_wait3A_846 : memref<128xf32, #tpu.memory_space<vmem>>)
    %dma_wait3A_857 = arith.constant 0 : i32
    %dma_wait3A_858 = arith.constant 1 : i32
    %dma_wait3A_859 = arith.constant 1 : i32
    %dma_wait3A_860 = arith.constant 1 : i32
    %dma_wait3A_861 = arith.constant 0 : i32
    %dma_wait3A_862 = tpu.memref_slice %arg16[%dma_wait3A_859, %dma_wait3A_861] : memref<4x128xf32, #tpu.memory_space<vmem>> -> memref<1x128xf32, #tpu.memory_space<vmem>>
    %dma_wait3A_863 = tpu.memref_squeeze %dma_wait3A_862 : memref<1x128xf32, #tpu.memory_space<vmem>> -> memref<128xf32, #tpu.memory_space<vmem>>
    %dma_wait3A_864 = arith.constant 0 : i32
    %dma_wait3A_865 = tpu.memref_slice %arg13[%dma_wait3A_858, %dma_wait3A_864] : memref<4x128xi32, #tpu.memory_space<vmem>> -> memref<1x128xi32, #tpu.memory_space<vmem>>
    %dma_wait3A_866 = tpu.memref_squeeze %dma_wait3A_865 : memref<1x128xi32, #tpu.memory_space<vmem>> -> memref<128xi32, #tpu.memory_space<vmem>>
    %dma_wait3A_867 = arith.constant 0 : i32
    %dma_wait3A_868 = tpu.memref_slice %arg8[%dma_wait3A_857, %dma_wait3A_867] : memref<1x1000000xf32, #tpu.memory_space<hbm>> -> memref<1x1000000xf32, #tpu.memory_space<hbm>>
    %dma_wait3A_869 = tpu.memref_squeeze %dma_wait3A_868 : memref<1x1000000xf32, #tpu.memory_space<hbm>> -> memref<1000000xf32, #tpu.memory_space<hbm>>
    %dma_wait3A_870 = arith.constant 0 : i32
    %dma_wait3A_871 = tpu.memref_slice %dma_wait3A_869[%dma_wait3A_870] : memref<1000000xf32, #tpu.memory_space<hbm>> -> memref<1000000xf32, #tpu.memory_space<hbm>>
    %dma_wait3A_872 = tpu.memref_slice %arg20[%dma_wait3A_860] : memref<4x!tpu.dma_semaphore, #tpu.memory_space<semaphore_mem>> -> memref<1x!tpu.dma_semaphore, #tpu.memory_space<semaphore_mem>>
    %dma_wait3A_873 = tpu.memref_squeeze %dma_wait3A_872 : memref<1x!tpu.dma_semaphore, #tpu.memory_space<semaphore_mem>> -> memref<!tpu.dma_semaphore, #tpu.memory_space<semaphore_mem>>
    tpu.wait_indirect_dma semaphore(%dma_wait3A_873 : memref<!tpu.dma_semaphore, #tpu.memory_space<semaphore_mem>>) src(%dma_wait3A_871 : memref<1000000xf32, #tpu.memory_space<hbm>>) dst(%dma_wait3A_863 : memref<128xf32, #tpu.memory_space<vmem>>)
    %dma_wait3A_874 = arith.constant 0 : i32
    %dma_wait3A_875 = arith.constant 1 : i32
    %dma_wait3A_876 = arith.constant 1 : i32
    %dma_wait3A_877 = arith.constant 1 : i32
    %dma_wait3A_878 = arith.constant 0 : i32
    %dma_wait3A_879 = tpu.memref_slice %arg17[%dma_wait3A_876, %dma_wait3A_878] : memref<4x128xf32, #tpu.memory_space<vmem>> -> memref<1x128xf32, #tpu.memory_space<vmem>>
    %dma_wait3A_880 = tpu.memref_squeeze %dma_wait3A_879 : memref<1x128xf32, #tpu.memory_space<vmem>> -> memref<128xf32, #tpu.memory_space<vmem>>
    %dma_wait3A_881 = arith.constant 0 : i32
    %dma_wait3A_882 = tpu.memref_slice %arg14[%dma_wait3A_875, %dma_wait3A_881] : memref<4x128xi32, #tpu.memory_space<vmem>> -> memref<1x128xi32, #tpu.memory_space<vmem>>
    %dma_wait3A_883 = tpu.memref_squeeze %dma_wait3A_882 : memref<1x128xi32, #tpu.memory_space<vmem>> -> memref<128xi32, #tpu.memory_space<vmem>>
    %dma_wait3A_884 = arith.constant 0 : i32
    %dma_wait3A_885 = tpu.memref_slice %arg9[%dma_wait3A_874, %dma_wait3A_884] : memref<1x1000000xf32, #tpu.memory_space<hbm>> -> memref<1x1000000xf32, #tpu.memory_space<hbm>>
    %dma_wait3A_886 = tpu.memref_squeeze %dma_wait3A_885 : memref<1x1000000xf32, #tpu.memory_space<hbm>> -> memref<1000000xf32, #tpu.memory_space<hbm>>
    %dma_wait3A_887 = arith.constant 0 : i32
    %dma_wait3A_888 = tpu.memref_slice %dma_wait3A_886[%dma_wait3A_887] : memref<1000000xf32, #tpu.memory_space<hbm>> -> memref<1000000xf32, #tpu.memory_space<hbm>>
    %dma_wait3A_889 = tpu.memref_slice %arg20[%dma_wait3A_877] : memref<4x!tpu.dma_semaphore, #tpu.memory_space<semaphore_mem>> -> memref<1x!tpu.dma_semaphore, #tpu.memory_space<semaphore_mem>>
    %dma_wait3A_890 = tpu.memref_squeeze %dma_wait3A_889 : memref<1x!tpu.dma_semaphore, #tpu.memory_space<semaphore_mem>> -> memref<!tpu.dma_semaphore, #tpu.memory_space<semaphore_mem>>
    tpu.wait_indirect_dma semaphore(%dma_wait3A_890 : memref<!tpu.dma_semaphore, #tpu.memory_space<semaphore_mem>>) src(%dma_wait3A_888 : memref<1000000xf32, #tpu.memory_space<hbm>>) dst(%dma_wait3A_880 : memref<128xf32, #tpu.memory_space<vmem>>)
    %get3A_891 = arith.constant 1 : i32
    %get3A_892 = arith.index_cast %get3A_891 : i32 to index
    %get3A_893 = arith.constant 0 : index
    %get3A_894 = tpu.vector_load %arg15[%get3A_892, %get3A_893] {strides = array<i32>} : memref<4x128xf32, #tpu.memory_space<vmem>>, vector<1x16xf32>,
    %get3A_895 = vector.shape_cast %get3A_894 : vector<1x16xf32> to vector<16xf32>
    %get3A_896 = arith.constant 1 : i32
    %get3A_897 = arith.index_cast %get3A_896 : i32 to index
    %get3A_898 = arith.constant 0 : index
    %get3A_899 = tpu.vector_load %arg16[%get3A_897, %get3A_898] {strides = array<i32>} : memref<4x128xf32, #tpu.memory_space<vmem>>, vector<1x16xf32>,
    %get3A_900 = vector.shape_cast %get3A_899 : vector<1x16xf32> to vector<16xf32>
    %get3A_901 = arith.constant 1 : i32
    %get3A_902 = arith.index_cast %get3A_901 : i32 to index
    %get3A_903 = arith.constant 0 : index
    %get3A_904 = tpu.vector_load %arg17[%get3A_902, %get3A_903] {strides = array<i32>} : memref<4x128xf32, #tpu.memory_space<vmem>>, vector<1x16xf32>,
    %get3A_905 = vector.shape_cast %get3A_904 : vector<1x16xf32> to vector<16xf32>
    %sub3A_906 = arith.subf %broadcast_in_dim3A_534, %get3A_895 : vector<16xf32>
    %mul3A_907 = arith.mulf %get3A_518, %sub3A_906 : vector<16xf32>
    %sub3A_908 = arith.subf %broadcast_in_dim3A_534, %get3A_900 : vector<16xf32>
    %mul3A_909 = arith.mulf %get3A_523, %sub3A_908 : vector<16xf32>
    %add3A_910 = arith.addf %mul3A_907, %mul3A_909 : vector<16xf32>
    %sub3A_911 = arith.subf %broadcast_in_dim3A_534, %get3A_905 : vector<16xf32>
    %mul3A_912 = arith.mulf %get3A_528, %sub3A_911 : vector<16xf32>
    %add3A_913 = arith.addf %add3A_910, %mul3A_912 : vector<16xf32>
    %sub3A_914 = arith.subf %get3A_533, %add3A_913 : vector<16xf32>
    %max3A_915 = arith.maximumf %sub3A_914, %broadcast_in_dim3A_536 : vector<16xf32>
    %min3A_916 = arith.minimumf %max3A_915, %broadcast_in_dim3A_534 : vector<16xf32>
    %swap3A_917 = arith.constant 1 : i32
    %swap3A_918 = arith.index_cast %swap3A_917 : i32 to index
    %swap3A_919 = arith.constant 0 : index
    %swap3A_920 = tpu.vector_load %arg19[%swap3A_918, %swap3A_919] {strides = array<i32>} : memref<4x128xf32, #tpu.memory_space<vmem>>, vector<1x16xf32>,
    %swap3A_921 = vector.shape_cast %swap3A_920 : vector<1x16xf32> to vector<16xf32>
    %swap3A_922 = vector.shape_cast %min3A_916 : vector<16xf32> to vector<1x16xf32>
    tpu.vector_store %arg19[%swap3A_918, %swap3A_919], %swap3A_922 {strides = array<i32>} : memref<4x128xf32, #tpu.memory_space<vmem>>, vector<1x16xf32>,
    %get3A_923 = arith.constant 1 : i32
    %get3A_924 = arith.index_cast %get3A_923 : i32 to index
    %get3A_925 = arith.constant 16 : index
    %get3A_926 = tpu.vector_load %arg15[%get3A_924, %get3A_925] {strides = array<i32>} : memref<4x128xf32, #tpu.memory_space<vmem>>, vector<1x16xf32>,
    %get3A_927 = vector.shape_cast %get3A_926 : vector<1x16xf32> to vector<16xf32>
    %get3A_928 = arith.constant 1 : i32
    %get3A_929 = arith.index_cast %get3A_928 : i32 to index
    %get3A_930 = arith.constant 16 : index
    %get3A_931 = tpu.vector_load %arg16[%get3A_929, %get3A_930] {strides = array<i32>} : memref<4x128xf32, #tpu.memory_space<vmem>>, vector<1x16xf32>,
    %get3A_932 = vector.shape_cast %get3A_931 : vector<1x16xf32> to vector<16xf32>
    %get3A_933 = arith.constant 1 : i32
    %get3A_934 = arith.index_cast %get3A_933 : i32 to index
    %get3A_935 = arith.constant 16 : index
    %get3A_936 = tpu.vector_load %arg17[%get3A_934, %get3A_935] {strides = array<i32>} : memref<4x128xf32, #tpu.memory_space<vmem>>, vector<1x16xf32>,
    %get3A_937 = vector.shape_cast %get3A_936 : vector<1x16xf32> to vector<16xf32>
    %sub3A_938 = arith.subf %broadcast_in_dim3A_534, %get3A_927 : vector<16xf32>
    %mul3A_939 = arith.mulf %get3A_518, %sub3A_938 : vector<16xf32>
    %sub3A_940 = arith.subf %broadcast_in_dim3A_534, %get3A_932 : vector<16xf32>
    %mul3A_941 = arith.mulf %get3A_523, %sub3A_940 : vector<16xf32>
    %add3A_942 = arith.addf %mul3A_939, %mul3A_941 : vector<16xf32>
    %sub3A_943 = arith.subf %broadcast_in_dim3A_534, %get3A_937 : vector<16xf32>
    %mul3A_944 = arith.mulf %get3A_528, %sub3A_943 : vector<16xf32>
    %add3A_945 = arith.addf %add3A_942, %mul3A_944 : vector<16xf32>
    %sub3A_946 = arith.subf %get3A_533, %add3A_945 : vector<16xf32>
    %max3A_947 = arith.maximumf %sub3A_946, %broadcast_in_dim3A_536 : vector<16xf32>
    %min3A_948 = arith.minimumf %max3A_947, %broadcast_in_dim3A_534 : vector<16xf32>
    %swap3A_949 = arith.constant 1 : i32
    %swap3A_950 = arith.index_cast %swap3A_949 : i32 to index
    %swap3A_951 = arith.constant 16 : index
    %swap3A_952 = tpu.vector_load %arg19[%swap3A_950, %swap3A_951] {strides = array<i32>} : memref<4x128xf32, #tpu.memory_space<vmem>>, vector<1x16xf32>,
    %swap3A_953 = vector.shape_cast %swap3A_952 : vector<1x16xf32> to vector<16xf32>
    %swap3A_954 = vector.shape_cast %min3A_948 : vector<16xf32> to vector<1x16xf32>
    tpu.vector_store %arg19[%swap3A_950, %swap3A_951], %swap3A_954 {strides = array<i32>} : memref<4x128xf32, #tpu.memory_space<vmem>>, vector<1x16xf32>,
    %get3A_955 = arith.constant 1 : i32
    %get3A_956 = arith.index_cast %get3A_955 : i32 to index
    %get3A_957 = arith.constant 32 : index
    %get3A_958 = tpu.vector_load %arg15[%get3A_956, %get3A_957] {strides = array<i32>} : memref<4x128xf32, #tpu.memory_space<vmem>>, vector<1x16xf32>,
    %get3A_959 = vector.shape_cast %get3A_958 : vector<1x16xf32> to vector<16xf32>
    %get3A_960 = arith.constant 1 : i32
    %get3A_961 = arith.index_cast %get3A_960 : i32 to index
    %get3A_962 = arith.constant 32 : index
    %get3A_963 = tpu.vector_load %arg16[%get3A_961, %get3A_962] {strides = array<i32>} : memref<4x128xf32, #tpu.memory_space<vmem>>, vector<1x16xf32>,
    %get3A_964 = vector.shape_cast %get3A_963 : vector<1x16xf32> to vector<16xf32>
    %get3A_965 = arith.constant 1 : i32
    %get3A_966 = arith.index_cast %get3A_965 : i32 to index
    %get3A_967 = arith.constant 32 : index
    %get3A_968 = tpu.vector_load %arg17[%get3A_966, %get3A_967] {strides = array<i32>} : memref<4x128xf32, #tpu.memory_space<vmem>>, vector<1x16xf32>,
    %get3A_969 = vector.shape_cast %get3A_968 : vector<1x16xf32> to vector<16xf32>
    %sub3A_970 = arith.subf %broadcast_in_dim3A_534, %get3A_959 : vector<16xf32>
    %mul3A_971 = arith.mulf %get3A_518, %sub3A_970 : vector<16xf32>
    %sub3A_972 = arith.subf %broadcast_in_dim3A_534, %get3A_964 : vector<16xf32>
    %mul3A_973 = arith.mulf %get3A_523, %sub3A_972 : vector<16xf32>
    %add3A_974 = arith.addf %mul3A_971, %mul3A_973 : vector<16xf32>
    %sub3A_975 = arith.subf %broadcast_in_dim3A_534, %get3A_969 : vector<16xf32>
    %mul3A_976 = arith.mulf %get3A_528, %sub3A_975 : vector<16xf32>
    %add3A_977 = arith.addf %add3A_974, %mul3A_976 : vector<16xf32>
    %sub3A_978 = arith.subf %get3A_533, %add3A_977 : vector<16xf32>
    %max3A_979 = arith.maximumf %sub3A_978, %broadcast_in_dim3A_536 : vector<16xf32>
    %min3A_980 = arith.minimumf %max3A_979, %broadcast_in_dim3A_534 : vector<16xf32>
    %swap3A_981 = arith.constant 1 : i32
    %swap3A_982 = arith.index_cast %swap3A_981 : i32 to index
    %swap3A_983 = arith.constant 32 : index
    %swap3A_984 = tpu.vector_load %arg19[%swap3A_982, %swap3A_983] {strides = array<i32>} : memref<4x128xf32, #tpu.memory_space<vmem>>, vector<1x16xf32>,
    %swap3A_985 = vector.shape_cast %swap3A_984 : vector<1x16xf32> to vector<16xf32>
    %swap3A_986 = vector.shape_cast %min3A_980 : vector<16xf32> to vector<1x16xf32>
    tpu.vector_store %arg19[%swap3A_982, %swap3A_983], %swap3A_986 {strides = array<i32>} : memref<4x128xf32, #tpu.memory_space<vmem>>, vector<1x16xf32>,
    %get3A_987 = arith.constant 1 : i32
    %get3A_988 = arith.index_cast %get3A_987 : i32 to index
    %get3A_989 = arith.constant 48 : index
    %get3A_990 = tpu.vector_load %arg15[%get3A_988, %get3A_989] {strides = array<i32>} : memref<4x128xf32, #tpu.memory_space<vmem>>, vector<1x16xf32>,
    %get3A_991 = vector.shape_cast %get3A_990 : vector<1x16xf32> to vector<16xf32>
    %get3A_992 = arith.constant 1 : i32
    %get3A_993 = arith.index_cast %get3A_992 : i32 to index
    %get3A_994 = arith.constant 48 : index
    %get3A_995 = tpu.vector_load %arg16[%get3A_993, %get3A_994] {strides = array<i32>} : memref<4x128xf32, #tpu.memory_space<vmem>>, vector<1x16xf32>,
    %get3A_996 = vector.shape_cast %get3A_995 : vector<1x16xf32> to vector<16xf32>
    %get3A_997 = arith.constant 1 : i32
    %get3A_998 = arith.index_cast %get3A_997 : i32 to index
    %get3A_999 = arith.constant 48 : index
    %get3A_1000 = tpu.vector_load %arg17[%get3A_998, %get3A_999] {strides = array<i32>} : memref<4x128xf32, #tpu.memory_space<vmem>>, vector<1x16xf32>,
    %get3A_1001 = vector.shape_cast %get3A_1000 : vector<1x16xf32> to vector<16xf32>
    %sub3A_1002 = arith.subf %broadcast_in_dim3A_534, %get3A_991 : vector<16xf32>
    %mul3A_1003 = arith.mulf %get3A_518, %sub3A_1002 : vector<16xf32>
    %sub3A_1004 = arith.subf %broadcast_in_dim3A_534, %get3A_996 : vector<16xf32>
    %mul3A_1005 = arith.mulf %get3A_523, %sub3A_1004 : vector<16xf32>
    %add3A_1006 = arith.addf %mul3A_1003, %mul3A_1005 : vector<16xf32>
    %sub3A_1007 = arith.subf %broadcast_in_dim3A_534, %get3A_1001 : vector<16xf32>
    %mul3A_1008 = arith.mulf %get3A_528, %sub3A_1007 : vector<16xf32>
    %add3A_1009 = arith.addf %add3A_1006, %mul3A_1008 : vector<16xf32>
    %sub3A_1010 = arith.subf %get3A_533, %add3A_1009 : vector<16xf32>
    %max3A_1011 = arith.maximumf %sub3A_1010, %broadcast_in_dim3A_536 : vector<16xf32>
    %min3A_1012 = arith.minimumf %max3A_1011, %broadcast_in_dim3A_534 : vector<16xf32>
    %swap3A_1013 = arith.constant 1 : i32
    %swap3A_1014 = arith.index_cast %swap3A_1013 : i32 to index
    %swap3A_1015 = arith.constant 48 : index
    %swap3A_1016 = tpu.vector_load %arg19[%swap3A_1014, %swap3A_1015] {strides = array<i32>} : memref<4x128xf32, #tpu.memory_space<vmem>>, vector<1x16xf32>,
    %swap3A_1017 = vector.shape_cast %swap3A_1016 : vector<1x16xf32> to vector<16xf32>
    %swap3A_1018 = vector.shape_cast %min3A_1012 : vector<16xf32> to vector<1x16xf32>
    tpu.vector_store %arg19[%swap3A_1014, %swap3A_1015], %swap3A_1018 {strides = array<i32>} : memref<4x128xf32, #tpu.memory_space<vmem>>, vector<1x16xf32>,
    %get3A_1019 = arith.constant 1 : i32
    %get3A_1020 = arith.index_cast %get3A_1019 : i32 to index
    %get3A_1021 = arith.constant 64 : index
    %get3A_1022 = tpu.vector_load %arg15[%get3A_1020, %get3A_1021] {strides = array<i32>} : memref<4x128xf32, #tpu.memory_space<vmem>>, vector<1x16xf32>,
    %get3A_1023 = vector.shape_cast %get3A_1022 : vector<1x16xf32> to vector<16xf32>
    %get3A_1024 = arith.constant 1 : i32
    %get3A_1025 = arith.index_cast %get3A_1024 : i32 to index
    %get3A_1026 = arith.constant 64 : index
    %get3A_1027 = tpu.vector_load %arg16[%get3A_1025, %get3A_1026] {strides = array<i32>} : memref<4x128xf32, #tpu.memory_space<vmem>>, vector<1x16xf32>,
    %get3A_1028 = vector.shape_cast %get3A_1027 : vector<1x16xf32> to vector<16xf32>
    %get3A_1029 = arith.constant 1 : i32
    %get3A_1030 = arith.index_cast %get3A_1029 : i32 to index
    %get3A_1031 = arith.constant 64 : index
    %get3A_1032 = tpu.vector_load %arg17[%get3A_1030, %get3A_1031] {strides = array<i32>} : memref<4x128xf32, #tpu.memory_space<vmem>>, vector<1x16xf32>,
    %get3A_1033 = vector.shape_cast %get3A_1032 : vector<1x16xf32> to vector<16xf32>
    %sub3A_1034 = arith.subf %broadcast_in_dim3A_534, %get3A_1023 : vector<16xf32>
    %mul3A_1035 = arith.mulf %get3A_518, %sub3A_1034 : vector<16xf32>
    %sub3A_1036 = arith.subf %broadcast_in_dim3A_534, %get3A_1028 : vector<16xf32>
    %mul3A_1037 = arith.mulf %get3A_523, %sub3A_1036 : vector<16xf32>
    %add3A_1038 = arith.addf %mul3A_1035, %mul3A_1037 : vector<16xf32>
    %sub3A_1039 = arith.subf %broadcast_in_dim3A_534, %get3A_1033 : vector<16xf32>
    %mul3A_1040 = arith.mulf %get3A_528, %sub3A_1039 : vector<16xf32>
    %add3A_1041 = arith.addf %add3A_1038, %mul3A_1040 : vector<16xf32>
    %sub3A_1042 = arith.subf %get3A_533, %add3A_1041 : vector<16xf32>
    %max3A_1043 = arith.maximumf %sub3A_1042, %broadcast_in_dim3A_536 : vector<16xf32>
    %min3A_1044 = arith.minimumf %max3A_1043, %broadcast_in_dim3A_534 : vector<16xf32>
    %swap3A_1045 = arith.constant 1 : i32
    %swap3A_1046 = arith.index_cast %swap3A_1045 : i32 to index
    %swap3A_1047 = arith.constant 64 : index
    %swap3A_1048 = tpu.vector_load %arg19[%swap3A_1046, %swap3A_1047] {strides = array<i32>} : memref<4x128xf32, #tpu.memory_space<vmem>>, vector<1x16xf32>,
    %swap3A_1049 = vector.shape_cast %swap3A_1048 : vector<1x16xf32> to vector<16xf32>
    %swap3A_1050 = vector.shape_cast %min3A_1044 : vector<16xf32> to vector<1x16xf32>
    tpu.vector_store %arg19[%swap3A_1046, %swap3A_1047], %swap3A_1050 {strides = array<i32>} : memref<4x128xf32, #tpu.memory_space<vmem>>, vector<1x16xf32>,
    %get3A_1051 = arith.constant 1 : i32
    %get3A_1052 = arith.index_cast %get3A_1051 : i32 to index
    %get3A_1053 = arith.constant 80 : index
    %get3A_1054 = tpu.vector_load %arg15[%get3A_1052, %get3A_1053] {strides = array<i32>} : memref<4x128xf32, #tpu.memory_space<vmem>>, vector<1x16xf32>,
    %get3A_1055 = vector.shape_cast %get3A_1054 : vector<1x16xf32> to vector<16xf32>
    %get3A_1056 = arith.constant 1 : i32
    %get3A_1057 = arith.index_cast %get3A_1056 : i32 to index
    %get3A_1058 = arith.constant 80 : index
    %get3A_1059 = tpu.vector_load %arg16[%get3A_1057, %get3A_1058] {strides = array<i32>} : memref<4x128xf32, #tpu.memory_space<vmem>>, vector<1x16xf32>,
    %get3A_1060 = vector.shape_cast %get3A_1059 : vector<1x16xf32> to vector<16xf32>
    %get3A_1061 = arith.constant 1 : i32
    %get3A_1062 = arith.index_cast %get3A_1061 : i32 to index
    %get3A_1063 = arith.constant 80 : index
    %get3A_1064 = tpu.vector_load %arg17[%get3A_1062, %get3A_1063] {strides = array<i32>} : memref<4x128xf32, #tpu.memory_space<vmem>>, vector<1x16xf32>,
    %get3A_1065 = vector.shape_cast %get3A_1064 : vector<1x16xf32> to vector<16xf32>
    %sub3A_1066 = arith.subf %broadcast_in_dim3A_534, %get3A_1055 : vector<16xf32>
    %mul3A_1067 = arith.mulf %get3A_518, %sub3A_1066 : vector<16xf32>
    %sub3A_1068 = arith.subf %broadcast_in_dim3A_534, %get3A_1060 : vector<16xf32>
    %mul3A_1069 = arith.mulf %get3A_523, %sub3A_1068 : vector<16xf32>
    %add3A_1070 = arith.addf %mul3A_1067, %mul3A_1069 : vector<16xf32>
    %sub3A_1071 = arith.subf %broadcast_in_dim3A_534, %get3A_1065 : vector<16xf32>
    %mul3A_1072 = arith.mulf %get3A_528, %sub3A_1071 : vector<16xf32>
    %add3A_1073 = arith.addf %add3A_1070, %mul3A_1072 : vector<16xf32>
    %sub3A_1074 = arith.subf %get3A_533, %add3A_1073 : vector<16xf32>
    %max3A_1075 = arith.maximumf %sub3A_1074, %broadcast_in_dim3A_536 : vector<16xf32>
    %min3A_1076 = arith.minimumf %max3A_1075, %broadcast_in_dim3A_534 : vector<16xf32>
    %swap3A_1077 = arith.constant 1 : i32
    %swap3A_1078 = arith.index_cast %swap3A_1077 : i32 to index
    %swap3A_1079 = arith.constant 80 : index
    %swap3A_1080 = tpu.vector_load %arg19[%swap3A_1078, %swap3A_1079] {strides = array<i32>} : memref<4x128xf32, #tpu.memory_space<vmem>>, vector<1x16xf32>,
    %swap3A_1081 = vector.shape_cast %swap3A_1080 : vector<1x16xf32> to vector<16xf32>
    %swap3A_1082 = vector.shape_cast %min3A_1076 : vector<16xf32> to vector<1x16xf32>
    tpu.vector_store %arg19[%swap3A_1078, %swap3A_1079], %swap3A_1082 {strides = array<i32>} : memref<4x128xf32, #tpu.memory_space<vmem>>, vector<1x16xf32>,
    %get3A_1083 = arith.constant 1 : i32
    %get3A_1084 = arith.index_cast %get3A_1083 : i32 to index
    %get3A_1085 = arith.constant 96 : index
    %get3A_1086 = tpu.vector_load %arg15[%get3A_1084, %get3A_1085] {strides = array<i32>} : memref<4x128xf32, #tpu.memory_space<vmem>>, vector<1x16xf32>,
    %get3A_1087 = vector.shape_cast %get3A_1086 : vector<1x16xf32> to vector<16xf32>
    %get3A_1088 = arith.constant 1 : i32
    %get3A_1089 = arith.index_cast %get3A_1088 : i32 to index
    %get3A_1090 = arith.constant 96 : index
    %get3A_1091 = tpu.vector_load %arg16[%get3A_1089, %get3A_1090] {strides = array<i32>} : memref<4x128xf32, #tpu.memory_space<vmem>>, vector<1x16xf32>,
    %get3A_1092 = vector.shape_cast %get3A_1091 : vector<1x16xf32> to vector<16xf32>
    %get3A_1093 = arith.constant 1 : i32
    %get3A_1094 = arith.index_cast %get3A_1093 : i32 to index
    %get3A_1095 = arith.constant 96 : index
    %get3A_1096 = tpu.vector_load %arg17[%get3A_1094, %get3A_1095] {strides = array<i32>} : memref<4x128xf32, #tpu.memory_space<vmem>>, vector<1x16xf32>,
    %get3A_1097 = vector.shape_cast %get3A_1096 : vector<1x16xf32> to vector<16xf32>
    %sub3A_1098 = arith.subf %broadcast_in_dim3A_534, %get3A_1087 : vector<16xf32>
    %mul3A_1099 = arith.mulf %get3A_518, %sub3A_1098 : vector<16xf32>
    %sub3A_1100 = arith.subf %broadcast_in_dim3A_534, %get3A_1092 : vector<16xf32>
    %mul3A_1101 = arith.mulf %get3A_523, %sub3A_1100 : vector<16xf32>
    %add3A_1102 = arith.addf %mul3A_1099, %mul3A_1101 : vector<16xf32>
    %sub3A_1103 = arith.subf %broadcast_in_dim3A_534, %get3A_1097 : vector<16xf32>
    %mul3A_1104 = arith.mulf %get3A_528, %sub3A_1103 : vector<16xf32>
    %add3A_1105 = arith.addf %add3A_1102, %mul3A_1104 : vector<16xf32>
    %sub3A_1106 = arith.subf %get3A_533, %add3A_1105 : vector<16xf32>
    %max3A_1107 = arith.maximumf %sub3A_1106, %broadcast_in_dim3A_536 : vector<16xf32>
    %min3A_1108 = arith.minimumf %max3A_1107, %broadcast_in_dim3A_534 : vector<16xf32>
    %swap3A_1109 = arith.constant 1 : i32
    %swap3A_1110 = arith.index_cast %swap3A_1109 : i32 to index
    %swap3A_1111 = arith.constant 96 : index
    %swap3A_1112 = tpu.vector_load %arg19[%swap3A_1110, %swap3A_1111] {strides = array<i32>} : memref<4x128xf32, #tpu.memory_space<vmem>>, vector<1x16xf32>,
    %swap3A_1113 = vector.shape_cast %swap3A_1112 : vector<1x16xf32> to vector<16xf32>
    %swap3A_1114 = vector.shape_cast %min3A_1108 : vector<16xf32> to vector<1x16xf32>
    tpu.vector_store %arg19[%swap3A_1110, %swap3A_1111], %swap3A_1114 {strides = array<i32>} : memref<4x128xf32, #tpu.memory_space<vmem>>, vector<1x16xf32>,
    %get3A_1115 = arith.constant 1 : i32
    %get3A_1116 = arith.index_cast %get3A_1115 : i32 to index
    %get3A_1117 = arith.constant 112 : index
    %get3A_1118 = tpu.vector_load %arg15[%get3A_1116, %get3A_1117] {strides = array<i32>} : memref<4x128xf32, #tpu.memory_space<vmem>>, vector<1x16xf32>,
    %get3A_1119 = vector.shape_cast %get3A_1118 : vector<1x16xf32> to vector<16xf32>
    %get3A_1120 = arith.constant 1 : i32
    %get3A_1121 = arith.index_cast %get3A_1120 : i32 to index
    %get3A_1122 = arith.constant 112 : index
    %get3A_1123 = tpu.vector_load %arg16[%get3A_1121, %get3A_1122] {strides = array<i32>} : memref<4x128xf32, #tpu.memory_space<vmem>>, vector<1x16xf32>,
    %get3A_1124 = vector.shape_cast %get3A_1123 : vector<1x16xf32> to vector<16xf32>
    %get3A_1125 = arith.constant 1 : i32
    %get3A_1126 = arith.index_cast %get3A_1125 : i32 to index
    %get3A_1127 = arith.constant 112 : index
    %get3A_1128 = tpu.vector_load %arg17[%get3A_1126, %get3A_1127] {strides = array<i32>} : memref<4x128xf32, #tpu.memory_space<vmem>>, vector<1x16xf32>,
    %get3A_1129 = vector.shape_cast %get3A_1128 : vector<1x16xf32> to vector<16xf32>
    %sub3A_1130 = arith.subf %broadcast_in_dim3A_534, %get3A_1119 : vector<16xf32>
    %mul3A_1131 = arith.mulf %get3A_518, %sub3A_1130 : vector<16xf32>
    %sub3A_1132 = arith.subf %broadcast_in_dim3A_534, %get3A_1124 : vector<16xf32>
    %mul3A_1133 = arith.mulf %get3A_523, %sub3A_1132 : vector<16xf32>
    %add3A_1134 = arith.addf %mul3A_1131, %mul3A_1133 : vector<16xf32>
    %sub3A_1135 = arith.subf %broadcast_in_dim3A_534, %get3A_1129 : vector<16xf32>
    %mul3A_1136 = arith.mulf %get3A_528, %sub3A_1135 : vector<16xf32>
    %add3A_1137 = arith.addf %add3A_1134, %mul3A_1136 : vector<16xf32>
    %sub3A_1138 = arith.subf %get3A_533, %add3A_1137 : vector<16xf32>
    %max3A_1139 = arith.maximumf %sub3A_1138, %broadcast_in_dim3A_536 : vector<16xf32>
    %min3A_1140 = arith.minimumf %max3A_1139, %broadcast_in_dim3A_534 : vector<16xf32>
    %swap3A_1141 = arith.constant 1 : i32
    %swap3A_1142 = arith.index_cast %swap3A_1141 : i32 to index
    %swap3A_1143 = arith.constant 112 : index
    %swap3A_1144 = tpu.vector_load %arg19[%swap3A_1142, %swap3A_1143] {strides = array<i32>} : memref<4x128xf32, #tpu.memory_space<vmem>>, vector<1x16xf32>,
    %swap3A_1145 = vector.shape_cast %swap3A_1144 : vector<1x16xf32> to vector<16xf32>
    %swap3A_1146 = vector.shape_cast %min3A_1140 : vector<16xf32> to vector<1x16xf32>
    tpu.vector_store %arg19[%swap3A_1142, %swap3A_1143], %swap3A_1146 {strides = array<i32>} : memref<4x128xf32, #tpu.memory_space<vmem>>, vector<1x16xf32>,
    %dma_wait3A_1147 = arith.constant 0 : i32
    %dma_wait3A_1148 = arith.constant 2 : i32
    %dma_wait3A_1149 = arith.constant 2 : i32
    %dma_wait3A_1150 = arith.constant 2 : i32
    %dma_wait3A_1151 = arith.constant 0 : i32
    %dma_wait3A_1152 = tpu.memref_slice %arg15[%dma_wait3A_1149, %dma_wait3A_1151] : memref<4x128xf32, #tpu.memory_space<vmem>> -> memref<1x128xf32, #tpu.memory_space<vmem>>
    %dma_wait3A_1153 = tpu.memref_squeeze %dma_wait3A_1152 : memref<1x128xf32, #tpu.memory_space<vmem>> -> memref<128xf32, #tpu.memory_space<vmem>>
    %dma_wait3A_1154 = arith.constant 0 : i32
    %dma_wait3A_1155 = tpu.memref_slice %arg12[%dma_wait3A_1148, %dma_wait3A_1154] : memref<4x128xi32, #tpu.memory_space<vmem>> -> memref<1x128xi32, #tpu.memory_space<vmem>>
    %dma_wait3A_1156 = tpu.memref_squeeze %dma_wait3A_1155 : memref<1x128xi32, #tpu.memory_space<vmem>> -> memref<128xi32, #tpu.memory_space<vmem>>
    %dma_wait3A_1157 = arith.constant 0 : i32
    %dma_wait3A_1158 = tpu.memref_slice %arg7[%dma_wait3A_1147, %dma_wait3A_1157] : memref<1x1000000xf32, #tpu.memory_space<hbm>> -> memref<1x1000000xf32, #tpu.memory_space<hbm>>
    %dma_wait3A_1159 = tpu.memref_squeeze %dma_wait3A_1158 : memref<1x1000000xf32, #tpu.memory_space<hbm>> -> memref<1000000xf32, #tpu.memory_space<hbm>>
    %dma_wait3A_1160 = arith.constant 0 : i32
    %dma_wait3A_1161 = tpu.memref_slice %dma_wait3A_1159[%dma_wait3A_1160] : memref<1000000xf32, #tpu.memory_space<hbm>> -> memref<1000000xf32, #tpu.memory_space<hbm>>
    %dma_wait3A_1162 = tpu.memref_slice %arg20[%dma_wait3A_1150] : memref<4x!tpu.dma_semaphore, #tpu.memory_space<semaphore_mem>> -> memref<1x!tpu.dma_semaphore, #tpu.memory_space<semaphore_mem>>
    %dma_wait3A_1163 = tpu.memref_squeeze %dma_wait3A_1162 : memref<1x!tpu.dma_semaphore, #tpu.memory_space<semaphore_mem>> -> memref<!tpu.dma_semaphore, #tpu.memory_space<semaphore_mem>>
    tpu.wait_indirect_dma semaphore(%dma_wait3A_1163 : memref<!tpu.dma_semaphore, #tpu.memory_space<semaphore_mem>>) src(%dma_wait3A_1161 : memref<1000000xf32, #tpu.memory_space<hbm>>) dst(%dma_wait3A_1153 : memref<128xf32, #tpu.memory_space<vmem>>)
    %dma_wait3A_1164 = arith.constant 0 : i32
    %dma_wait3A_1165 = arith.constant 2 : i32
    %dma_wait3A_1166 = arith.constant 2 : i32
    %dma_wait3A_1167 = arith.constant 2 : i32
    %dma_wait3A_1168 = arith.constant 0 : i32
    %dma_wait3A_1169 = tpu.memref_slice %arg16[%dma_wait3A_1166, %dma_wait3A_1168] : memref<4x128xf32, #tpu.memory_space<vmem>> -> memref<1x128xf32, #tpu.memory_space<vmem>>
    %dma_wait3A_1170 = tpu.memref_squeeze %dma_wait3A_1169 : memref<1x128xf32, #tpu.memory_space<vmem>> -> memref<128xf32, #tpu.memory_space<vmem>>
    %dma_wait3A_1171 = arith.constant 0 : i32
    %dma_wait3A_1172 = tpu.memref_slice %arg13[%dma_wait3A_1165, %dma_wait3A_1171] : memref<4x128xi32, #tpu.memory_space<vmem>> -> memref<1x128xi32, #tpu.memory_space<vmem>>
    %dma_wait3A_1173 = tpu.memref_squeeze %dma_wait3A_1172 : memref<1x128xi32, #tpu.memory_space<vmem>> -> memref<128xi32, #tpu.memory_space<vmem>>
    %dma_wait3A_1174 = arith.constant 0 : i32
    %dma_wait3A_1175 = tpu.memref_slice %arg8[%dma_wait3A_1164, %dma_wait3A_1174] : memref<1x1000000xf32, #tpu.memory_space<hbm>> -> memref<1x1000000xf32, #tpu.memory_space<hbm>>
    %dma_wait3A_1176 = tpu.memref_squeeze %dma_wait3A_1175 : memref<1x1000000xf32, #tpu.memory_space<hbm>> -> memref<1000000xf32, #tpu.memory_space<hbm>>
    %dma_wait3A_1177 = arith.constant 0 : i32
    %dma_wait3A_1178 = tpu.memref_slice %dma_wait3A_1176[%dma_wait3A_1177] : memref<1000000xf32, #tpu.memory_space<hbm>> -> memref<1000000xf32, #tpu.memory_space<hbm>>
    %dma_wait3A_1179 = tpu.memref_slice %arg20[%dma_wait3A_1167] : memref<4x!tpu.dma_semaphore, #tpu.memory_space<semaphore_mem>> -> memref<1x!tpu.dma_semaphore, #tpu.memory_space<semaphore_mem>>
    %dma_wait3A_1180 = tpu.memref_squeeze %dma_wait3A_1179 : memref<1x!tpu.dma_semaphore, #tpu.memory_space<semaphore_mem>> -> memref<!tpu.dma_semaphore, #tpu.memory_space<semaphore_mem>>
    tpu.wait_indirect_dma semaphore(%dma_wait3A_1180 : memref<!tpu.dma_semaphore, #tpu.memory_space<semaphore_mem>>) src(%dma_wait3A_1178 : memref<1000000xf32, #tpu.memory_space<hbm>>) dst(%dma_wait3A_1170 : memref<128xf32, #tpu.memory_space<vmem>>)
    %dma_wait3A_1181 = arith.constant 0 : i32
    %dma_wait3A_1182 = arith.constant 2 : i32
    %dma_wait3A_1183 = arith.constant 2 : i32
    %dma_wait3A_1184 = arith.constant 2 : i32
    %dma_wait3A_1185 = arith.constant 0 : i32
    %dma_wait3A_1186 = tpu.memref_slice %arg17[%dma_wait3A_1183, %dma_wait3A_1185] : memref<4x128xf32, #tpu.memory_space<vmem>> -> memref<1x128xf32, #tpu.memory_space<vmem>>
    %dma_wait3A_1187 = tpu.memref_squeeze %dma_wait3A_1186 : memref<1x128xf32, #tpu.memory_space<vmem>> -> memref<128xf32, #tpu.memory_space<vmem>>
    %dma_wait3A_1188 = arith.constant 0 : i32
    %dma_wait3A_1189 = tpu.memref_slice %arg14[%dma_wait3A_1182, %dma_wait3A_1188] : memref<4x128xi32, #tpu.memory_space<vmem>> -> memref<1x128xi32, #tpu.memory_space<vmem>>
    %dma_wait3A_1190 = tpu.memref_squeeze %dma_wait3A_1189 : memref<1x128xi32, #tpu.memory_space<vmem>> -> memref<128xi32, #tpu.memory_space<vmem>>
    %dma_wait3A_1191 = arith.constant 0 : i32
    %dma_wait3A_1192 = tpu.memref_slice %arg9[%dma_wait3A_1181, %dma_wait3A_1191] : memref<1x1000000xf32, #tpu.memory_space<hbm>> -> memref<1x1000000xf32, #tpu.memory_space<hbm>>
    %dma_wait3A_1193 = tpu.memref_squeeze %dma_wait3A_1192 : memref<1x1000000xf32, #tpu.memory_space<hbm>> -> memref<1000000xf32, #tpu.memory_space<hbm>>
    %dma_wait3A_1194 = arith.constant 0 : i32
    %dma_wait3A_1195 = tpu.memref_slice %dma_wait3A_1193[%dma_wait3A_1194] : memref<1000000xf32, #tpu.memory_space<hbm>> -> memref<1000000xf32, #tpu.memory_space<hbm>>
    %dma_wait3A_1196 = tpu.memref_slice %arg20[%dma_wait3A_1184] : memref<4x!tpu.dma_semaphore, #tpu.memory_space<semaphore_mem>> -> memref<1x!tpu.dma_semaphore, #tpu.memory_space<semaphore_mem>>
    %dma_wait3A_1197 = tpu.memref_squeeze %dma_wait3A_1196 : memref<1x!tpu.dma_semaphore, #tpu.memory_space<semaphore_mem>> -> memref<!tpu.dma_semaphore, #tpu.memory_space<semaphore_mem>>
    tpu.wait_indirect_dma semaphore(%dma_wait3A_1197 : memref<!tpu.dma_semaphore, #tpu.memory_space<semaphore_mem>>) src(%dma_wait3A_1195 : memref<1000000xf32, #tpu.memory_space<hbm>>) dst(%dma_wait3A_1187 : memref<128xf32, #tpu.memory_space<vmem>>)
    %get3A_1198 = arith.constant 2 : i32
    %get3A_1199 = arith.index_cast %get3A_1198 : i32 to index
    %get3A_1200 = arith.constant 0 : index
    %get3A_1201 = tpu.vector_load %arg15[%get3A_1199, %get3A_1200] {strides = array<i32>} : memref<4x128xf32, #tpu.memory_space<vmem>>, vector<1x16xf32>,
    %get3A_1202 = vector.shape_cast %get3A_1201 : vector<1x16xf32> to vector<16xf32>
    %get3A_1203 = arith.constant 2 : i32
    %get3A_1204 = arith.index_cast %get3A_1203 : i32 to index
    %get3A_1205 = arith.constant 0 : index
    %get3A_1206 = tpu.vector_load %arg16[%get3A_1204, %get3A_1205] {strides = array<i32>} : memref<4x128xf32, #tpu.memory_space<vmem>>, vector<1x16xf32>,
    %get3A_1207 = vector.shape_cast %get3A_1206 : vector<1x16xf32> to vector<16xf32>
    %get3A_1208 = arith.constant 2 : i32
    %get3A_1209 = arith.index_cast %get3A_1208 : i32 to index
    %get3A_1210 = arith.constant 0 : index
    %get3A_1211 = tpu.vector_load %arg17[%get3A_1209, %get3A_1210] {strides = array<i32>} : memref<4x128xf32, #tpu.memory_space<vmem>>, vector<1x16xf32>,
    %get3A_1212 = vector.shape_cast %get3A_1211 : vector<1x16xf32> to vector<16xf32>
    %sub3A_1213 = arith.subf %broadcast_in_dim3A_534, %get3A_1202 : vector<16xf32>
    %mul3A_1214 = arith.mulf %get3A_518, %sub3A_1213 : vector<16xf32>
    %sub3A_1215 = arith.subf %broadcast_in_dim3A_534, %get3A_1207 : vector<16xf32>
    %mul3A_1216 = arith.mulf %get3A_523, %sub3A_1215 : vector<16xf32>
    %add3A_1217 = arith.addf %mul3A_1214, %mul3A_1216 : vector<16xf32>
    %sub3A_1218 = arith.subf %broadcast_in_dim3A_534, %get3A_1212 : vector<16xf32>
    %mul3A_1219 = arith.mulf %get3A_528, %sub3A_1218 : vector<16xf32>
    %add3A_1220 = arith.addf %add3A_1217, %mul3A_1219 : vector<16xf32>
    %sub3A_1221 = arith.subf %get3A_533, %add3A_1220 : vector<16xf32>
    %max3A_1222 = arith.maximumf %sub3A_1221, %broadcast_in_dim3A_536 : vector<16xf32>
    %min3A_1223 = arith.minimumf %max3A_1222, %broadcast_in_dim3A_534 : vector<16xf32>
    %swap3A_1224 = arith.constant 2 : i32
    %swap3A_1225 = arith.index_cast %swap3A_1224 : i32 to index
    %swap3A_1226 = arith.constant 0 : index
    %swap3A_1227 = tpu.vector_load %arg19[%swap3A_1225, %swap3A_1226] {strides = array<i32>} : memref<4x128xf32, #tpu.memory_space<vmem>>, vector<1x16xf32>,
    %swap3A_1228 = vector.shape_cast %swap3A_1227 : vector<1x16xf32> to vector<16xf32>
    %swap3A_1229 = vector.shape_cast %min3A_1223 : vector<16xf32> to vector<1x16xf32>
    tpu.vector_store %arg19[%swap3A_1225, %swap3A_1226], %swap3A_1229 {strides = array<i32>} : memref<4x128xf32, #tpu.memory_space<vmem>>, vector<1x16xf32>,
    %get3A_1230 = arith.constant 2 : i32
    %get3A_1231 = arith.index_cast %get3A_1230 : i32 to index
    %get3A_1232 = arith.constant 16 : index
    %get3A_1233 = tpu.vector_load %arg15[%get3A_1231, %get3A_1232] {strides = array<i32>} : memref<4x128xf32, #tpu.memory_space<vmem>>, vector<1x16xf32>,
    %get3A_1234 = vector.shape_cast %get3A_1233 : vector<1x16xf32> to vector<16xf32>
    %get3A_1235 = arith.constant 2 : i32
    %get3A_1236 = arith.index_cast %get3A_1235 : i32 to index
    %get3A_1237 = arith.constant 16 : index
    %get3A_1238 = tpu.vector_load %arg16[%get3A_1236, %get3A_1237] {strides = array<i32>} : memref<4x128xf32, #tpu.memory_space<vmem>>, vector<1x16xf32>,
    %get3A_1239 = vector.shape_cast %get3A_1238 : vector<1x16xf32> to vector<16xf32>
    %get3A_1240 = arith.constant 2 : i32
    %get3A_1241 = arith.index_cast %get3A_1240 : i32 to index
    %get3A_1242 = arith.constant 16 : index
    %get3A_1243 = tpu.vector_load %arg17[%get3A_1241, %get3A_1242] {strides = array<i32>} : memref<4x128xf32, #tpu.memory_space<vmem>>, vector<1x16xf32>,
    %get3A_1244 = vector.shape_cast %get3A_1243 : vector<1x16xf32> to vector<16xf32>
    %sub3A_1245 = arith.subf %broadcast_in_dim3A_534, %get3A_1234 : vector<16xf32>
    %mul3A_1246 = arith.mulf %get3A_518, %sub3A_1245 : vector<16xf32>
    %sub3A_1247 = arith.subf %broadcast_in_dim3A_534, %get3A_1239 : vector<16xf32>
    %mul3A_1248 = arith.mulf %get3A_523, %sub3A_1247 : vector<16xf32>
    %add3A_1249 = arith.addf %mul3A_1246, %mul3A_1248 : vector<16xf32>
    %sub3A_1250 = arith.subf %broadcast_in_dim3A_534, %get3A_1244 : vector<16xf32>
    %mul3A_1251 = arith.mulf %get3A_528, %sub3A_1250 : vector<16xf32>
    %add3A_1252 = arith.addf %add3A_1249, %mul3A_1251 : vector<16xf32>
    %sub3A_1253 = arith.subf %get3A_533, %add3A_1252 : vector<16xf32>
    %max3A_1254 = arith.maximumf %sub3A_1253, %broadcast_in_dim3A_536 : vector<16xf32>
    %min3A_1255 = arith.minimumf %max3A_1254, %broadcast_in_dim3A_534 : vector<16xf32>
    %swap3A_1256 = arith.constant 2 : i32
    %swap3A_1257 = arith.index_cast %swap3A_1256 : i32 to index
    %swap3A_1258 = arith.constant 16 : index
    %swap3A_1259 = tpu.vector_load %arg19[%swap3A_1257, %swap3A_1258] {strides = array<i32>} : memref<4x128xf32, #tpu.memory_space<vmem>>, vector<1x16xf32>,
    %swap3A_1260 = vector.shape_cast %swap3A_1259 : vector<1x16xf32> to vector<16xf32>
    %swap3A_1261 = vector.shape_cast %min3A_1255 : vector<16xf32> to vector<1x16xf32>
    tpu.vector_store %arg19[%swap3A_1257, %swap3A_1258], %swap3A_1261 {strides = array<i32>} : memref<4x128xf32, #tpu.memory_space<vmem>>, vector<1x16xf32>,
    %get3A_1262 = arith.constant 2 : i32
    %get3A_1263 = arith.index_cast %get3A_1262 : i32 to index
    %get3A_1264 = arith.constant 32 : index
    %get3A_1265 = tpu.vector_load %arg15[%get3A_1263, %get3A_1264] {strides = array<i32>} : memref<4x128xf32, #tpu.memory_space<vmem>>, vector<1x16xf32>,
    %get3A_1266 = vector.shape_cast %get3A_1265 : vector<1x16xf32> to vector<16xf32>
    %get3A_1267 = arith.constant 2 : i32
    %get3A_1268 = arith.index_cast %get3A_1267 : i32 to index
    %get3A_1269 = arith.constant 32 : index
    %get3A_1270 = tpu.vector_load %arg16[%get3A_1268, %get3A_1269] {strides = array<i32>} : memref<4x128xf32, #tpu.memory_space<vmem>>, vector<1x16xf32>,
    %get3A_1271 = vector.shape_cast %get3A_1270 : vector<1x16xf32> to vector<16xf32>
    %get3A_1272 = arith.constant 2 : i32
    %get3A_1273 = arith.index_cast %get3A_1272 : i32 to index
    %get3A_1274 = arith.constant 32 : index
    %get3A_1275 = tpu.vector_load %arg17[%get3A_1273, %get3A_1274] {strides = array<i32>} : memref<4x128xf32, #tpu.memory_space<vmem>>, vector<1x16xf32>,
    %get3A_1276 = vector.shape_cast %get3A_1275 : vector<1x16xf32> to vector<16xf32>
    %sub3A_1277 = arith.subf %broadcast_in_dim3A_534, %get3A_1266 : vector<16xf32>
    %mul3A_1278 = arith.mulf %get3A_518, %sub3A_1277 : vector<16xf32>
    %sub3A_1279 = arith.subf %broadcast_in_dim3A_534, %get3A_1271 : vector<16xf32>
    %mul3A_1280 = arith.mulf %get3A_523, %sub3A_1279 : vector<16xf32>
    %add3A_1281 = arith.addf %mul3A_1278, %mul3A_1280 : vector<16xf32>
    %sub3A_1282 = arith.subf %broadcast_in_dim3A_534, %get3A_1276 : vector<16xf32>
    %mul3A_1283 = arith.mulf %get3A_528, %sub3A_1282 : vector<16xf32>
    %add3A_1284 = arith.addf %add3A_1281, %mul3A_1283 : vector<16xf32>
    %sub3A_1285 = arith.subf %get3A_533, %add3A_1284 : vector<16xf32>
    %max3A_1286 = arith.maximumf %sub3A_1285, %broadcast_in_dim3A_536 : vector<16xf32>
    %min3A_1287 = arith.minimumf %max3A_1286, %broadcast_in_dim3A_534 : vector<16xf32>
    %swap3A_1288 = arith.constant 2 : i32
    %swap3A_1289 = arith.index_cast %swap3A_1288 : i32 to index
    %swap3A_1290 = arith.constant 32 : index
    %swap3A_1291 = tpu.vector_load %arg19[%swap3A_1289, %swap3A_1290] {strides = array<i32>} : memref<4x128xf32, #tpu.memory_space<vmem>>, vector<1x16xf32>,
    %swap3A_1292 = vector.shape_cast %swap3A_1291 : vector<1x16xf32> to vector<16xf32>
    %swap3A_1293 = vector.shape_cast %min3A_1287 : vector<16xf32> to vector<1x16xf32>
    tpu.vector_store %arg19[%swap3A_1289, %swap3A_1290], %swap3A_1293 {strides = array<i32>} : memref<4x128xf32, #tpu.memory_space<vmem>>, vector<1x16xf32>,
    %get3A_1294 = arith.constant 2 : i32
    %get3A_1295 = arith.index_cast %get3A_1294 : i32 to index
    %get3A_1296 = arith.constant 48 : index
    %get3A_1297 = tpu.vector_load %arg15[%get3A_1295, %get3A_1296] {strides = array<i32>} : memref<4x128xf32, #tpu.memory_space<vmem>>, vector<1x16xf32>,
    %get3A_1298 = vector.shape_cast %get3A_1297 : vector<1x16xf32> to vector<16xf32>
    %get3A_1299 = arith.constant 2 : i32
    %get3A_1300 = arith.index_cast %get3A_1299 : i32 to index
    %get3A_1301 = arith.constant 48 : index
    %get3A_1302 = tpu.vector_load %arg16[%get3A_1300, %get3A_1301] {strides = array<i32>} : memref<4x128xf32, #tpu.memory_space<vmem>>, vector<1x16xf32>,
    %get3A_1303 = vector.shape_cast %get3A_1302 : vector<1x16xf32> to vector<16xf32>
    %get3A_1304 = arith.constant 2 : i32
    %get3A_1305 = arith.index_cast %get3A_1304 : i32 to index
    %get3A_1306 = arith.constant 48 : index
    %get3A_1307 = tpu.vector_load %arg17[%get3A_1305, %get3A_1306] {strides = array<i32>} : memref<4x128xf32, #tpu.memory_space<vmem>>, vector<1x16xf32>,
    %get3A_1308 = vector.shape_cast %get3A_1307 : vector<1x16xf32> to vector<16xf32>
    %sub3A_1309 = arith.subf %broadcast_in_dim3A_534, %get3A_1298 : vector<16xf32>
    %mul3A_1310 = arith.mulf %get3A_518, %sub3A_1309 : vector<16xf32>
    %sub3A_1311 = arith.subf %broadcast_in_dim3A_534, %get3A_1303 : vector<16xf32>
    %mul3A_1312 = arith.mulf %get3A_523, %sub3A_1311 : vector<16xf32>
    %add3A_1313 = arith.addf %mul3A_1310, %mul3A_1312 : vector<16xf32>
    %sub3A_1314 = arith.subf %broadcast_in_dim3A_534, %get3A_1308 : vector<16xf32>
    %mul3A_1315 = arith.mulf %get3A_528, %sub3A_1314 : vector<16xf32>
    %add3A_1316 = arith.addf %add3A_1313, %mul3A_1315 : vector<16xf32>
    %sub3A_1317 = arith.subf %get3A_533, %add3A_1316 : vector<16xf32>
    %max3A_1318 = arith.maximumf %sub3A_1317, %broadcast_in_dim3A_536 : vector<16xf32>
    %min3A_1319 = arith.minimumf %max3A_1318, %broadcast_in_dim3A_534 : vector<16xf32>
    %swap3A_1320 = arith.constant 2 : i32
    %swap3A_1321 = arith.index_cast %swap3A_1320 : i32 to index
    %swap3A_1322 = arith.constant 48 : index
    %swap3A_1323 = tpu.vector_load %arg19[%swap3A_1321, %swap3A_1322] {strides = array<i32>} : memref<4x128xf32, #tpu.memory_space<vmem>>, vector<1x16xf32>,
    %swap3A_1324 = vector.shape_cast %swap3A_1323 : vector<1x16xf32> to vector<16xf32>
    %swap3A_1325 = vector.shape_cast %min3A_1319 : vector<16xf32> to vector<1x16xf32>
    tpu.vector_store %arg19[%swap3A_1321, %swap3A_1322], %swap3A_1325 {strides = array<i32>} : memref<4x128xf32, #tpu.memory_space<vmem>>, vector<1x16xf32>,
    %get3A_1326 = arith.constant 2 : i32
    %get3A_1327 = arith.index_cast %get3A_1326 : i32 to index
    %get3A_1328 = arith.constant 64 : index
    %get3A_1329 = tpu.vector_load %arg15[%get3A_1327, %get3A_1328] {strides = array<i32>} : memref<4x128xf32, #tpu.memory_space<vmem>>, vector<1x16xf32>,
    %get3A_1330 = vector.shape_cast %get3A_1329 : vector<1x16xf32> to vector<16xf32>
    %get3A_1331 = arith.constant 2 : i32
    %get3A_1332 = arith.index_cast %get3A_1331 : i32 to index
    %get3A_1333 = arith.constant 64 : index
    %get3A_1334 = tpu.vector_load %arg16[%get3A_1332, %get3A_1333] {strides = array<i32>} : memref<4x128xf32, #tpu.memory_space<vmem>>, vector<1x16xf32>,
    %get3A_1335 = vector.shape_cast %get3A_1334 : vector<1x16xf32> to vector<16xf32>
    %get3A_1336 = arith.constant 2 : i32
    %get3A_1337 = arith.index_cast %get3A_1336 : i32 to index
    %get3A_1338 = arith.constant 64 : index
    %get3A_1339 = tpu.vector_load %arg17[%get3A_1337, %get3A_1338] {strides = array<i32>} : memref<4x128xf32, #tpu.memory_space<vmem>>, vector<1x16xf32>,
    %get3A_1340 = vector.shape_cast %get3A_1339 : vector<1x16xf32> to vector<16xf32>
    %sub3A_1341 = arith.subf %broadcast_in_dim3A_534, %get3A_1330 : vector<16xf32>
    %mul3A_1342 = arith.mulf %get3A_518, %sub3A_1341 : vector<16xf32>
    %sub3A_1343 = arith.subf %broadcast_in_dim3A_534, %get3A_1335 : vector<16xf32>
    %mul3A_1344 = arith.mulf %get3A_523, %sub3A_1343 : vector<16xf32>
    %add3A_1345 = arith.addf %mul3A_1342, %mul3A_1344 : vector<16xf32>
    %sub3A_1346 = arith.subf %broadcast_in_dim3A_534, %get3A_1340 : vector<16xf32>
    %mul3A_1347 = arith.mulf %get3A_528, %sub3A_1346 : vector<16xf32>
    %add3A_1348 = arith.addf %add3A_1345, %mul3A_1347 : vector<16xf32>
    %sub3A_1349 = arith.subf %get3A_533, %add3A_1348 : vector<16xf32>
    %max3A_1350 = arith.maximumf %sub3A_1349, %broadcast_in_dim3A_536 : vector<16xf32>
    %min3A_1351 = arith.minimumf %max3A_1350, %broadcast_in_dim3A_534 : vector<16xf32>
    %swap3A_1352 = arith.constant 2 : i32
    %swap3A_1353 = arith.index_cast %swap3A_1352 : i32 to index
    %swap3A_1354 = arith.constant 64 : index
    %swap3A_1355 = tpu.vector_load %arg19[%swap3A_1353, %swap3A_1354] {strides = array<i32>} : memref<4x128xf32, #tpu.memory_space<vmem>>, vector<1x16xf32>,
    %swap3A_1356 = vector.shape_cast %swap3A_1355 : vector<1x16xf32> to vector<16xf32>
    %swap3A_1357 = vector.shape_cast %min3A_1351 : vector<16xf32> to vector<1x16xf32>
    tpu.vector_store %arg19[%swap3A_1353, %swap3A_1354], %swap3A_1357 {strides = array<i32>} : memref<4x128xf32, #tpu.memory_space<vmem>>, vector<1x16xf32>,
    %get3A_1358 = arith.constant 2 : i32
    %get3A_1359 = arith.index_cast %get3A_1358 : i32 to index
    %get3A_1360 = arith.constant 80 : index
    %get3A_1361 = tpu.vector_load %arg15[%get3A_1359, %get3A_1360] {strides = array<i32>} : memref<4x128xf32, #tpu.memory_space<vmem>>, vector<1x16xf32>,
    %get3A_1362 = vector.shape_cast %get3A_1361 : vector<1x16xf32> to vector<16xf32>
    %get3A_1363 = arith.constant 2 : i32
    %get3A_1364 = arith.index_cast %get3A_1363 : i32 to index
    %get3A_1365 = arith.constant 80 : index
    %get3A_1366 = tpu.vector_load %arg16[%get3A_1364, %get3A_1365] {strides = array<i32>} : memref<4x128xf32, #tpu.memory_space<vmem>>, vector<1x16xf32>,
    %get3A_1367 = vector.shape_cast %get3A_1366 : vector<1x16xf32> to vector<16xf32>
    %get3A_1368 = arith.constant 2 : i32
    %get3A_1369 = arith.index_cast %get3A_1368 : i32 to index
    %get3A_1370 = arith.constant 80 : index
    %get3A_1371 = tpu.vector_load %arg17[%get3A_1369, %get3A_1370] {strides = array<i32>} : memref<4x128xf32, #tpu.memory_space<vmem>>, vector<1x16xf32>,
    %get3A_1372 = vector.shape_cast %get3A_1371 : vector<1x16xf32> to vector<16xf32>
    %sub3A_1373 = arith.subf %broadcast_in_dim3A_534, %get3A_1362 : vector<16xf32>
    %mul3A_1374 = arith.mulf %get3A_518, %sub3A_1373 : vector<16xf32>
    %sub3A_1375 = arith.subf %broadcast_in_dim3A_534, %get3A_1367 : vector<16xf32>
    %mul3A_1376 = arith.mulf %get3A_523, %sub3A_1375 : vector<16xf32>
    %add3A_1377 = arith.addf %mul3A_1374, %mul3A_1376 : vector<16xf32>
    %sub3A_1378 = arith.subf %broadcast_in_dim3A_534, %get3A_1372 : vector<16xf32>
    %mul3A_1379 = arith.mulf %get3A_528, %sub3A_1378 : vector<16xf32>
    %add3A_1380 = arith.addf %add3A_1377, %mul3A_1379 : vector<16xf32>
    %sub3A_1381 = arith.subf %get3A_533, %add3A_1380 : vector<16xf32>
    %max3A_1382 = arith.maximumf %sub3A_1381, %broadcast_in_dim3A_536 : vector<16xf32>
    %min3A_1383 = arith.minimumf %max3A_1382, %broadcast_in_dim3A_534 : vector<16xf32>
    %swap3A_1384 = arith.constant 2 : i32
    %swap3A_1385 = arith.index_cast %swap3A_1384 : i32 to index
    %swap3A_1386 = arith.constant 80 : index
    %swap3A_1387 = tpu.vector_load %arg19[%swap3A_1385, %swap3A_1386] {strides = array<i32>} : memref<4x128xf32, #tpu.memory_space<vmem>>, vector<1x16xf32>,
    %swap3A_1388 = vector.shape_cast %swap3A_1387 : vector<1x16xf32> to vector<16xf32>
    %swap3A_1389 = vector.shape_cast %min3A_1383 : vector<16xf32> to vector<1x16xf32>
    tpu.vector_store %arg19[%swap3A_1385, %swap3A_1386], %swap3A_1389 {strides = array<i32>} : memref<4x128xf32, #tpu.memory_space<vmem>>, vector<1x16xf32>,
    %get3A_1390 = arith.constant 2 : i32
    %get3A_1391 = arith.index_cast %get3A_1390 : i32 to index
    %get3A_1392 = arith.constant 96 : index
    %get3A_1393 = tpu.vector_load %arg15[%get3A_1391, %get3A_1392] {strides = array<i32>} : memref<4x128xf32, #tpu.memory_space<vmem>>, vector<1x16xf32>,
    %get3A_1394 = vector.shape_cast %get3A_1393 : vector<1x16xf32> to vector<16xf32>
    %get3A_1395 = arith.constant 2 : i32
    %get3A_1396 = arith.index_cast %get3A_1395 : i32 to index
    %get3A_1397 = arith.constant 96 : index
    %get3A_1398 = tpu.vector_load %arg16[%get3A_1396, %get3A_1397] {strides = array<i32>} : memref<4x128xf32, #tpu.memory_space<vmem>>, vector<1x16xf32>,
    %get3A_1399 = vector.shape_cast %get3A_1398 : vector<1x16xf32> to vector<16xf32>
    %get3A_1400 = arith.constant 2 : i32
    %get3A_1401 = arith.index_cast %get3A_1400 : i32 to index
    %get3A_1402 = arith.constant 96 : index
    %get3A_1403 = tpu.vector_load %arg17[%get3A_1401, %get3A_1402] {strides = array<i32>} : memref<4x128xf32, #tpu.memory_space<vmem>>, vector<1x16xf32>,
    %get3A_1404 = vector.shape_cast %get3A_1403 : vector<1x16xf32> to vector<16xf32>
    %sub3A_1405 = arith.subf %broadcast_in_dim3A_534, %get3A_1394 : vector<16xf32>
    %mul3A_1406 = arith.mulf %get3A_518, %sub3A_1405 : vector<16xf32>
    %sub3A_1407 = arith.subf %broadcast_in_dim3A_534, %get3A_1399 : vector<16xf32>
    %mul3A_1408 = arith.mulf %get3A_523, %sub3A_1407 : vector<16xf32>
    %add3A_1409 = arith.addf %mul3A_1406, %mul3A_1408 : vector<16xf32>
    %sub3A_1410 = arith.subf %broadcast_in_dim3A_534, %get3A_1404 : vector<16xf32>
    %mul3A_1411 = arith.mulf %get3A_528, %sub3A_1410 : vector<16xf32>
    %add3A_1412 = arith.addf %add3A_1409, %mul3A_1411 : vector<16xf32>
    %sub3A_1413 = arith.subf %get3A_533, %add3A_1412 : vector<16xf32>
    %max3A_1414 = arith.maximumf %sub3A_1413, %broadcast_in_dim3A_536 : vector<16xf32>
    %min3A_1415 = arith.minimumf %max3A_1414, %broadcast_in_dim3A_534 : vector<16xf32>
    %swap3A_1416 = arith.constant 2 : i32
    %swap3A_1417 = arith.index_cast %swap3A_1416 : i32 to index
    %swap3A_1418 = arith.constant 96 : index
    %swap3A_1419 = tpu.vector_load %arg19[%swap3A_1417, %swap3A_1418] {strides = array<i32>} : memref<4x128xf32, #tpu.memory_space<vmem>>, vector<1x16xf32>,
    %swap3A_1420 = vector.shape_cast %swap3A_1419 : vector<1x16xf32> to vector<16xf32>
    %swap3A_1421 = vector.shape_cast %min3A_1415 : vector<16xf32> to vector<1x16xf32>
    tpu.vector_store %arg19[%swap3A_1417, %swap3A_1418], %swap3A_1421 {strides = array<i32>} : memref<4x128xf32, #tpu.memory_space<vmem>>, vector<1x16xf32>,
    %get3A_1422 = arith.constant 2 : i32
    %get3A_1423 = arith.index_cast %get3A_1422 : i32 to index
    %get3A_1424 = arith.constant 112 : index
    %get3A_1425 = tpu.vector_load %arg15[%get3A_1423, %get3A_1424] {strides = array<i32>} : memref<4x128xf32, #tpu.memory_space<vmem>>, vector<1x16xf32>,
    %get3A_1426 = vector.shape_cast %get3A_1425 : vector<1x16xf32> to vector<16xf32>
    %get3A_1427 = arith.constant 2 : i32
    %get3A_1428 = arith.index_cast %get3A_1427 : i32 to index
    %get3A_1429 = arith.constant 112 : index
    %get3A_1430 = tpu.vector_load %arg16[%get3A_1428, %get3A_1429] {strides = array<i32>} : memref<4x128xf32, #tpu.memory_space<vmem>>, vector<1x16xf32>,
    %get3A_1431 = vector.shape_cast %get3A_1430 : vector<1x16xf32> to vector<16xf32>
    %get3A_1432 = arith.constant 2 : i32
    %get3A_1433 = arith.index_cast %get3A_1432 : i32 to index
    %get3A_1434 = arith.constant 112 : index
    %get3A_1435 = tpu.vector_load %arg17[%get3A_1433, %get3A_1434] {strides = array<i32>} : memref<4x128xf32, #tpu.memory_space<vmem>>, vector<1x16xf32>,
    %get3A_1436 = vector.shape_cast %get3A_1435 : vector<1x16xf32> to vector<16xf32>
    %sub3A_1437 = arith.subf %broadcast_in_dim3A_534, %get3A_1426 : vector<16xf32>
    %mul3A_1438 = arith.mulf %get3A_518, %sub3A_1437 : vector<16xf32>
    %sub3A_1439 = arith.subf %broadcast_in_dim3A_534, %get3A_1431 : vector<16xf32>
    %mul3A_1440 = arith.mulf %get3A_523, %sub3A_1439 : vector<16xf32>
    %add3A_1441 = arith.addf %mul3A_1438, %mul3A_1440 : vector<16xf32>
    %sub3A_1442 = arith.subf %broadcast_in_dim3A_534, %get3A_1436 : vector<16xf32>
    %mul3A_1443 = arith.mulf %get3A_528, %sub3A_1442 : vector<16xf32>
    %add3A_1444 = arith.addf %add3A_1441, %mul3A_1443 : vector<16xf32>
    %sub3A_1445 = arith.subf %get3A_533, %add3A_1444 : vector<16xf32>
    %max3A_1446 = arith.maximumf %sub3A_1445, %broadcast_in_dim3A_536 : vector<16xf32>
    %min3A_1447 = arith.minimumf %max3A_1446, %broadcast_in_dim3A_534 : vector<16xf32>
    %swap3A_1448 = arith.constant 2 : i32
    %swap3A_1449 = arith.index_cast %swap3A_1448 : i32 to index
    %swap3A_1450 = arith.constant 112 : index
    %swap3A_1451 = tpu.vector_load %arg19[%swap3A_1449, %swap3A_1450] {strides = array<i32>} : memref<4x128xf32, #tpu.memory_space<vmem>>, vector<1x16xf32>,
    %swap3A_1452 = vector.shape_cast %swap3A_1451 : vector<1x16xf32> to vector<16xf32>
    %swap3A_1453 = vector.shape_cast %min3A_1447 : vector<16xf32> to vector<1x16xf32>
    tpu.vector_store %arg19[%swap3A_1449, %swap3A_1450], %swap3A_1453 {strides = array<i32>} : memref<4x128xf32, #tpu.memory_space<vmem>>, vector<1x16xf32>,
    %dma_wait3A_1454 = arith.constant 0 : i32
    %dma_wait3A_1455 = arith.constant 3 : i32
    %dma_wait3A_1456 = arith.constant 3 : i32
    %dma_wait3A_1457 = arith.constant 3 : i32
    %dma_wait3A_1458 = arith.constant 0 : i32
    %dma_wait3A_1459 = tpu.memref_slice %arg15[%dma_wait3A_1456, %dma_wait3A_1458] : memref<4x128xf32, #tpu.memory_space<vmem>> -> memref<1x128xf32, #tpu.memory_space<vmem>>
    %dma_wait3A_1460 = tpu.memref_squeeze %dma_wait3A_1459 : memref<1x128xf32, #tpu.memory_space<vmem>> -> memref<128xf32, #tpu.memory_space<vmem>>
    %dma_wait3A_1461 = arith.constant 0 : i32
    %dma_wait3A_1462 = tpu.memref_slice %arg12[%dma_wait3A_1455, %dma_wait3A_1461] : memref<4x128xi32, #tpu.memory_space<vmem>> -> memref<1x128xi32, #tpu.memory_space<vmem>>
    %dma_wait3A_1463 = tpu.memref_squeeze %dma_wait3A_1462 : memref<1x128xi32, #tpu.memory_space<vmem>> -> memref<128xi32, #tpu.memory_space<vmem>>
    %dma_wait3A_1464 = arith.constant 0 : i32
    %dma_wait3A_1465 = tpu.memref_slice %arg7[%dma_wait3A_1454, %dma_wait3A_1464] : memref<1x1000000xf32, #tpu.memory_space<hbm>> -> memref<1x1000000xf32, #tpu.memory_space<hbm>>
    %dma_wait3A_1466 = tpu.memref_squeeze %dma_wait3A_1465 : memref<1x1000000xf32, #tpu.memory_space<hbm>> -> memref<1000000xf32, #tpu.memory_space<hbm>>
    %dma_wait3A_1467 = arith.constant 0 : i32
    %dma_wait3A_1468 = tpu.memref_slice %dma_wait3A_1466[%dma_wait3A_1467] : memref<1000000xf32, #tpu.memory_space<hbm>> -> memref<1000000xf32, #tpu.memory_space<hbm>>
    %dma_wait3A_1469 = tpu.memref_slice %arg20[%dma_wait3A_1457] : memref<4x!tpu.dma_semaphore, #tpu.memory_space<semaphore_mem>> -> memref<1x!tpu.dma_semaphore, #tpu.memory_space<semaphore_mem>>
    %dma_wait3A_1470 = tpu.memref_squeeze %dma_wait3A_1469 : memref<1x!tpu.dma_semaphore, #tpu.memory_space<semaphore_mem>> -> memref<!tpu.dma_semaphore, #tpu.memory_space<semaphore_mem>>
    tpu.wait_indirect_dma semaphore(%dma_wait3A_1470 : memref<!tpu.dma_semaphore, #tpu.memory_space<semaphore_mem>>) src(%dma_wait3A_1468 : memref<1000000xf32, #tpu.memory_space<hbm>>) dst(%dma_wait3A_1460 : memref<128xf32, #tpu.memory_space<vmem>>)
    %dma_wait3A_1471 = arith.constant 0 : i32
    %dma_wait3A_1472 = arith.constant 3 : i32
    %dma_wait3A_1473 = arith.constant 3 : i32
    %dma_wait3A_1474 = arith.constant 3 : i32
    %dma_wait3A_1475 = arith.constant 0 : i32
    %dma_wait3A_1476 = tpu.memref_slice %arg16[%dma_wait3A_1473, %dma_wait3A_1475] : memref<4x128xf32, #tpu.memory_space<vmem>> -> memref<1x128xf32, #tpu.memory_space<vmem>>
    %dma_wait3A_1477 = tpu.memref_squeeze %dma_wait3A_1476 : memref<1x128xf32, #tpu.memory_space<vmem>> -> memref<128xf32, #tpu.memory_space<vmem>>
    %dma_wait3A_1478 = arith.constant 0 : i32
    %dma_wait3A_1479 = tpu.memref_slice %arg13[%dma_wait3A_1472, %dma_wait3A_1478] : memref<4x128xi32, #tpu.memory_space<vmem>> -> memref<1x128xi32, #tpu.memory_space<vmem>>
    %dma_wait3A_1480 = tpu.memref_squeeze %dma_wait3A_1479 : memref<1x128xi32, #tpu.memory_space<vmem>> -> memref<128xi32, #tpu.memory_space<vmem>>
    %dma_wait3A_1481 = arith.constant 0 : i32
    %dma_wait3A_1482 = tpu.memref_slice %arg8[%dma_wait3A_1471, %dma_wait3A_1481] : memref<1x1000000xf32, #tpu.memory_space<hbm>> -> memref<1x1000000xf32, #tpu.memory_space<hbm>>
    %dma_wait3A_1483 = tpu.memref_squeeze %dma_wait3A_1482 : memref<1x1000000xf32, #tpu.memory_space<hbm>> -> memref<1000000xf32, #tpu.memory_space<hbm>>
    %dma_wait3A_1484 = arith.constant 0 : i32
    %dma_wait3A_1485 = tpu.memref_slice %dma_wait3A_1483[%dma_wait3A_1484] : memref<1000000xf32, #tpu.memory_space<hbm>> -> memref<1000000xf32, #tpu.memory_space<hbm>>
    %dma_wait3A_1486 = tpu.memref_slice %arg20[%dma_wait3A_1474] : memref<4x!tpu.dma_semaphore, #tpu.memory_space<semaphore_mem>> -> memref<1x!tpu.dma_semaphore, #tpu.memory_space<semaphore_mem>>
    %dma_wait3A_1487 = tpu.memref_squeeze %dma_wait3A_1486 : memref<1x!tpu.dma_semaphore, #tpu.memory_space<semaphore_mem>> -> memref<!tpu.dma_semaphore, #tpu.memory_space<semaphore_mem>>
    tpu.wait_indirect_dma semaphore(%dma_wait3A_1487 : memref<!tpu.dma_semaphore, #tpu.memory_space<semaphore_mem>>) src(%dma_wait3A_1485 : memref<1000000xf32, #tpu.memory_space<hbm>>) dst(%dma_wait3A_1477 : memref<128xf32, #tpu.memory_space<vmem>>)
    %dma_wait3A_1488 = arith.constant 0 : i32
    %dma_wait3A_1489 = arith.constant 3 : i32
    %dma_wait3A_1490 = arith.constant 3 : i32
    %dma_wait3A_1491 = arith.constant 3 : i32
    %dma_wait3A_1492 = arith.constant 0 : i32
    %dma_wait3A_1493 = tpu.memref_slice %arg17[%dma_wait3A_1490, %dma_wait3A_1492] : memref<4x128xf32, #tpu.memory_space<vmem>> -> memref<1x128xf32, #tpu.memory_space<vmem>>
    %dma_wait3A_1494 = tpu.memref_squeeze %dma_wait3A_1493 : memref<1x128xf32, #tpu.memory_space<vmem>> -> memref<128xf32, #tpu.memory_space<vmem>>
    %dma_wait3A_1495 = arith.constant 0 : i32
    %dma_wait3A_1496 = tpu.memref_slice %arg14[%dma_wait3A_1489, %dma_wait3A_1495] : memref<4x128xi32, #tpu.memory_space<vmem>> -> memref<1x128xi32, #tpu.memory_space<vmem>>
    %dma_wait3A_1497 = tpu.memref_squeeze %dma_wait3A_1496 : memref<1x128xi32, #tpu.memory_space<vmem>> -> memref<128xi32, #tpu.memory_space<vmem>>
    %dma_wait3A_1498 = arith.constant 0 : i32
    %dma_wait3A_1499 = tpu.memref_slice %arg9[%dma_wait3A_1488, %dma_wait3A_1498] : memref<1x1000000xf32, #tpu.memory_space<hbm>> -> memref<1x1000000xf32, #tpu.memory_space<hbm>>
    %dma_wait3A_1500 = tpu.memref_squeeze %dma_wait3A_1499 : memref<1x1000000xf32, #tpu.memory_space<hbm>> -> memref<1000000xf32, #tpu.memory_space<hbm>>
    %dma_wait3A_1501 = arith.constant 0 : i32
    %dma_wait3A_1502 = tpu.memref_slice %dma_wait3A_1500[%dma_wait3A_1501] : memref<1000000xf32, #tpu.memory_space<hbm>> -> memref<1000000xf32, #tpu.memory_space<hbm>>
    %dma_wait3A_1503 = tpu.memref_slice %arg20[%dma_wait3A_1491] : memref<4x!tpu.dma_semaphore, #tpu.memory_space<semaphore_mem>> -> memref<1x!tpu.dma_semaphore, #tpu.memory_space<semaphore_mem>>
    %dma_wait3A_1504 = tpu.memref_squeeze %dma_wait3A_1503 : memref<1x!tpu.dma_semaphore, #tpu.memory_space<semaphore_mem>> -> memref<!tpu.dma_semaphore, #tpu.memory_space<semaphore_mem>>
    tpu.wait_indirect_dma semaphore(%dma_wait3A_1504 : memref<!tpu.dma_semaphore, #tpu.memory_space<semaphore_mem>>) src(%dma_wait3A_1502 : memref<1000000xf32, #tpu.memory_space<hbm>>) dst(%dma_wait3A_1494 : memref<128xf32, #tpu.memory_space<vmem>>)
    %get3A_1505 = arith.constant 3 : i32
    %get3A_1506 = arith.index_cast %get3A_1505 : i32 to index
    %get3A_1507 = arith.constant 0 : index
    %get3A_1508 = tpu.vector_load %arg15[%get3A_1506, %get3A_1507] {strides = array<i32>} : memref<4x128xf32, #tpu.memory_space<vmem>>, vector<1x16xf32>,
    %get3A_1509 = vector.shape_cast %get3A_1508 : vector<1x16xf32> to vector<16xf32>
    %get3A_1510 = arith.constant 3 : i32
    %get3A_1511 = arith.index_cast %get3A_1510 : i32 to index
    %get3A_1512 = arith.constant 0 : index
    %get3A_1513 = tpu.vector_load %arg16[%get3A_1511, %get3A_1512] {strides = array<i32>} : memref<4x128xf32, #tpu.memory_space<vmem>>, vector<1x16xf32>,
    %get3A_1514 = vector.shape_cast %get3A_1513 : vector<1x16xf32> to vector<16xf32>
    %get3A_1515 = arith.constant 3 : i32
    %get3A_1516 = arith.index_cast %get3A_1515 : i32 to index
    %get3A_1517 = arith.constant 0 : index
    %get3A_1518 = tpu.vector_load %arg17[%get3A_1516, %get3A_1517] {strides = array<i32>} : memref<4x128xf32, #tpu.memory_space<vmem>>, vector<1x16xf32>,
    %get3A_1519 = vector.shape_cast %get3A_1518 : vector<1x16xf32> to vector<16xf32>
    %sub3A_1520 = arith.subf %broadcast_in_dim3A_534, %get3A_1509 : vector<16xf32>
    %mul3A_1521 = arith.mulf %get3A_518, %sub3A_1520 : vector<16xf32>
    %sub3A_1522 = arith.subf %broadcast_in_dim3A_534, %get3A_1514 : vector<16xf32>
    %mul3A_1523 = arith.mulf %get3A_523, %sub3A_1522 : vector<16xf32>
    %add3A_1524 = arith.addf %mul3A_1521, %mul3A_1523 : vector<16xf32>
    %sub3A_1525 = arith.subf %broadcast_in_dim3A_534, %get3A_1519 : vector<16xf32>
    %mul3A_1526 = arith.mulf %get3A_528, %sub3A_1525 : vector<16xf32>
    %add3A_1527 = arith.addf %add3A_1524, %mul3A_1526 : vector<16xf32>
    %sub3A_1528 = arith.subf %get3A_533, %add3A_1527 : vector<16xf32>
    %max3A_1529 = arith.maximumf %sub3A_1528, %broadcast_in_dim3A_536 : vector<16xf32>
    %min3A_1530 = arith.minimumf %max3A_1529, %broadcast_in_dim3A_534 : vector<16xf32>
    %swap3A_1531 = arith.constant 3 : i32
    %swap3A_1532 = arith.index_cast %swap3A_1531 : i32 to index
    %swap3A_1533 = arith.constant 0 : index
    %swap3A_1534 = tpu.vector_load %arg19[%swap3A_1532, %swap3A_1533] {strides = array<i32>} : memref<4x128xf32, #tpu.memory_space<vmem>>, vector<1x16xf32>,
    %swap3A_1535 = vector.shape_cast %swap3A_1534 : vector<1x16xf32> to vector<16xf32>
    %swap3A_1536 = vector.shape_cast %min3A_1530 : vector<16xf32> to vector<1x16xf32>
    tpu.vector_store %arg19[%swap3A_1532, %swap3A_1533], %swap3A_1536 {strides = array<i32>} : memref<4x128xf32, #tpu.memory_space<vmem>>, vector<1x16xf32>,
    %get3A_1537 = arith.constant 3 : i32
    %get3A_1538 = arith.index_cast %get3A_1537 : i32 to index
    %get3A_1539 = arith.constant 16 : index
    %get3A_1540 = tpu.vector_load %arg15[%get3A_1538, %get3A_1539] {strides = array<i32>} : memref<4x128xf32, #tpu.memory_space<vmem>>, vector<1x16xf32>,
    %get3A_1541 = vector.shape_cast %get3A_1540 : vector<1x16xf32> to vector<16xf32>
    %get3A_1542 = arith.constant 3 : i32
    %get3A_1543 = arith.index_cast %get3A_1542 : i32 to index
    %get3A_1544 = arith.constant 16 : index
    %get3A_1545 = tpu.vector_load %arg16[%get3A_1543, %get3A_1544] {strides = array<i32>} : memref<4x128xf32, #tpu.memory_space<vmem>>, vector<1x16xf32>,
    %get3A_1546 = vector.shape_cast %get3A_1545 : vector<1x16xf32> to vector<16xf32>
    %get3A_1547 = arith.constant 3 : i32
    %get3A_1548 = arith.index_cast %get3A_1547 : i32 to index
    %get3A_1549 = arith.constant 16 : index
    %get3A_1550 = tpu.vector_load %arg17[%get3A_1548, %get3A_1549] {strides = array<i32>} : memref<4x128xf32, #tpu.memory_space<vmem>>, vector<1x16xf32>,
    %get3A_1551 = vector.shape_cast %get3A_1550 : vector<1x16xf32> to vector<16xf32>
    %sub3A_1552 = arith.subf %broadcast_in_dim3A_534, %get3A_1541 : vector<16xf32>
    %mul3A_1553 = arith.mulf %get3A_518, %sub3A_1552 : vector<16xf32>
    %sub3A_1554 = arith.subf %broadcast_in_dim3A_534, %get3A_1546 : vector<16xf32>
    %mul3A_1555 = arith.mulf %get3A_523, %sub3A_1554 : vector<16xf32>
    %add3A_1556 = arith.addf %mul3A_1553, %mul3A_1555 : vector<16xf32>
    %sub3A_1557 = arith.subf %broadcast_in_dim3A_534, %get3A_1551 : vector<16xf32>
    %mul3A_1558 = arith.mulf %get3A_528, %sub3A_1557 : vector<16xf32>
    %add3A_1559 = arith.addf %add3A_1556, %mul3A_1558 : vector<16xf32>
    %sub3A_1560 = arith.subf %get3A_533, %add3A_1559 : vector<16xf32>
    %max3A_1561 = arith.maximumf %sub3A_1560, %broadcast_in_dim3A_536 : vector<16xf32>
    %min3A_1562 = arith.minimumf %max3A_1561, %broadcast_in_dim3A_534 : vector<16xf32>
    %swap3A_1563 = arith.constant 3 : i32
    %swap3A_1564 = arith.index_cast %swap3A_1563 : i32 to index
    %swap3A_1565 = arith.constant 16 : index
    %swap3A_1566 = tpu.vector_load %arg19[%swap3A_1564, %swap3A_1565] {strides = array<i32>} : memref<4x128xf32, #tpu.memory_space<vmem>>, vector<1x16xf32>,
    %swap3A_1567 = vector.shape_cast %swap3A_1566 : vector<1x16xf32> to vector<16xf32>
    %swap3A_1568 = vector.shape_cast %min3A_1562 : vector<16xf32> to vector<1x16xf32>
    tpu.vector_store %arg19[%swap3A_1564, %swap3A_1565], %swap3A_1568 {strides = array<i32>} : memref<4x128xf32, #tpu.memory_space<vmem>>, vector<1x16xf32>,
    %get3A_1569 = arith.constant 3 : i32
    %get3A_1570 = arith.index_cast %get3A_1569 : i32 to index
    %get3A_1571 = arith.constant 32 : index
    %get3A_1572 = tpu.vector_load %arg15[%get3A_1570, %get3A_1571] {strides = array<i32>} : memref<4x128xf32, #tpu.memory_space<vmem>>, vector<1x16xf32>,
    %get3A_1573 = vector.shape_cast %get3A_1572 : vector<1x16xf32> to vector<16xf32>
    %get3A_1574 = arith.constant 3 : i32
    %get3A_1575 = arith.index_cast %get3A_1574 : i32 to index
    %get3A_1576 = arith.constant 32 : index
    %get3A_1577 = tpu.vector_load %arg16[%get3A_1575, %get3A_1576] {strides = array<i32>} : memref<4x128xf32, #tpu.memory_space<vmem>>, vector<1x16xf32>,
    %get3A_1578 = vector.shape_cast %get3A_1577 : vector<1x16xf32> to vector<16xf32>
    %get3A_1579 = arith.constant 3 : i32
    %get3A_1580 = arith.index_cast %get3A_1579 : i32 to index
    %get3A_1581 = arith.constant 32 : index
    %get3A_1582 = tpu.vector_load %arg17[%get3A_1580, %get3A_1581] {strides = array<i32>} : memref<4x128xf32, #tpu.memory_space<vmem>>, vector<1x16xf32>,
    %get3A_1583 = vector.shape_cast %get3A_1582 : vector<1x16xf32> to vector<16xf32>
    %sub3A_1584 = arith.subf %broadcast_in_dim3A_534, %get3A_1573 : vector<16xf32>
    %mul3A_1585 = arith.mulf %get3A_518, %sub3A_1584 : vector<16xf32>
    %sub3A_1586 = arith.subf %broadcast_in_dim3A_534, %get3A_1578 : vector<16xf32>
    %mul3A_1587 = arith.mulf %get3A_523, %sub3A_1586 : vector<16xf32>
    %add3A_1588 = arith.addf %mul3A_1585, %mul3A_1587 : vector<16xf32>
    %sub3A_1589 = arith.subf %broadcast_in_dim3A_534, %get3A_1583 : vector<16xf32>
    %mul3A_1590 = arith.mulf %get3A_528, %sub3A_1589 : vector<16xf32>
    %add3A_1591 = arith.addf %add3A_1588, %mul3A_1590 : vector<16xf32>
    %sub3A_1592 = arith.subf %get3A_533, %add3A_1591 : vector<16xf32>
    %max3A_1593 = arith.maximumf %sub3A_1592, %broadcast_in_dim3A_536 : vector<16xf32>
    %min3A_1594 = arith.minimumf %max3A_1593, %broadcast_in_dim3A_534 : vector<16xf32>
    %swap3A_1595 = arith.constant 3 : i32
    %swap3A_1596 = arith.index_cast %swap3A_1595 : i32 to index
    %swap3A_1597 = arith.constant 32 : index
    %swap3A_1598 = tpu.vector_load %arg19[%swap3A_1596, %swap3A_1597] {strides = array<i32>} : memref<4x128xf32, #tpu.memory_space<vmem>>, vector<1x16xf32>,
    %swap3A_1599 = vector.shape_cast %swap3A_1598 : vector<1x16xf32> to vector<16xf32>
    %swap3A_1600 = vector.shape_cast %min3A_1594 : vector<16xf32> to vector<1x16xf32>
    tpu.vector_store %arg19[%swap3A_1596, %swap3A_1597], %swap3A_1600 {strides = array<i32>} : memref<4x128xf32, #tpu.memory_space<vmem>>, vector<1x16xf32>,
    %get3A_1601 = arith.constant 3 : i32
    %get3A_1602 = arith.index_cast %get3A_1601 : i32 to index
    %get3A_1603 = arith.constant 48 : index
    %get3A_1604 = tpu.vector_load %arg15[%get3A_1602, %get3A_1603] {strides = array<i32>} : memref<4x128xf32, #tpu.memory_space<vmem>>, vector<1x16xf32>,
    %get3A_1605 = vector.shape_cast %get3A_1604 : vector<1x16xf32> to vector<16xf32>
    %get3A_1606 = arith.constant 3 : i32
    %get3A_1607 = arith.index_cast %get3A_1606 : i32 to index
    %get3A_1608 = arith.constant 48 : index
    %get3A_1609 = tpu.vector_load %arg16[%get3A_1607, %get3A_1608] {strides = array<i32>} : memref<4x128xf32, #tpu.memory_space<vmem>>, vector<1x16xf32>,
    %get3A_1610 = vector.shape_cast %get3A_1609 : vector<1x16xf32> to vector<16xf32>
    %get3A_1611 = arith.constant 3 : i32
    %get3A_1612 = arith.index_cast %get3A_1611 : i32 to index
    %get3A_1613 = arith.constant 48 : index
    %get3A_1614 = tpu.vector_load %arg17[%get3A_1612, %get3A_1613] {strides = array<i32>} : memref<4x128xf32, #tpu.memory_space<vmem>>, vector<1x16xf32>,
    %get3A_1615 = vector.shape_cast %get3A_1614 : vector<1x16xf32> to vector<16xf32>
    %sub3A_1616 = arith.subf %broadcast_in_dim3A_534, %get3A_1605 : vector<16xf32>
    %mul3A_1617 = arith.mulf %get3A_518, %sub3A_1616 : vector<16xf32>
    %sub3A_1618 = arith.subf %broadcast_in_dim3A_534, %get3A_1610 : vector<16xf32>
    %mul3A_1619 = arith.mulf %get3A_523, %sub3A_1618 : vector<16xf32>
    %add3A_1620 = arith.addf %mul3A_1617, %mul3A_1619 : vector<16xf32>
    %sub3A_1621 = arith.subf %broadcast_in_dim3A_534, %get3A_1615 : vector<16xf32>
    %mul3A_1622 = arith.mulf %get3A_528, %sub3A_1621 : vector<16xf32>
    %add3A_1623 = arith.addf %add3A_1620, %mul3A_1622 : vector<16xf32>
    %sub3A_1624 = arith.subf %get3A_533, %add3A_1623 : vector<16xf32>
    %max3A_1625 = arith.maximumf %sub3A_1624, %broadcast_in_dim3A_536 : vector<16xf32>
    %min3A_1626 = arith.minimumf %max3A_1625, %broadcast_in_dim3A_534 : vector<16xf32>
    %swap3A_1627 = arith.constant 3 : i32
    %swap3A_1628 = arith.index_cast %swap3A_1627 : i32 to index
    %swap3A_1629 = arith.constant 48 : index
    %swap3A_1630 = tpu.vector_load %arg19[%swap3A_1628, %swap3A_1629] {strides = array<i32>} : memref<4x128xf32, #tpu.memory_space<vmem>>, vector<1x16xf32>,
    %swap3A_1631 = vector.shape_cast %swap3A_1630 : vector<1x16xf32> to vector<16xf32>
    %swap3A_1632 = vector.shape_cast %min3A_1626 : vector<16xf32> to vector<1x16xf32>
    tpu.vector_store %arg19[%swap3A_1628, %swap3A_1629], %swap3A_1632 {strides = array<i32>} : memref<4x128xf32, #tpu.memory_space<vmem>>, vector<1x16xf32>,
    %get3A_1633 = arith.constant 3 : i32
    %get3A_1634 = arith.index_cast %get3A_1633 : i32 to index
    %get3A_1635 = arith.constant 64 : index
    %get3A_1636 = tpu.vector_load %arg15[%get3A_1634, %get3A_1635] {strides = array<i32>} : memref<4x128xf32, #tpu.memory_space<vmem>>, vector<1x16xf32>,
    %get3A_1637 = vector.shape_cast %get3A_1636 : vector<1x16xf32> to vector<16xf32>
    %get3A_1638 = arith.constant 3 : i32
    %get3A_1639 = arith.index_cast %get3A_1638 : i32 to index
    %get3A_1640 = arith.constant 64 : index
    %get3A_1641 = tpu.vector_load %arg16[%get3A_1639, %get3A_1640] {strides = array<i32>} : memref<4x128xf32, #tpu.memory_space<vmem>>, vector<1x16xf32>,
    %get3A_1642 = vector.shape_cast %get3A_1641 : vector<1x16xf32> to vector<16xf32>
    %get3A_1643 = arith.constant 3 : i32
    %get3A_1644 = arith.index_cast %get3A_1643 : i32 to index
    %get3A_1645 = arith.constant 64 : index
    %get3A_1646 = tpu.vector_load %arg17[%get3A_1644, %get3A_1645] {strides = array<i32>} : memref<4x128xf32, #tpu.memory_space<vmem>>, vector<1x16xf32>,
    %get3A_1647 = vector.shape_cast %get3A_1646 : vector<1x16xf32> to vector<16xf32>
    %sub3A_1648 = arith.subf %broadcast_in_dim3A_534, %get3A_1637 : vector<16xf32>
    %mul3A_1649 = arith.mulf %get3A_518, %sub3A_1648 : vector<16xf32>
    %sub3A_1650 = arith.subf %broadcast_in_dim3A_534, %get3A_1642 : vector<16xf32>
    %mul3A_1651 = arith.mulf %get3A_523, %sub3A_1650 : vector<16xf32>
    %add3A_1652 = arith.addf %mul3A_1649, %mul3A_1651 : vector<16xf32>
    %sub3A_1653 = arith.subf %broadcast_in_dim3A_534, %get3A_1647 : vector<16xf32>
    %mul3A_1654 = arith.mulf %get3A_528, %sub3A_1653 : vector<16xf32>
    %add3A_1655 = arith.addf %add3A_1652, %mul3A_1654 : vector<16xf32>
    %sub3A_1656 = arith.subf %get3A_533, %add3A_1655 : vector<16xf32>
    %max3A_1657 = arith.maximumf %sub3A_1656, %broadcast_in_dim3A_536 : vector<16xf32>
    %min3A_1658 = arith.minimumf %max3A_1657, %broadcast_in_dim3A_534 : vector<16xf32>
    %swap3A_1659 = arith.constant 3 : i32
    %swap3A_1660 = arith.index_cast %swap3A_1659 : i32 to index
    %swap3A_1661 = arith.constant 64 : index
    %swap3A_1662 = tpu.vector_load %arg19[%swap3A_1660, %swap3A_1661] {strides = array<i32>} : memref<4x128xf32, #tpu.memory_space<vmem>>, vector<1x16xf32>,
    %swap3A_1663 = vector.shape_cast %swap3A_1662 : vector<1x16xf32> to vector<16xf32>
    %swap3A_1664 = vector.shape_cast %min3A_1658 : vector<16xf32> to vector<1x16xf32>
    tpu.vector_store %arg19[%swap3A_1660, %swap3A_1661], %swap3A_1664 {strides = array<i32>} : memref<4x128xf32, #tpu.memory_space<vmem>>, vector<1x16xf32>,
    %get3A_1665 = arith.constant 3 : i32
    %get3A_1666 = arith.index_cast %get3A_1665 : i32 to index
    %get3A_1667 = arith.constant 80 : index
    %get3A_1668 = tpu.vector_load %arg15[%get3A_1666, %get3A_1667] {strides = array<i32>} : memref<4x128xf32, #tpu.memory_space<vmem>>, vector<1x16xf32>,
    %get3A_1669 = vector.shape_cast %get3A_1668 : vector<1x16xf32> to vector<16xf32>
    %get3A_1670 = arith.constant 3 : i32
    %get3A_1671 = arith.index_cast %get3A_1670 : i32 to index
    %get3A_1672 = arith.constant 80 : index
    %get3A_1673 = tpu.vector_load %arg16[%get3A_1671, %get3A_1672] {strides = array<i32>} : memref<4x128xf32, #tpu.memory_space<vmem>>, vector<1x16xf32>,
    %get3A_1674 = vector.shape_cast %get3A_1673 : vector<1x16xf32> to vector<16xf32>
    %get3A_1675 = arith.constant 3 : i32
    %get3A_1676 = arith.index_cast %get3A_1675 : i32 to index
    %get3A_1677 = arith.constant 80 : index
    %get3A_1678 = tpu.vector_load %arg17[%get3A_1676, %get3A_1677] {strides = array<i32>} : memref<4x128xf32, #tpu.memory_space<vmem>>, vector<1x16xf32>,
    %get3A_1679 = vector.shape_cast %get3A_1678 : vector<1x16xf32> to vector<16xf32>
    %sub3A_1680 = arith.subf %broadcast_in_dim3A_534, %get3A_1669 : vector<16xf32>
    %mul3A_1681 = arith.mulf %get3A_518, %sub3A_1680 : vector<16xf32>
    %sub3A_1682 = arith.subf %broadcast_in_dim3A_534, %get3A_1674 : vector<16xf32>
    %mul3A_1683 = arith.mulf %get3A_523, %sub3A_1682 : vector<16xf32>
    %add3A_1684 = arith.addf %mul3A_1681, %mul3A_1683 : vector<16xf32>
    %sub3A_1685 = arith.subf %broadcast_in_dim3A_534, %get3A_1679 : vector<16xf32>
    %mul3A_1686 = arith.mulf %get3A_528, %sub3A_1685 : vector<16xf32>
    %add3A_1687 = arith.addf %add3A_1684, %mul3A_1686 : vector<16xf32>
    %sub3A_1688 = arith.subf %get3A_533, %add3A_1687 : vector<16xf32>
    %max3A_1689 = arith.maximumf %sub3A_1688, %broadcast_in_dim3A_536 : vector<16xf32>
    %min3A_1690 = arith.minimumf %max3A_1689, %broadcast_in_dim3A_534 : vector<16xf32>
    %swap3A_1691 = arith.constant 3 : i32
    %swap3A_1692 = arith.index_cast %swap3A_1691 : i32 to index
    %swap3A_1693 = arith.constant 80 : index
    %swap3A_1694 = tpu.vector_load %arg19[%swap3A_1692, %swap3A_1693] {strides = array<i32>} : memref<4x128xf32, #tpu.memory_space<vmem>>, vector<1x16xf32>,
    %swap3A_1695 = vector.shape_cast %swap3A_1694 : vector<1x16xf32> to vector<16xf32>
    %swap3A_1696 = vector.shape_cast %min3A_1690 : vector<16xf32> to vector<1x16xf32>
    tpu.vector_store %arg19[%swap3A_1692, %swap3A_1693], %swap3A_1696 {strides = array<i32>} : memref<4x128xf32, #tpu.memory_space<vmem>>, vector<1x16xf32>,
    %get3A_1697 = arith.constant 3 : i32
    %get3A_1698 = arith.index_cast %get3A_1697 : i32 to index
    %get3A_1699 = arith.constant 96 : index
    %get3A_1700 = tpu.vector_load %arg15[%get3A_1698, %get3A_1699] {strides = array<i32>} : memref<4x128xf32, #tpu.memory_space<vmem>>, vector<1x16xf32>,
    %get3A_1701 = vector.shape_cast %get3A_1700 : vector<1x16xf32> to vector<16xf32>
    %get3A_1702 = arith.constant 3 : i32
    %get3A_1703 = arith.index_cast %get3A_1702 : i32 to index
    %get3A_1704 = arith.constant 96 : index
    %get3A_1705 = tpu.vector_load %arg16[%get3A_1703, %get3A_1704] {strides = array<i32>} : memref<4x128xf32, #tpu.memory_space<vmem>>, vector<1x16xf32>,
    %get3A_1706 = vector.shape_cast %get3A_1705 : vector<1x16xf32> to vector<16xf32>
    %get3A_1707 = arith.constant 3 : i32
    %get3A_1708 = arith.index_cast %get3A_1707 : i32 to index
    %get3A_1709 = arith.constant 96 : index
    %get3A_1710 = tpu.vector_load %arg17[%get3A_1708, %get3A_1709] {strides = array<i32>} : memref<4x128xf32, #tpu.memory_space<vmem>>, vector<1x16xf32>,
    %get3A_1711 = vector.shape_cast %get3A_1710 : vector<1x16xf32> to vector<16xf32>
    %sub3A_1712 = arith.subf %broadcast_in_dim3A_534, %get3A_1701 : vector<16xf32>
    %mul3A_1713 = arith.mulf %get3A_518, %sub3A_1712 : vector<16xf32>
    %sub3A_1714 = arith.subf %broadcast_in_dim3A_534, %get3A_1706 : vector<16xf32>
    %mul3A_1715 = arith.mulf %get3A_523, %sub3A_1714 : vector<16xf32>
    %add3A_1716 = arith.addf %mul3A_1713, %mul3A_1715 : vector<16xf32>
    %sub3A_1717 = arith.subf %broadcast_in_dim3A_534, %get3A_1711 : vector<16xf32>
    %mul3A_1718 = arith.mulf %get3A_528, %sub3A_1717 : vector<16xf32>
    %add3A_1719 = arith.addf %add3A_1716, %mul3A_1718 : vector<16xf32>
    %sub3A_1720 = arith.subf %get3A_533, %add3A_1719 : vector<16xf32>
    %max3A_1721 = arith.maximumf %sub3A_1720, %broadcast_in_dim3A_536 : vector<16xf32>
    %min3A_1722 = arith.minimumf %max3A_1721, %broadcast_in_dim3A_534 : vector<16xf32>
    %swap3A_1723 = arith.constant 3 : i32
    %swap3A_1724 = arith.index_cast %swap3A_1723 : i32 to index
    %swap3A_1725 = arith.constant 96 : index
    %swap3A_1726 = tpu.vector_load %arg19[%swap3A_1724, %swap3A_1725] {strides = array<i32>} : memref<4x128xf32, #tpu.memory_space<vmem>>, vector<1x16xf32>,
    %swap3A_1727 = vector.shape_cast %swap3A_1726 : vector<1x16xf32> to vector<16xf32>
    %swap3A_1728 = vector.shape_cast %min3A_1722 : vector<16xf32> to vector<1x16xf32>
    tpu.vector_store %arg19[%swap3A_1724, %swap3A_1725], %swap3A_1728 {strides = array<i32>} : memref<4x128xf32, #tpu.memory_space<vmem>>, vector<1x16xf32>,
    %get3A_1729 = arith.constant 3 : i32
    %get3A_1730 = arith.index_cast %get3A_1729 : i32 to index
    %get3A_1731 = arith.constant 112 : index
    %get3A_1732 = tpu.vector_load %arg15[%get3A_1730, %get3A_1731] {strides = array<i32>} : memref<4x128xf32, #tpu.memory_space<vmem>>, vector<1x16xf32>,
    %get3A_1733 = vector.shape_cast %get3A_1732 : vector<1x16xf32> to vector<16xf32>
    %get3A_1734 = arith.constant 3 : i32
    %get3A_1735 = arith.index_cast %get3A_1734 : i32 to index
    %get3A_1736 = arith.constant 112 : index
    %get3A_1737 = tpu.vector_load %arg16[%get3A_1735, %get3A_1736] {strides = array<i32>} : memref<4x128xf32, #tpu.memory_space<vmem>>, vector<1x16xf32>,
    %get3A_1738 = vector.shape_cast %get3A_1737 : vector<1x16xf32> to vector<16xf32>
    %get3A_1739 = arith.constant 3 : i32
    %get3A_1740 = arith.index_cast %get3A_1739 : i32 to index
    %get3A_1741 = arith.constant 112 : index
    %get3A_1742 = tpu.vector_load %arg17[%get3A_1740, %get3A_1741] {strides = array<i32>} : memref<4x128xf32, #tpu.memory_space<vmem>>, vector<1x16xf32>,
    %get3A_1743 = vector.shape_cast %get3A_1742 : vector<1x16xf32> to vector<16xf32>
    %sub3A_1744 = arith.subf %broadcast_in_dim3A_534, %get3A_1733 : vector<16xf32>
    %mul3A_1745 = arith.mulf %get3A_518, %sub3A_1744 : vector<16xf32>
    %sub3A_1746 = arith.subf %broadcast_in_dim3A_534, %get3A_1738 : vector<16xf32>
    %mul3A_1747 = arith.mulf %get3A_523, %sub3A_1746 : vector<16xf32>
    %add3A_1748 = arith.addf %mul3A_1745, %mul3A_1747 : vector<16xf32>
    %sub3A_1749 = arith.subf %broadcast_in_dim3A_534, %get3A_1743 : vector<16xf32>
    %mul3A_1750 = arith.mulf %get3A_528, %sub3A_1749 : vector<16xf32>
    %add3A_1751 = arith.addf %add3A_1748, %mul3A_1750 : vector<16xf32>
    %sub3A_1752 = arith.subf %get3A_533, %add3A_1751 : vector<16xf32>
    %max3A_1753 = arith.maximumf %sub3A_1752, %broadcast_in_dim3A_536 : vector<16xf32>
    %min3A_1754 = arith.minimumf %max3A_1753, %broadcast_in_dim3A_534 : vector<16xf32>
    %swap3A_1755 = arith.constant 3 : i32
    %swap3A_1756 = arith.index_cast %swap3A_1755 : i32 to index
    %swap3A_1757 = arith.constant 112 : index
    %swap3A_1758 = tpu.vector_load %arg19[%swap3A_1756, %swap3A_1757] {strides = array<i32>} : memref<4x128xf32, #tpu.memory_space<vmem>>, vector<1x16xf32>,
    %swap3A_1759 = vector.shape_cast %swap3A_1758 : vector<1x16xf32> to vector<16xf32>
    %swap3A_1760 = vector.shape_cast %min3A_1754 : vector<16xf32> to vector<1x16xf32>
    tpu.vector_store %arg19[%swap3A_1756, %swap3A_1757], %swap3A_1760 {strides = array<i32>} : memref<4x128xf32, #tpu.memory_space<vmem>>, vector<1x16xf32>,
    "tpu.region"() ({
      %run_scoped3A = tpu.sem_alloc : memref<!tpu.dma_semaphore, #tpu.memory_space<semaphore_mem>>
      %dma_start3A_1761 = arith.constant 0 : i32
      %dma_start3A_1762 = arith.constant 0 : i32
      %dma_start3A_1763 = tpu.memref_slice %arg10[%add3A, %dma_start3A_1761, %dma_start3A_1762] : memref<32x4x128xf32, #tpu.memory_space<hbm>> -> memref<1x4x128xf32, #tpu.memory_space<hbm>>
      %dma_start3A_1764 = tpu.memref_squeeze %dma_start3A_1763 : memref<1x4x128xf32, #tpu.memory_space<hbm>> -> memref<4x128xf32, #tpu.memory_space<hbm>>
      %dma_start3A_1765 = arith.constant 0 : i32
      %dma_start3A_1766 = arith.constant 0 : i32
      %dma_start3A_1767 = tpu.memref_slice %arg10[%add3A, %dma_start3A_1765, %dma_start3A_1766] : memref<32x4x128xf32, #tpu.memory_space<hbm>> -> memref<1x4x128xf32, #tpu.memory_space<hbm>>
      %dma_start3A_1768 = tpu.memref_squeeze %dma_start3A_1767 : memref<1x4x128xf32, #tpu.memory_space<hbm>> -> memref<4x128xf32, #tpu.memory_space<hbm>>
      tpu.enqueue_dma source(%arg19 : memref<4x128xf32, #tpu.memory_space<vmem>>) target(%dma_start3A_1768 : memref<4x128xf32, #tpu.memory_space<hbm>>) target_semaphore(%run_scoped3A : memref<!tpu.dma_semaphore, #tpu.memory_space<semaphore_mem>>)
      %dma_wait3A_1769 = arith.constant 0 : i32
      %dma_wait3A_1770 = arith.constant 0 : i32
      %dma_wait3A_1771 = tpu.memref_slice %arg10[%add3A, %dma_wait3A_1769, %dma_wait3A_1770] : memref<32x4x128xf32, #tpu.memory_space<hbm>> -> memref<1x4x128xf32, #tpu.memory_space<hbm>>
      %dma_wait3A_1772 = tpu.memref_squeeze %dma_wait3A_1771 : memref<1x4x128xf32, #tpu.memory_space<hbm>> -> memref<4x128xf32, #tpu.memory_space<hbm>>
      %dma_wait3A_1773 = arith.constant 0 : i32
      %dma_wait3A_1774 = arith.constant 0 : i32
      %dma_wait3A_1775 = tpu.memref_slice %arg10[%add3A, %dma_wait3A_1773, %dma_wait3A_1774] : memref<32x4x128xf32, #tpu.memory_space<hbm>> -> memref<1x4x128xf32, #tpu.memory_space<hbm>>
      %dma_wait3A_1776 = tpu.memref_squeeze %dma_wait3A_1775 : memref<1x4x128xf32, #tpu.memory_space<hbm>> -> memref<4x128xf32, #tpu.memory_space<hbm>>
      tpu.wait_dma2 semaphore(%run_scoped3A : memref<!tpu.dma_semaphore, #tpu.memory_space<semaphore_mem>>) src(%arg19 : memref<4x128xf32, #tpu.memory_space<vmem>>) dst(%dma_wait3A_1776 : memref<4x128xf32, #tpu.memory_space<hbm>>)
      tpu.yield
    }) : () -> ()
    return
  }
}

</mosaic_0001>

<sc_bundles>
// kernel: meta_rule_sc.3.cloned.1.call-start
scs
__scs_entry_jumppad:
0x0: {  	(pc) =	sbr.rel $0x88, $3  }
0x1: {  	(tag) =	ssettag $0x0;
	lr =	simm.s32 $0x1  }
0x2: {  	[smem:$0x3F99] =	sst lr;
	_ =	strace $0xD0000000  }
0x3: {  	_ = 	snop  }
0x4: {  	_ = 	snop  }
0x5: {  	_ = 	snop  }
0x6: {  	_ = 	snop  }
0x7: {  	_ = 	snop  }
__scs_overlays_trampoline_lowered:
0x8: {  	[smem:$0x3FA8] =	sst s0  }
0x9: {  	[smem:$0x3FA9] =	sst s1  }
0xa: {  	[smem:$0x3FAA] =	sst s2  }
0xb: {  	[smem:$0x3FAB] =	sst s3  }
0xc: {  	[smem:$0x3FAC] =	sst s4  }
0xd: {  	[smem:$0x3FAD] =	sst s5  }
0xe: {  	[smem:$0x3FAE] =	sst s6  }
0xf: {  	[smem:$0x3FAF] =	sst s7  }
0x10: {  	[smem:$0x3FB0] =	sst s8  }
0x11: {  	[smem:$0x3FB1] =	sst s9;
	s0 =	simm.s32 @!p0 $0x0  }
0x12: {  	s1 =	sld [smem:$0x3F97];
	s0 =	simm.s32 @p0 $0x1  }
0x13: {  	[smem:$0x3FB2] =	sst s0;
	s0 =	simm.s32 @!p1 $0x0  }
0x14: {  	s2 =	sld [smem:$0x3F96];
	s0 =	simm.s32 @p1 $0x1  }
0x15: {  	[smem:$0x3FB3] =	sst s0;
	s0 =	simm.s32 @!p2 $0x0  }
0x16: {  	s3 =	sld [smem:$0x3FDB];
	s0 =	simm.s32 @p2 $0x1  }
0x17: {  	s4 =	simm.s32 $0x1BF5;
	[smem:$0x3FB5] =	sst s0  }
0x18: {  	s0 =	sld [smem:$0x3F98];
	_ =	swait.ge [sflag:s4], $0x0  }
0x19: {  	s7 =	sld [smem:$0x3F99]  }
0x1a: {  	s8 =	sadd.s32 $0xFFFFE003, lr  }
0x1b: {  	s9 =	sadd.s32 $0xFFFFFEF7, lr;
	s5 =	simm.s32 $0xFFFFFFFF;
	p2 =	slt.u32 s8, $0xFFFFF086  }
0x1c: {  	p1 =	slt.u32 s9, $0xF7A;
	s5 =	simm.s32 @!p2 $0x0  }
0x1d: {  	s5 =	simm.s32 @p1 $0x1;
	p0 =	seq.s32 s7, s2  }
0x1e: {  	s7 =	smul.u32 @!p0 $0xF7A, s2;
	p2 =	seq.s32 @!p0 s5, $0x0  }
0x1f: {  	s9 =	smul.u32 $0xF7A, s1;
	s8 =	simm.s32 @!p0 $0x1BF5;
	p2 =	por !p2, p0  }
0x20: {  	[sflag:s8] =	ssyncset.s32 @!p0 $0xFFFFF086;
	s6 =	sadd.s32 @!p0 s3, s7;
	s7 =	simm.s32 @!p0 $0x108  }
0x21: {  	s3 =	sadd.s32 s3, s9;
	s6 =	sadd.s32 @!p0 $0x88, s6;
	s7 =	simm.s32 @p2 $0x1082  }
0x22: {  	[simem:s7], [sflag:s8] =	dma.local @!p0 [hbm:s6], $0xF7A  }
0x23: {  	s9 =	sor.u32 $0xD0000000, s2;
	s6 =	simm.s32 $0x108;
	_ =	swait.ge @!p0 [sflag:s8], $0x0  }
0x24: {  	s3 =	sadd.s32 $0x88, s3;
	s6 =	simm.s32 @!p1 $0x1082;
	[sflag:s4] =	ssyncset.s32 $0xFFFFF086  }
0x25: {  	[simem:s6], [sflag:s4] =	dma.local [hbm:s3], $0xF7A  }
0x26: {  	[smem:$0x3F99] =	sst s1;
	(tag) =	ssettag s2;
	_ =	strace s9  }
0x27: {  	s1 =	sld [smem:$0x3FA9]  }
0x28: {  	s2 =	sld [smem:$0x3FAA]  }
0x29: {  	s4 =	sld [smem:$0x3FAC]  }
0x2a: {  	p0 =	seq.s32 s5, $0x0;
	s5 =	sld [smem:$0x3FAD]  }
0x2b: {  	s6 =	sld [smem:$0x3FAE]  }
0x2c: {  	s7 =	sld [smem:$0x3FAF]  }
0x2d: {  	s3 =	simm.s32 $0x108;
	s8 =	sld [smem:$0x3FB0]  }
0x2e: {  	s3 =	simm.s32 @!p0 $0x1082;
	s9 =	sld [smem:$0x3FB1]  }
0x2f: {  	lr =	sadd.s32 s0, s3;
	s0 =	sld [smem:$0x3FA8]  }
0x30: {  	s3 =	sld [smem:$0x3FAB]  }
0x31: {  	[smem:$0x3FB4] =	sst s10  }
0x32: {  	s10 =	sld [smem:$0x3FB2];
	_ =	sdelay $0x3  }
0x33: {  	p0 =	seq.s32 s10, $0x1;
	s10 =	sld [smem:$0x3FB4];
	_ =	sdelay $0x3  }
0x34: {  	[smem:$0x3FB4] =	sst s10  }
0x35: {  	s10 =	sld [smem:$0x3FB3];
	_ =	sdelay $0x3  }
0x36: {  	p1 =	seq.s32 s10, $0x1;
	s10 =	sld [smem:$0x3FB4];
	_ =	sdelay $0x3  }
0x37: {  	[smem:$0x3FB4] =	sst s10  }
0x38: {  	s10 =	sld [smem:$0x3FB5]  }
0x39: {  	_ = 	snop;
	(pc) =	sbr.ind lr, $3  }
0x3a: {  	_ = 	snop  }
0x3b: {  	_ = 	snop  }
0x3c: {  	p2 =	seq.s32 s10, $0x1;
	s10 =	sld [smem:$0x3FB4]  }
0x3d: {  	_ =	shalt  }
0x3e: {  	_ =	shalt  }
0x3f: {  	_ =	shalt  }
0x40: {  	_ =	shalt  }
0x41: {  	_ =	shalt  }
0x42: {  	_ =	shalt  }
0x43: {  	_ =	shalt  }
0x44: {  	_ =	shalt  }
0x45: {  	_ =	shalt  }
0x46: {  	_ =	shalt  }
0x47: {  	_ =	shalt  }
0x48: {  	_ =	shalt  }
0x49: {  	_ =	shalt  }
0x4a: {  	_ =	shalt  }
0x4b: {  	_ =	shalt  }
0x4c: {  	_ =	shalt  }
0x4d: {  	_ =	shalt  }
0x4e: {  	_ =	shalt  }
0x4f: {  	_ =	shalt  }
0x50: {  	_ =	shalt  }
0x51: {  	_ =	shalt  }
0x52: {  	_ =	shalt  }
0x53: {  	_ =	shalt  }
0x54: {  	_ =	shalt  }
0x55: {  	_ =	shalt  }
0x56: {  	_ =	shalt  }
0x57: {  	_ =	shalt  }
0x58: {  	_ =	shalt  }
0x59: {  	_ =	shalt  }
0x5a: {  	_ =	shalt  }
0x5b: {  	_ =	shalt  }
0x5c: {  	_ =	shalt  }
0x5d: {  	_ =	shalt  }
0x5e: {  	_ =	shalt  }
0x5f: {  	_ =	shalt  }
0x60: {  	_ =	shalt  }
0x61: {  	_ =	shalt  }
0x62: {  	_ =	shalt  }
0x63: {  	_ =	shalt  }
0x64: {  	_ =	shalt  }
0x65: {  	_ =	shalt  }
0x66: {  	_ =	shalt  }
0x67: {  	_ =	shalt  }
0x68: {  	_ =	shalt  }
0x69: {  	_ =	shalt  }
0x6a: {  	_ =	shalt  }
0x6b: {  	_ =	shalt  }
0x6c: {  	_ =	shalt  }
0x6d: {  	_ =	shalt  }
0x6e: {  	_ =	shalt  }
0x6f: {  	_ =	shalt  }
0x70: {  	_ =	shalt  }
0x71: {  	_ =	shalt  }
0x72: {  	_ =	shalt  }
0x73: {  	_ =	shalt  }
0x74: {  	_ =	shalt  }
0x75: {  	_ =	shalt  }
0x76: {  	_ =	shalt  }
0x77: {  	_ =	shalt  }
0x78: {  	_ =	shalt  }
0x79: {  	_ =	shalt  }
0x7a: {  	_ =	shalt  }
0x7b: {  	_ =	shalt  }
0x7c: {  	_ =	shalt  }
0x7d: {  	_ =	shalt  }
0x7e: {  	_ =	shalt  }
0x7f: {  	_ =	shalt  }
0x80: {  	_ =	shalt  }
0x81: {  	_ =	shalt  }
0x82: {  	_ =	shalt  }
0x83: {  	_ =	shalt  }
0x84: {  	_ =	shalt  }
0x85: {  	_ =	shalt  }
0x86: {  	_ =	shalt  }
0x87: {  	_ =	shalt  }
.Lfunc_end0:
.L_simem_size_0:
called_computation_lowered:
.L_overlay_start_0:
0x88: {  	s2 =	sld [smem:$0x3FD9]  }
0x89: {  	s3 =	sld [smem:$0x3FFE];
	_ =	sdelay $0x1  }
0x8a: {  	s1 =	srdreg.scid  }
0x8b: {  	s0 =	sand.u32 $0x1, s1  }
0x8c: {  	s18 =	sshll.u32 s0, $0xA;
	s2 =	sadd.s32 s3, s2  }
0x8d: {  	s2 =	sadd.s32 s2, s18  }
0x8e: {  	[smem:$0x3FC0] =	sst s2  }
0x8f: {  	_ = 	snop  }
0x90: {  	s2 =	sld [smem:$0x3FC9]  }
0x91: {  	s19 =	sld [smem:$0x3FC8]  }
0x92: {  	s4 =	sld [smem:$0x3FC7]  }
0x93: {  	s5 =	sld [smem:$0x3FC6]  }
0x94: {  	s6 =	sld [smem:$0x3FC5]  }
0x95: {  	s7 =	sld [smem:$0x3FC4]  }
0x96: {  	s8 =	sld [smem:$0x3FC3]  }
0x97: {  	s9 =	sld [smem:$0x3FC2]  }
0x98: {  	s10 =	sld [smem:$0x3FD0];
	(tm) =	ssettm $0x1  }
0x99: {  	s11 =	sld [smem:$0x3FFB];
	_ =	sdelay $0x3  }
0x9a: {  	_ =	strace s11  }
0x9b: {  	s11 =	sld [smem:$0x3FFC];
	_ =	sdelay $0x3  }
0x9c: {  	_ =	strace s11  }
0x9d: {  	s11 =	sld [smem:$0x3FFD];
	_ =	sdelay $0x3  }
0x9e: {  	_ =	strace s11  }
0x9f: {  	_ =	strace $0x8FFFFFFF  }
0xa0: {  	s20 =	sld [smem:$0x3FDB];
	_ =	sdelay $0x1  }
0xa1: {  	s12 =	simm.s32 $_scs_section_size  }
0xa2: {  	s13 =	simm.s32 $_size__tile_overlayer_lowered;
	s14 =	simm.s32 $_tile_overlayer_lowered  }
0xa3: {  	s23 =	simm.s32 $0x1BFF;
	s22 =	sshll.u32 s14, $0x1;
	s11 =	sadd.s32 s12, s20  }
0xa4: {  	s15 =	simm.s32 $0x0;
	s21 =	sshll.u32 s13, $0x1;
	s13 =	sadd.s32 s22, s11  }
0xa5: {  	[timem:s15], [sflag:s23] =	dma.local [hbm:s13], s21  }
0xa6: {  	_ =	swait.ge [sflag:s23], s21  }
0xa7: {  	s12 =	ssub.s32 $0x0, s21;
	[sflag:s23] =	ssyncset.done $0x0  }
0xa8: {  	[sflag:s23] =	ssyncadd.s32 s12;
	_ =	sdelay $0x1  }
0xa9: {  	s24 =	simm.s32 $0x1B8B  }
0xaa: {  	_ =	swait.ge [sflag:s24], $0x1  }
0xab: {  	[sflag:s24] =	ssyncset.done $0x0  }
0xac: {  	s25 =	simm.s32 $0x1B8E;
	[sflag:s24] =	ssyncadd.s32 $0xFFFFFFFF  }
0xad: {  	s26 =	simm.s32 $execute0_lowered;
	[smem:$0x3FD2] =	sst s25  }
0xae: {  	s12 =	sshll.u32 s26, $0x1;
	_ =	strace $0x80000046;
	[dreg:$0x1] =	wrdreg $0xFFFFFFFF  }
0xaf: {  	s28 =	simm.s32 $_size_execute0_lowered;
	s11 =	sadd.s32 s11, s12;
	[dreg:$0x0] =	wrdreg $0x0  }
0xb0: {  	s12 =	sshll.u32 s28, $0x1;
	[dreg:$0x2] =	wrdreg s11  }
0xb1: {  	[dreg:$0x3] =	wrdreg s12  }
0xb2: {  	[dreg:$0x4] =	wrdreg $0xC0  }
0xb3: {  	_ =	task [dreg:s15], $0x5FFFF  }
0xb4: {  	[dreg:$0x1] =	wrdreg $0xFFFFFFFF  }
0xb5: {  	[dreg:$0x0] =	wrdreg $0x60  }
0xb6: {  	[dreg:$0x2] =	wrdreg s2  }
0xb7: {  	[dreg:$0x3] =	wrdreg s19  }
0xb8: {  	[dreg:$0x4] =	wrdreg s4  }
0xb9: {  	[dreg:$0x5] =	wrdreg s5  }
0xba: {  	[dreg:$0x6] =	wrdreg s6  }
0xbb: {  	[dreg:$0x7] =	wrdreg s7  }
0xbc: {  	[dreg:$0x8] =	wrdreg s8  }
0xbd: {  	[dreg:$0x9] =	wrdreg s9  }
0xbe: {  	[dreg:$0xa] =	wrdreg s10  }
0xbf: {  	[dreg:$0xb] =	wrdreg $0x9  }
0xc0: {  	_ =	task.clear_ibuf [dreg:s15], $0xCFFFF;
	_ =	strace $0x90000046  }
0xc1: {  	s29 =	simm.s32 $0x9;
	_ =	strace $0x80000048  }
0xc2: {  	_ =	swait.ge [sflag:s29], $0x1  }
0xc3: {  	[sflag:s29] =	ssyncadd.s32 $0xFFFFFFFF  }
0xc4: {  	_ =	strace $0x90000048  }
0xc5: {  	_ =	sfence  }
0xc6: {  	s30 =	sld [smem:$0x0];
	_ =	sdelay $0x2  }
0xc7: {  	s31 =	sshll.u32 s1, $0xD;
	s1 =	sshrl.u32 s1, $0x2  }
0xc8: {  	s3 =	sand.u32 $0x4000, s31;
	s1 =	sadd.s32 s1, s30  }
0xc9: {  	s0 =	sor.u32 s3, s0;
	s1 =	sshll.u32 s1, $0x11  }
0xca: {  	s0 =	sor.u32 s1, s0  }
0xcb: {  	s0 =	sadd.s32 $0x8F2B, s0  }
0xcc: {  	[sflag:s0] =	ssyncadd.remote.s32 $0x1  }
0xcd: {  	_ =	sfence.sel $0xFFFF  }
0xce: {  	[dreg:$0x0] =	wrdreg $0xFFFFFFFF;
	(pc) =	sbr.abs _section_cstart, $3  }
0xcf: {  	[dreg:$0x1] =	wrdreg $0xFFFFFFFF  }
0xd0: {  	_ =	task.clear_ibuf [dreg:s15], $0x2FFFF;
	_ =	strace $0x9FFFFFFF  }
0xd1: {  	(tm) =	ssettm $0x7FFFFFFF  }
tec
execute0_lowered:
.L_overlay_start_1:
0x0: {  	(tag) =	ssettag $0x1  }
0x1: {  	s2 =	rddreg [dreg:$0x0]  }
0x2: {  	s0 =	rddreg [dreg:$0x1]  }
0x3: {  	s1 =	rddreg [dreg:$0x3]  }
0x4: {  	s3 =	rddreg [dreg:$0x4]  }
0x5: {  	s4 =	rddreg [dreg:$0x5]  }
0x6: {  	s5 =	rddreg [dreg:$0x6]  }
0x7: {  	s7 =	rddreg [dreg:$0x7]  }
0x8: {  	s9 =	rddreg [dreg:$0x8];
	s8 =	srdreg.scid  }
0x9: {  	s6 =	stileid.u32;
	s16 =	simm.s32 $0xE00;
	s13 =	simm.s32 $0x400  }
0xa: {  	s17 =	simm.s32 $0x800;
	s18 =	simm.s32 $0xA00;
	s19 =	simm.s32 $0xC00  }
0xb: {  	s20 =	simm.s32 $0x880;
	s21 =	simm.s32 $0xA80;
	[dreg:$0xa] =	wrdreg s0  }
0xc: {  	s0 =	rddreg [dreg:$0x2];
	s10 =	sand.u32 $0x1, s8;
	s8 =	simm.s32 $0x0  }
0xd: {  	s22 =	simm.s32 $0xC80;
	s23 =	simm.s32 $0x900;
	[smem:$0x7FF] =	sst s8  }
0xe: {  	s24 =	simm.s32 $0xB00;
	_ =	strace $0x80000047;
	[dreg:$0xd] =	wrdreg s16  }
0xf: {  	s25 =	simm.s32 $0xD00;
	s26 =	simm.s32 $0x980;
	[dreg:$0xe] =	wrdreg s17  }
0x10: {  	s31 =	simm.s32 $0xB80;
	s28 =	simm.s32 $0x2;
	[dreg:$0xf] =	wrdreg s18  }
0x11: {  	s29 =	simm.s32 $0x3;
	s30 =	simm.s32 $0x4;
	[dreg:$0x10] =	wrdreg s19  }
0x12: {  	s11 =	sshll.u32 s6, $0x7;
	s12 =	sshll.u32 s10, $0x6;
	[dreg:$0x11] =	wrdreg s20  }
0x13: {  	s10 =	ssub.s32 $0x2, s10;
	s11 =	sor.u32 s12, s11;
	[dreg:$0x12] =	wrdreg s21  }
0x14: {  	s14 =	sshrl.u32 s10, $0x1;
	s12 =	simm.s32 $0x200;
	[dreg:$0x13] =	wrdreg s22  }
0x15: {  	s16 =	simm.s32 $0x480;
	s17 =	simm.s32 $0x680;
	[dreg:$0x14] =	wrdreg s23  }
0x16: {  	s18 =	simm.s32 $0x100;
	s19 =	simm.s32 $0x300;
	[dreg:$0x15] =	wrdreg s24  }
0x17: {  	s20 =	simm.s32 $0x500;
	s21 =	simm.s32 $0x700;
	[dreg:$0x16] =	wrdreg s25  }
0x18: {  	s22 =	simm.s32 $0x180;
	s23 =	simm.s32 $0x380;
	[dreg:$0x17] =	wrdreg s26  }
0x19: {  	s24 =	simm.s32 $0x580;
	[dreg:$0x18] =	wrdreg s31;
	s25 =	simm.s32 $0x780  }
0x1a: {  	s26 =	simm.s32 $0x1;
	s2 =	sadd.s32 s2, s11;
	s10 =	ssub.s32 s10, s14  }
0x1b: {  	s15 =	sadd.s32 s9, s11;
	s11 =	simm.s32 $0x80;
	[dreg:$0xb] =	wrdreg s2  }
0x1c: {  	s14 =	simm.s32 $0x600;
	[dreg:$0xc] =	wrdreg s15;
	s9 =	smax.u32 s10, $0x1  }
0x1d: {  	s10 =	simm.s32 $0x5;
	s15 =	simm.s32 $0x280;
	s2 =	simm.s32 $0x1000  }
.LBB2_1:
0x1e: {  	s6 =	rddreg [dreg:$0xb]  }
0x1f: {  	[tilespmem:s8], [sflag:$0x5] =	stream.linear.gather [hbm4b:s6+s8], $0x200, $0x38;
	[tilespmem:$0x1200] =	vst v63  }
0x20: {  	_ =	swait.ge [sflag:s10], $0x200  }
0x21: {  	s6 =	rddreg [dreg:$0xa];
	[sflag:s10] =	ssyncset.done $0x0  }
0x22: {  	s31 =	rddreg [dreg:$0xd];
	[sflag:s10] =	ssyncadd.s32 $0xFFFFFE00  }
0x23: {  	[tilespmem:s31], [sflag:$0x5] =	stream.linear.gather [hbm4b:s6+s8], $0x200, $0x38;
	[tilespmem:$0x1200] =	vst v63  }
0x24: {  	_ =	swait.ge [sflag:s10], $0x200  }
0x25: {  	[sflag:s10] =	ssyncset.done $0x0  }
0x26: {  	[sflag:s10] =	ssyncadd.s32 $0xFFFFFE00  }
0x27: {  	[tilespmem:s12], [sflag:$0x1] =	stream.indirect.gather [hbm4b:s0+s11], $0x1, s8, s11, $0xb8;
	[tilespmem:$0x1200] =	vst v63  }
0x28: {  	_ = 	snop  }
0x29: {  	[tilespmem:s13], [sflag:$0x1] =	stream.indirect.gather [hbm4b:s1+s11], $0x1, s8, s11, $0xb8;
	[tilespmem:$0x1200] =	vst v63  }
0x2a: {  	_ = 	snop  }
0x2b: {  	[tilespmem:s14], [sflag:$0x1] =	stream.indirect.gather [hbm4b:s3+s11], $0x1, s8, s11, $0xb8;
	[tilespmem:$0x1200] =	vst v63  }
0x2c: {  	_ = 	snop  }
0x2d: {  	[tilespmem:s15], [sflag:$0x2] =	stream.indirect.gather [hbm4b:s0+s11], $0x1, s11, s11, $0xb8;
	[tilespmem:$0x1200] =	vst v63  }
0x2e: {  	_ = 	snop  }
0x2f: {  	[tilespmem:s16], [sflag:$0x2] =	stream.indirect.gather [hbm4b:s1+s11], $0x1, s11, s11, $0xb8;
	[tilespmem:$0x1200] =	vst v63  }
0x30: {  	_ = 	snop  }
0x31: {  	[tilespmem:s17], [sflag:$0x2] =	stream.indirect.gather [hbm4b:s3+s11], $0x1, s11, s11, $0xb8;
	[tilespmem:$0x1200] =	vst v63  }
0x32: {  	_ = 	snop  }
0x33: {  	[tilespmem:s19], [sflag:$0x3] =	stream.indirect.gather [hbm4b:s0+s11], $0x1, s18, s11, $0xb8;
	[tilespmem:$0x1200] =	vst v63  }
0x34: {  	_ = 	snop  }
0x35: {  	[tilespmem:s20], [sflag:$0x3] =	stream.indirect.gather [hbm4b:s1+s11], $0x1, s18, s11, $0xb8;
	[tilespmem:$0x1200] =	vst v63  }
0x36: {  	_ = 	snop  }
0x37: {  	[tilespmem:s21], [sflag:$0x3] =	stream.indirect.gather [hbm4b:s3+s11], $0x1, s18, s11, $0xb8;
	[tilespmem:$0x1200] =	vst v63  }
0x38: {  	_ = 	snop  }
0x39: {  	[tilespmem:s23], [sflag:$0x4] =	stream.indirect.gather [hbm4b:s0+s11], $0x1, s22, s11, $0xb8;
	[tilespmem:$0x1200] =	vst v63  }
0x3a: {  	_ = 	snop  }
0x3b: {  	[tilespmem:s24], [sflag:$0x4] =	stream.indirect.gather [hbm4b:s1+s11], $0x1, s22, s11, $0xb8;
	[tilespmem:$0x1200] =	vst v63  }
0x3c: {  	_ = 	snop  }
0x3d: {  	[tilespmem:s25], [sflag:$0x4] =	stream.indirect.gather [hbm4b:s3+s11], $0x1, s22, s11, $0xb8;
	[tilespmem:$0x1200] =	vst v63  }
0x3e: {  	_ =	swait.ge [sflag:s26], $0x80  }
0x3f: {  	[sflag:s26] =	ssyncset.done $0x0  }
0x40: {  	[sflag:s26] =	ssyncadd.s32 $0xFFFFFF80  }
0x41: {  	_ =	swait.ge [sflag:s26], $0x80  }
0x42: {  	[sflag:s26] =	ssyncset.done $0x0  }
0x43: {  	[sflag:s26] =	ssyncadd.s32 $0xFFFFFF80  }
0x44: {  	_ =	swait.ge [sflag:s26], $0x80  }
0x45: {  	[sflag:s26] =	ssyncset.done $0x0  }
0x46: {  	s6 =	rddreg [dreg:$0xe];
	[sflag:s26] =	ssyncadd.s32 $0xFFFFFF80  }
0x47: {  	[tilespmem:s6], [sflag:$0x1] =	stream.indirect.gather [hbm4b:s4+s11], $0x1, s12, s11, $0xb8;
	[tilespmem:$0x1200] =	vst v63  }
0x48: {  	s31 =	rddreg [dreg:$0xf]  }
0x49: {  	[tilespmem:s31], [sflag:$0x1] =	stream.indirect.gather [hbm4b:s5+s11], $0x1, s13, s11, $0xb8;
	[tilespmem:$0x1200] =	vst v63  }
0x4a: {  	s6 =	rddreg [dreg:$0x10]  }
0x4b: {  	[tilespmem:s6], [sflag:$0x1] =	stream.indirect.gather [hbm4b:s7+s11], $0x1, s14, s11, $0xb8;
	[tilespmem:$0x1200] =	vst v63  }
0x4c: {  	_ =	swait.ge [sflag:s28], $0x80  }
0x4d: {  	[sflag:s28] =	ssyncset.done $0x0  }
0x4e: {  	[sflag:s28] =	ssyncadd.s32 $0xFFFFFF80  }
0x4f: {  	_ =	swait.ge [sflag:s28], $0x80  }
0x50: {  	[sflag:s28] =	ssyncset.done $0x0  }
0x51: {  	[sflag:s28] =	ssyncadd.s32 $0xFFFFFF80  }
0x52: {  	_ =	swait.ge [sflag:s28], $0x80  }
0x53: {  	[sflag:s28] =	ssyncset.done $0x0  }
0x54: {  	s6 =	rddreg [dreg:$0x11];
	[sflag:s28] =	ssyncadd.s32 $0xFFFFFF80  }
0x55: {  	[tilespmem:s6], [sflag:$0x2] =	stream.indirect.gather [hbm4b:s4+s11], $0x1, s15, s11, $0xb8;
	[tilespmem:$0x1200] =	vst v63  }
0x56: {  	s31 =	rddreg [dreg:$0x12]  }
0x57: {  	[tilespmem:s31], [sflag:$0x2] =	stream.indirect.gather [hbm4b:s5+s11], $0x1, s16, s11, $0xb8;
	[tilespmem:$0x1200] =	vst v63  }
0x58: {  	s6 =	rddreg [dreg:$0x13]  }
0x59: {  	[tilespmem:s6], [sflag:$0x2] =	stream.indirect.gather [hbm4b:s7+s11], $0x1, s17, s11, $0xb8;
	[tilespmem:$0x1200] =	vst v63  }
0x5a: {  	_ =	swait.ge [sflag:s29], $0x80  }
0x5b: {  	[sflag:s29] =	ssyncset.done $0x0  }
0x5c: {  	[sflag:s29] =	ssyncadd.s32 $0xFFFFFF80  }
0x5d: {  	_ =	swait.ge [sflag:s29], $0x80  }
0x5e: {  	[sflag:s29] =	ssyncset.done $0x0  }
0x5f: {  	[sflag:s29] =	ssyncadd.s32 $0xFFFFFF80  }
0x60: {  	_ =	swait.ge [sflag:s29], $0x80  }
0x61: {  	[sflag:s29] =	ssyncset.done $0x0  }
0x62: {  	s6 =	rddreg [dreg:$0x14];
	[sflag:s29] =	ssyncadd.s32 $0xFFFFFF80  }
0x63: {  	[tilespmem:s6], [sflag:$0x3] =	stream.indirect.gather [hbm4b:s4+s11], $0x1, s19, s11, $0xb8;
	[tilespmem:$0x1200] =	vst v63  }
0x64: {  	s31 =	rddreg [dreg:$0x15]  }
0x65: {  	[tilespmem:s31], [sflag:$0x3] =	stream.indirect.gather [hbm4b:s5+s11], $0x1, s20, s11, $0xb8;
	[tilespmem:$0x1200] =	vst v63  }
0x66: {  	s6 =	rddreg [dreg:$0x16]  }
0x67: {  	[tilespmem:s6], [sflag:$0x3] =	stream.indirect.gather [hbm4b:s7+s11], $0x1, s21, s11, $0xb8;
	[tilespmem:$0x1200] =	vst v63  }
0x68: {  	_ =	swait.ge [sflag:s30], $0x80  }
0x69: {  	[sflag:s30] =	ssyncset.done $0x0  }
0x6a: {  	[sflag:s30] =	ssyncadd.s32 $0xFFFFFF80  }
0x6b: {  	_ =	swait.ge [sflag:s30], $0x80  }
0x6c: {  	[sflag:s30] =	ssyncset.done $0x0  }
0x6d: {  	[sflag:s30] =	ssyncadd.s32 $0xFFFFFF80  }
0x6e: {  	_ =	swait.ge [sflag:s30], $0x80  }
0x6f: {  	[sflag:s30] =	ssyncset.done $0x0  }
0x70: {  	s6 =	rddreg [dreg:$0x17];
	[sflag:s30] =	ssyncadd.s32 $0xFFFFFF80  }
0x71: {  	[tilespmem:s6], [sflag:$0x4] =	stream.indirect.gather [hbm4b:s4+s11], $0x1, s23, s11, $0xb8;
	[tilespmem:$0x1200] =	vst v63  }
0x72: {  	s31 =	rddreg [dreg:$0x18]  }
0x73: {  	[tilespmem:s31], [sflag:$0x4] =	stream.indirect.gather [hbm4b:s5+s11], $0x1, s24, s11, $0xb8;
	[tilespmem:$0x1200] =	vst v63  }
0x74: {  	s31 =	simm.s32 $0xD80  }
0x75: {  	[tilespmem:s31], [sflag:$0x4] =	stream.indirect.gather [hbm4b:s7+s11], $0x1, s25, s11, $0xb8;
	[tilespmem:$0x1200] =	vst v63  }
0x76: {  	v2 =	vld [tilespmem:$0xE00]  }
0x77: {  	v3 =	vld [tilespmem:$0xE80]  }
0x78: {  	v1 =	vld [tilespmem:$0xF00]  }
0x79: {  	v0 =	vld [tilespmem:$0xF80];
	_ =	swait.ge [sflag:s26], $0x80  }
0x7a: {  	[sflag:s26] =	ssyncset.done $0x0  }
0x7b: {  	[sflag:s26] =	ssyncadd.s32 $0xFFFFFF80  }
0x7c: {  	_ =	swait.ge [sflag:s26], $0x80  }
0x7d: {  	[sflag:s26] =	ssyncset.done $0x0  }
0x7e: {  	[sflag:s26] =	ssyncadd.s32 $0xFFFFFF80  }
0x7f: {  	_ =	swait.ge [sflag:s26], $0x80  }
0x80: {  	[sflag:s26] =	ssyncset.done $0x0  }
0x81: {  	[sflag:s26] =	ssyncadd.s32 $0xFFFFFF80  }
0x82: {  	v4 =	vld [tilespmem:$0x800]  }
0x83: {  	v5 =	vld [tilespmem:$0xA00]  }
0x84: {  	v6 =	vld [tilespmem:$0xC00]  }
0x85: {  	v7 =	vld [tilespmem:$0x810]  }
0x86: {  	v8 =	vld [tilespmem:$0xA10]  }
0x87: {  	v9 =	vld [tilespmem:$0xC10]  }
0x88: {  	v10 =	vld [tilespmem:$0x820]  }
0x89: {  	v11 =	vld [tilespmem:$0x830]  }
0x8a: {  	v12 =	vld [tilespmem:$0xC20]  }
0x8b: {  	v13 =	vld [tilespmem:$0xC30]  }
0x8c: {  	v48 =	vld [tilespmem:$0x840]  }
0x8d: {  	v14 =	vld [tilespmem:$0xA40]  }
0x8e: {  	v15 =	vld [tilespmem:$0x850];
	v4 =	vsub.f32 $1.000000000e+00, v4;
	v5 =	vsub.f32 $1.000000000e+00, v5  }
0x8f: {  	v52 =	vld [tilespmem:$0xC40];
	v6 =	vsub.f32 $1.000000000e+00, v6;
	v7 =	vsub.f32 $1.000000000e+00, v7  }
0x90: {  	v57 =	vld [tilespmem:$0xA60];
	v8 =	vsub.f32 $1.000000000e+00, v8;
	v45 =	vsub.f32 $1.000000000e+00, v9  }
0x91: {  	v16 =	vld [tilespmem:$0x870];
	v46 =	vsub.f32 $1.000000000e+00, v10;
	v47 =	vsub.f32 $1.000000000e+00, v11  }
0x92: {  	v17 =	vld [tilespmem:$0xA70];
	v12 =	vsub.f32 $1.000000000e+00, v12;
	v13 =	vsub.f32 $1.000000000e+00, v13  }
0x93: {  	v18 =	vld [tilespmem:$0xC60];
	v55 =	vsub.f32 $1.000000000e+00, v48;
	v56 =	vsub.f32 $1.000000000e+00, v14  }
0x94: {  	v43 =	vld [tilespmem:$0xA20];
	v15 =	vsub.f32 $1.000000000e+00, v15;
	v58 =	vsub.f32 $1.000000000e+00, v52  }
0x95: {  	v53 =	vld [tilespmem:$0xC50];
	v14 =	vsub.f32 $1.000000000e+00, v57;
	v4 =	vmul.f32 v4, v2;
	v5 =	vmul.f32 v5, v3  }
0x96: {  	v60 =	vsub.f32 $1.000000000e+00, v16;
	v42 =	vmul.f32 v6, v1;
	v7 =	vmul.f32 v7, v2  }
0x97: {  	v44 =	vld [tilespmem:$0xA30];
	v61 =	vsub.f32 $1.000000000e+00, v17;
	v8 =	vmul.f32 v8, v3;
	v9 =	vmul.f32 v46, v2  }
0x98: {  	v59 =	vld [tilespmem:$0xC70];
	v62 =	vsub.f32 $1.000000000e+00, v18;
	v10 =	vmul.f32 v47, v2;
	v50 =	vmul.f32 v12, v1  }
0x99: {  	v49 =	vld [tilespmem:$0xA50];
	v6 =	vsub.f32 $1.000000000e+00, v43;
	v51 =	vmul.f32 v13, v1;
	v11 =	vmul.f32 v56, v3  }
0x9a: {  	v54 =	vld [tilespmem:$0x860];
	v15 =	vmul.f32 v15, v2;
	v13 =	vsub.f32 $1.000000000e+00, v53;
	v14 =	vmul.f32 v14, v3  }
0x9b: {  	v16 =	vmul.f32 v61, v3;
	v4 =	vadd.f32 v5, v4;
	v7 =	vadd.f32 v8, v7  }
0x9c: {  	v8 =	vmul.f32 v45, v1;
	v5 =	vsub.f32 $1.000000000e+00, v44;
	v6 =	vmul.f32 v6, v3  }
0x9d: {  	v12 =	vsub.f32 $1.000000000e+00, v59;
	v63 =	vmul.f32 v62, v1;
	v4 =	vadd.f32 v42, v4  }
0x9e: {  	v5 =	vmul.f32 v5, v3;
	v7 =	vadd.f32 v8, v7;
	v6 =	vadd.f32 v6, v9  }
0x9f: {  	v13 =	vmul.f32 v13, v1;
	v8 =	vsub.f32 $1.000000000e+00, v49;
	v9 =	vsub.f32 $1.000000000e+00, v54  }
0xa0: {  	v12 =	vmul.f32 v12, v1;
	v4 =	vsub.f32 v0, v4;
	v5 =	vadd.f32 v5, v10  }
0xa1: {  	v7 =	vsub.f32 v0, v7;
	v6 =	vadd.f32 v50, v6;
	v10 =	vmul.f32 v55, v2  }
0xa2: {  	v8 =	vmul.f32 v8, v3;
	v9 =	vmul.f32 v9, v2;
	v4 =	vmax.f32 v4, $0.0e+00  }
0xa3: {  	v5 =	vadd.f32 v51, v5;
	v7 =	vmax.f32 v7, $0.0e+00;
	v6 =	vsub.f32 v0, v6  }
0xa4: {  	v10 =	vadd.f32 v11, v10;
	v8 =	vadd.f32 v8, v15;
	v11 =	vmul.f32 v58, v1  }
0xa5: {  	v15 =	vmul.f32 v60, v2;
	v9 =	vadd.f32 v14, v9;
	v4 =	vmin.f32 v4, $1.000000000e+00  }
0xa6: {  	v7 =	vmin.f32 v7, $1.000000000e+00;
	v5 =	vsub.f32 v0, v5;
	v10 =	vadd.f32 v11, v10  }
0xa7: {  	v6 =	vmax.f32 v6, $0.0e+00;
	v8 =	vadd.f32 v13, v8;
	v17 =	vadd.f32 v16, v15  }
0xa8: {  	[tilespmem:$0x1000] =	vst v4;
	v9 =	vadd.f32 v63, v9;
	v18 =	vmin.f32 v6, $1.000000000e+00;
	v19 =	vsub.f32 v0, v10  }
0xa9: {  	[tilespmem:$0x1010] =	vst v7;
	v5 =	vmax.f32 v5, $0.0e+00;
	v20 =	vsub.f32 v0, v8;
	v21 =	vadd.f32 v12, v17  }
0xaa: {  	[tilespmem:$0x1020] =	vst v18;
	v24 =	vsub.f32 v0, v9;
	v22 =	vmin.f32 v5, $1.000000000e+00;
	v23 =	vmax.f32 v19, $0.0e+00  }
0xab: {  	[tilespmem:$0x1030] =	vst v22;
	v26 =	vmax.f32 v20, $0.0e+00;
	v27 =	vsub.f32 v0, v21;
	v25 =	vmin.f32 v23, $1.000000000e+00  }
0xac: {  	v29 =	vmax.f32 v24, $0.0e+00;
	v28 =	vmin.f32 v26, $1.000000000e+00;
	[tilespmem:$0x1040] =	vst v25  }
0xad: {  	v30 =	vmin.f32 v29, $1.000000000e+00;
	[tilespmem:$0x1050] =	vst v28;
	v31 =	vmax.f32 v27, $0.0e+00  }
0xae: {  	[tilespmem:$0x1060] =	vst v30;
	v32 =	vmin.f32 v31, $1.000000000e+00  }
0xaf: {  	[tilespmem:$0x1070] =	vst v32  }
0xb0: {  	_ =	swait.ge [sflag:s28], $0x80  }
0xb1: {  	[sflag:s28] =	ssyncset.done $0x0  }
0xb2: {  	[sflag:s28] =	ssyncadd.s32 $0xFFFFFF80  }
0xb3: {  	_ =	swait.ge [sflag:s28], $0x80  }
0xb4: {  	[sflag:s28] =	ssyncset.done $0x0  }
0xb5: {  	[sflag:s28] =	ssyncadd.s32 $0xFFFFFF80  }
0xb6: {  	_ =	swait.ge [sflag:s28], $0x80  }
0xb7: {  	[sflag:s28] =	ssyncset.done $0x0  }
0xb8: {  	[sflag:s28] =	ssyncadd.s32 $0xFFFFFF80  }
0xb9: {  	v33 =	vld [tilespmem:$0x880]  }
0xba: {  	v34 =	vld [tilespmem:$0xA80]  }
0xbb: {  	v35 =	vld [tilespmem:$0xC80]  }
0xbc: {  	v36 =	vld [tilespmem:$0x890]  }
0xbd: {  	v37 =	vld [tilespmem:$0xA90]  }
0xbe: {  	v38 =	vld [tilespmem:$0xC90]  }
0xbf: {  	v39 =	vld [tilespmem:$0x8A0]  }
0xc0: {  	v42 =	vld [tilespmem:$0x8B0]  }
0xc1: {  	v44 =	vld [tilespmem:$0xCA0]  }
0xc2: {  	v45 =	vld [tilespmem:$0xCB0]  }
0xc3: {  	v49 =	vld [tilespmem:$0x8C0]  }
0xc4: {  	v50 =	vld [tilespmem:$0xAC0]  }
0xc5: {  	v51 =	vld [tilespmem:$0x8D0];
	v4 =	vsub.f32 $1.000000000e+00, v33;
	v5 =	vsub.f32 $1.000000000e+00, v34  }
0xc6: {  	v55 =	vld [tilespmem:$0xCC0];
	v6 =	vsub.f32 $1.000000000e+00, v35;
	v7 =	vsub.f32 $1.000000000e+00, v36  }
0xc7: {  	v60 =	vld [tilespmem:$0xAE0];
	v8 =	vsub.f32 $1.000000000e+00, v37;
	v46 =	vsub.f32 $1.000000000e+00, v38  }
0xc8: {  	v61 =	vld [tilespmem:$0x8F0];
	v47 =	vsub.f32 $1.000000000e+00, v39;
	v48 =	vsub.f32 $1.000000000e+00, v42  }
0xc9: {  	v62 =	vld [tilespmem:$0xAF0];
	v12 =	vsub.f32 $1.000000000e+00, v44;
	v13 =	vsub.f32 $1.000000000e+00, v45  }
0xca: {  	v63 =	vld [tilespmem:$0xCE0];
	v58 =	vsub.f32 $1.000000000e+00, v49;
	v59 =	vsub.f32 $1.000000000e+00, v50  }
0xcb: {  	v41 =	vld [tilespmem:$0xAA0];
	v15 =	vsub.f32 $1.000000000e+00, v51;
	v19 =	vsub.f32 $1.000000000e+00, v55  }
0xcc: {  	v56 =	vld [tilespmem:$0xCD0];
	v14 =	vsub.f32 $1.000000000e+00, v60;
	v4 =	vmul.f32 v4, v2;
	v5 =	vmul.f32 v5, v3  }
0xcd: {  	v21 =	vsub.f32 $1.000000000e+00, v61;
	v40 =	vmul.f32 v6, v1;
	v7 =	vmul.f32 v7, v2  }
0xce: {  	v43 =	vld [tilespmem:$0xAB0];
	v22 =	vsub.f32 $1.000000000e+00, v62;
	v8 =	vmul.f32 v8, v3;
	v9 =	vmul.f32 v47, v2  }
0xcf: {  	v20 =	vld [tilespmem:$0xCF0];
	v23 =	vsub.f32 $1.000000000e+00, v63;
	v10 =	vmul.f32 v48, v2;
	v53 =	vmul.f32 v12, v1  }
0xd0: {  	v52 =	vld [tilespmem:$0xAD0];
	v6 =	vsub.f32 $1.000000000e+00, v41;
	v54 =	vmul.f32 v13, v1;
	v11 =	vmul.f32 v59, v3  }
0xd1: {  	v57 =	vld [tilespmem:$0x8E0];
	v15 =	vmul.f32 v15, v2;
	v13 =	vsub.f32 $1.000000000e+00, v56;
	v14 =	vmul.f32 v14, v3  }
0xd2: {  	v16 =	vmul.f32 v22, v3;
	v4 =	vadd.f32 v5, v4;
	v7 =	vadd.f32 v8, v7  }
0xd3: {  	v8 =	vmul.f32 v46, v1;
	v5 =	vsub.f32 $1.000000000e+00, v43;
	v6 =	vmul.f32 v6, v3  }
0xd4: {  	v12 =	vsub.f32 $1.000000000e+00, v20;
	v24 =	vmul.f32 v23, v1;
	v4 =	vadd.f32 v40, v4  }
0xd5: {  	v5 =	vmul.f32 v5, v3;
	v7 =	vadd.f32 v8, v7;
	v6 =	vadd.f32 v6, v9  }
0xd6: {  	v13 =	vmul.f32 v13, v1;
	v8 =	vsub.f32 $1.000000000e+00, v52;
	v9 =	vsub.f32 $1.000000000e+00, v57  }
0xd7: {  	v12 =	vmul.f32 v12, v1;
	v4 =	vsub.f32 v0, v4;
	v5 =	vadd.f32 v5, v10  }
0xd8: {  	v7 =	vsub.f32 v0, v7;
	v6 =	vadd.f32 v53, v6;
	v10 =	vmul.f32 v58, v2  }
0xd9: {  	v8 =	vmul.f32 v8, v3;
	v9 =	vmul.f32 v9, v2;
	v4 =	vmax.f32 v4, $0.0e+00  }
0xda: {  	v5 =	vadd.f32 v54, v5;
	v7 =	vmax.f32 v7, $0.0e+00;
	v6 =	vsub.f32 v0, v6  }
0xdb: {  	v10 =	vadd.f32 v11, v10;
	v8 =	vadd.f32 v8, v15;
	v11 =	vmul.f32 v19, v1  }
0xdc: {  	v15 =	vmul.f32 v21, v2;
	v9 =	vadd.f32 v14, v9;
	v4 =	vmin.f32 v4, $1.000000000e+00  }
0xdd: {  	v7 =	vmin.f32 v7, $1.000000000e+00;
	v5 =	vsub.f32 v0, v5;
	v10 =	vadd.f32 v11, v10  }
0xde: {  	v6 =	vmax.f32 v6, $0.0e+00;
	v8 =	vadd.f32 v13, v8;
	v25 =	vadd.f32 v16, v15  }
0xdf: {  	[tilespmem:$0x1080] =	vst v4;
	v9 =	vadd.f32 v24, v9;
	v26 =	vmin.f32 v6, $1.000000000e+00;
	v27 =	vsub.f32 v0, v10  }
0xe0: {  	[tilespmem:$0x1090] =	vst v7;
	v5 =	vmax.f32 v5, $0.0e+00;
	v28 =	vsub.f32 v0, v8;
	v29 =	vadd.f32 v12, v25  }
0xe1: {  	[tilespmem:$0x10A0] =	vst v26;
	v32 =	vsub.f32 v0, v9;
	v30 =	vmin.f32 v5, $1.000000000e+00;
	v31 =	vmax.f32 v27, $0.0e+00  }
0xe2: {  	[tilespmem:$0x10B0] =	vst v30;
	v34 =	vmax.f32 v28, $0.0e+00;
	v35 =	vsub.f32 v0, v29;
	v33 =	vmin.f32 v31, $1.000000000e+00  }
0xe3: {  	v37 =	vmax.f32 v32, $0.0e+00;
	v36 =	vmin.f32 v34, $1.000000000e+00;
	[tilespmem:$0x10C0] =	vst v33  }
0xe4: {  	v38 =	vmin.f32 v37, $1.000000000e+00;
	[tilespmem:$0x10D0] =	vst v36;
	v39 =	vmax.f32 v35, $0.0e+00  }
0xe5: {  	[tilespmem:$0x10E0] =	vst v38;
	v40 =	vmin.f32 v39, $1.000000000e+00  }
0xe6: {  	[tilespmem:$0x10F0] =	vst v40  }
0xe7: {  	_ =	swait.ge [sflag:s29], $0x80  }
0xe8: {  	[sflag:s29] =	ssyncset.done $0x0  }
0xe9: {  	[sflag:s29] =	ssyncadd.s32 $0xFFFFFF80  }
0xea: {  	_ =	swait.ge [sflag:s29], $0x80  }
0xeb: {  	[sflag:s29] =	ssyncset.done $0x0  }
0xec: {  	[sflag:s29] =	ssyncadd.s32 $0xFFFFFF80  }
0xed: {  	_ =	swait.ge [sflag:s29], $0x80  }
0xee: {  	[sflag:s29] =	ssyncset.done $0x0  }
0xef: {  	[sflag:s29] =	ssyncadd.s32 $0xFFFFFF80  }
0xf0: {  	v41 =	vld [tilespmem:$0x900]  }
0xf1: {  	v42 =	vld [tilespmem:$0xB00]  }
0xf2: {  	v43 =	vld [tilespmem:$0xD00]  }
0xf3: {  	v44 =	vld [tilespmem:$0x910]  }
0xf4: {  	v45 =	vld [tilespmem:$0xB10]  }
0xf5: {  	v46 =	vld [tilespmem:$0xD10]  }
0xf6: {  	v47 =	vld [tilespmem:$0x920]  }
0xf7: {  	v50 =	vld [tilespmem:$0x930]  }
0xf8: {  	v52 =	vld [tilespmem:$0xD20]  }
0xf9: {  	v53 =	vld [tilespmem:$0xD30]  }
0xfa: {  	v57 =	vld [tilespmem:$0x940]  }
0xfb: {  	v58 =	vld [tilespmem:$0xB40]  }
0xfc: {  	v59 =	vld [tilespmem:$0x950];
	v4 =	vsub.f32 $1.000000000e+00, v41;
	v5 =	vsub.f32 $1.000000000e+00, v42  }
0xfd: {  	v63 =	vld [tilespmem:$0xD40];
	v6 =	vsub.f32 $1.000000000e+00, v43;
	v7 =	vsub.f32 $1.000000000e+00, v44  }
0xfe: {  	v25 =	vld [tilespmem:$0xB60];
	v8 =	vsub.f32 $1.000000000e+00, v45;
	v54 =	vsub.f32 $1.000000000e+00, v46  }
0xff: {  	v26 =	vld [tilespmem:$0x970];
	v55 =	vsub.f32 $1.000000000e+00, v47;
	v56 =	vsub.f32 $1.000000000e+00, v50  }
0x100: {  	v27 =	vld [tilespmem:$0xB70];
	v12 =	vsub.f32 $1.000000000e+00, v52;
	v13 =	vsub.f32 $1.000000000e+00, v53  }
0x101: {  	v28 =	vld [tilespmem:$0xD60];
	v23 =	vsub.f32 $1.000000000e+00, v57;
	v24 =	vsub.f32 $1.000000000e+00, v58  }
0x102: {  	v49 =	vld [tilespmem:$0xB20];
	v15 =	vsub.f32 $1.000000000e+00, v59;
	v29 =	vsub.f32 $1.000000000e+00, v63  }
0x103: {  	v21 =	vld [tilespmem:$0xD50];
	v14 =	vsub.f32 $1.000000000e+00, v25;
	v4 =	vmul.f32 v4, v2;
	v5 =	vmul.f32 v5, v3  }
0x104: {  	v31 =	vsub.f32 $1.000000000e+00, v26;
	v48 =	vmul.f32 v6, v1;
	v7 =	vmul.f32 v7, v2  }
0x105: {  	v51 =	vld [tilespmem:$0xB30];
	v32 =	vsub.f32 $1.000000000e+00, v27;
	v8 =	vmul.f32 v8, v3;
	v9 =	vmul.f32 v55, v2  }
0x106: {  	v30 =	vld [tilespmem:$0xD70];
	v33 =	vsub.f32 $1.000000000e+00, v28;
	v10 =	vmul.f32 v56, v2;
	v61 =	vmul.f32 v12, v1  }
0x107: {  	v60 =	vld [tilespmem:$0xB50];
	v6 =	vsub.f32 $1.000000000e+00, v49;
	v62 =	vmul.f32 v13, v1;
	v11 =	vmul.f32 v24, v3  }
0x108: {  	v22 =	vld [tilespmem:$0x960];
	v15 =	vmul.f32 v15, v2;
	v13 =	vsub.f32 $1.000000000e+00, v21;
	v14 =	vmul.f32 v14, v3  }
0x109: {  	v16 =	vmul.f32 v32, v3;
	v4 =	vadd.f32 v5, v4;
	v7 =	vadd.f32 v8, v7  }
0x10a: {  	v8 =	vmul.f32 v54, v1;
	v5 =	vsub.f32 $1.000000000e+00, v51;
	v6 =	vmul.f32 v6, v3  }
0x10b: {  	v12 =	vsub.f32 $1.000000000e+00, v30;
	v34 =	vmul.f32 v33, v1;
	v4 =	vadd.f32 v48, v4  }
0x10c: {  	v5 =	vmul.f32 v5, v3;
	v7 =	vadd.f32 v8, v7;
	v6 =	vadd.f32 v6, v9  }
0x10d: {  	v13 =	vmul.f32 v13, v1;
	v8 =	vsub.f32 $1.000000000e+00, v60;
	v9 =	vsub.f32 $1.000000000e+00, v22  }
0x10e: {  	v12 =	vmul.f32 v12, v1;
	v4 =	vsub.f32 v0, v4;
	v5 =	vadd.f32 v5, v10  }
0x10f: {  	v7 =	vsub.f32 v0, v7;
	v6 =	vadd.f32 v61, v6;
	v10 =	vmul.f32 v23, v2  }
0x110: {  	v8 =	vmul.f32 v8, v3;
	v9 =	vmul.f32 v9, v2;
	v4 =	vmax.f32 v4, $0.0e+00  }
0x111: {  	v5 =	vadd.f32 v62, v5;
	v7 =	vmax.f32 v7, $0.0e+00;
	v6 =	vsub.f32 v0, v6  }
0x112: {  	v10 =	vadd.f32 v11, v10;
	v8 =	vadd.f32 v8, v15;
	v11 =	vmul.f32 v29, v1  }
0x113: {  	v15 =	vmul.f32 v31, v2;
	v9 =	vadd.f32 v14, v9;
	v4 =	vmin.f32 v4, $1.000000000e+00  }
0x114: {  	v7 =	vmin.f32 v7, $1.000000000e+00;
	v5 =	vsub.f32 v0, v5;
	v10 =	vadd.f32 v11, v10  }
0x115: {  	v6 =	vmax.f32 v6, $0.0e+00;
	v8 =	vadd.f32 v13, v8;
	v35 =	vadd.f32 v16, v15  }
0x116: {  	[tilespmem:$0x1100] =	vst v4;
	v9 =	vadd.f32 v34, v9;
	v36 =	vmin.f32 v6, $1.000000000e+00;
	v37 =	vsub.f32 v0, v10  }
0x117: {  	[tilespmem:$0x1110] =	vst v7;
	v5 =	vmax.f32 v5, $0.0e+00;
	v38 =	vsub.f32 v0, v8;
	v39 =	vadd.f32 v12, v35  }
0x118: {  	[tilespmem:$0x1120] =	vst v36;
	v42 =	vsub.f32 v0, v9;
	v40 =	vmin.f32 v5, $1.000000000e+00;
	v41 =	vmax.f32 v37, $0.0e+00  }
0x119: {  	[tilespmem:$0x1130] =	vst v40;
	v44 =	vmax.f32 v38, $0.0e+00;
	v45 =	vsub.f32 v0, v39;
	v43 =	vmin.f32 v41, $1.000000000e+00  }
0x11a: {  	v47 =	vmax.f32 v42, $0.0e+00;
	v46 =	vmin.f32 v44, $1.000000000e+00;
	[tilespmem:$0x1140] =	vst v43  }
0x11b: {  	v48 =	vmin.f32 v47, $1.000000000e+00;
	[tilespmem:$0x1150] =	vst v46;
	v49 =	vmax.f32 v45, $0.0e+00  }
0x11c: {  	[tilespmem:$0x1160] =	vst v48;
	v50 =	vmin.f32 v49, $1.000000000e+00  }
0x11d: {  	[tilespmem:$0x1170] =	vst v50  }
0x11e: {  	_ =	swait.ge [sflag:s30], $0x80  }
0x11f: {  	[sflag:s30] =	ssyncset.done $0x0  }
0x120: {  	[sflag:s30] =	ssyncadd.s32 $0xFFFFFF80  }
0x121: {  	_ =	swait.ge [sflag:s30], $0x80  }
0x122: {  	[sflag:s30] =	ssyncset.done $0x0  }
0x123: {  	[sflag:s30] =	ssyncadd.s32 $0xFFFFFF80  }
0x124: {  	_ =	swait.ge [sflag:s30], $0x80  }
0x125: {  	[sflag:s30] =	ssyncset.done $0x0  }
0x126: {  	[sflag:s30] =	ssyncadd.s32 $0xFFFFFF80  }
0x127: {  	v51 =	vld [tilespmem:$0x980]  }
0x128: {  	v52 =	vld [tilespmem:$0xB80]  }
0x129: {  	v53 =	vld [tilespmem:$0xD80]  }
0x12a: {  	v54 =	vld [tilespmem:$0x990]  }
0x12b: {  	v55 =	vld [tilespmem:$0xB90]  }
0x12c: {  	v56 =	vld [tilespmem:$0xD90]  }
0x12d: {  	v57 =	vld [tilespmem:$0x9A0]  }
0x12e: {  	v58 =	vld [tilespmem:$0xBA0]  }
0x12f: {  	v59 =	vld [tilespmem:$0xDA0]  }
0x130: {  	v60 =	vld [tilespmem:$0x9B0]  }
0x131: {  	v62 =	vld [tilespmem:$0xBB0]  }
0x132: {  	v63 =	vld [tilespmem:$0xDB0]  }
0x133: {  	v20 =	vld [tilespmem:$0x9C0];
	v4 =	vsub.f32 $1.000000000e+00, v51;
	v5 =	vsub.f32 $1.000000000e+00, v52  }
0x134: {  	v26 =	vld [tilespmem:$0x9D0];
	v6 =	vsub.f32 $1.000000000e+00, v53;
	v7 =	vsub.f32 $1.000000000e+00, v54  }
0x135: {  	v32 =	vld [tilespmem:$0xDD0];
	v61 =	vsub.f32 $1.000000000e+00, v55;
	v9 =	vsub.f32 $1.000000000e+00, v56  }
0x136: {  	v34 =	vld [tilespmem:$0x9E0];
	v10 =	vsub.f32 $1.000000000e+00, v57;
	v11 =	vsub.f32 $1.000000000e+00, v58  }
0x137: {  	v35 =	vld [tilespmem:$0xBE0];
	v13 =	vsub.f32 $1.000000000e+00, v60;
	v8 =	vsub.f32 $1.000000000e+00, v62  }
0x138: {  	v36 =	vld [tilespmem:$0x9F0];
	v29 =	vsub.f32 $1.000000000e+00, v59;
	v31 =	vsub.f32 $1.000000000e+00, v20  }
0x139: {  	v22 =	vld [tilespmem:$0xBC0];
	v33 =	vsub.f32 $1.000000000e+00, v63;
	v16 =	vsub.f32 $1.000000000e+00, v26  }
0x13a: {  	v25 =	vld [tilespmem:$0xDC0];
	v41 =	vsub.f32 $1.000000000e+00, v32;
	v4 =	vmul.f32 v4, v2;
	v5 =	vmul.f32 v5, v3  }
0x13b: {  	v42 =	vsub.f32 $1.000000000e+00, v34;
	v6 =	vmul.f32 v6, v1;
	v7 =	vmul.f32 v7, v2  }
0x13c: {  	v39 =	vld [tilespmem:$0xDE0];
	v43 =	vsub.f32 $1.000000000e+00, v35;
	v21 =	vmul.f32 v9, v1;
	v23 =	vmul.f32 v10, v2  }
0x13d: {  	v44 =	vsub.f32 $1.000000000e+00, v36;
	v24 =	vmul.f32 v11, v3;
	v30 =	vmul.f32 v13, v2  }
0x13e: {  	v28 =	vld [tilespmem:$0xBD0];
	v8 =	vmul.f32 v8, v3;
	v9 =	vsub.f32 $1.000000000e+00, v22;
	v13 =	vmul.f32 v31, v2  }
0x13f: {  	v11 =	vsub.f32 $1.000000000e+00, v25;
	v10 =	vmul.f32 v29, v1;
	v12 =	vmul.f32 v33, v1  }
0x140: {  	v37 =	vld [tilespmem:$0xBF0];
	v38 =	vmul.f32 v16, v2;
	v14 =	vmul.f32 v43, v3;
	v4 =	vadd.f32 v5, v4  }
0x141: {  	v16 =	vsub.f32 $1.000000000e+00, v39;
	v5 =	vmul.f32 v61, v3;
	v27 =	vadd.f32 v24, v23  }
0x142: {  	v40 =	vld [tilespmem:$0xDF0];
	v8 =	vadd.f32 v8, v30;
	v9 =	vmul.f32 v9, v3;
	v4 =	vadd.f32 v6, v4  }
0x143: {  	v11 =	vmul.f32 v11, v1;
	v5 =	vadd.f32 v5, v7;
	v7 =	vsub.f32 $1.000000000e+00, v28  }
0x144: {  	v46 =	vmul.f32 v16, v1;
	v9 =	vadd.f32 v9, v13;
	v6 =	vadd.f32 v10, v27  }
0x145: {  	v8 =	vadd.f32 v12, v8;
	v13 =	vsub.f32 $1.000000000e+00, v37;
	v12 =	vmul.f32 v42, v2  }
0x146: {  	v2 =	vmul.f32 v44, v2;
	v5 =	vadd.f32 v21, v5;
	v9 =	vadd.f32 v11, v9  }
0x147: {  	v7 =	vmul.f32 v7, v3;
	v11 =	vsub.f32 $1.000000000e+00, v40;
	v45 =	vadd.f32 v14, v12  }
0x148: {  	v3 =	vmul.f32 v13, v3;
	v47 =	vsub.f32 v0, v4;
	v50 =	vsub.f32 v0, v6  }
0x149: {  	v10 =	vmul.f32 v41, v1;
	v51 =	vsub.f32 v0, v8;
	v7 =	vadd.f32 v7, v38  }
0x14a: {  	v2 =	vadd.f32 v3, v2;
	v1 =	vmul.f32 v11, v1;
	v48 =	vadd.f32 v46, v45  }
0x14b: {  	v5 =	vsub.f32 v0, v5;
	v49 =	vmax.f32 v47, $0.0e+00;
	v3 =	vmax.f32 v50, $0.0e+00  }
0x14c: {  	v53 =	vsub.f32 v0, v9;
	v55 =	vmax.f32 v51, $0.0e+00;
	v54 =	vmin.f32 v3, $1.000000000e+00  }
0x14d: {  	v57 =	vmin.f32 v55, $1.000000000e+00;
	v7 =	vadd.f32 v10, v7;
	v1 =	vadd.f32 v1, v2;
	[tilespmem:$0x11A0] =	vst v54  }
0x14e: {  	v2 =	vmin.f32 v49, $1.000000000e+00;
	v5 =	vmax.f32 v5, $0.0e+00;
	v4 =	vsub.f32 v0, v48;
	[tilespmem:$0x11B0] =	vst v57  }
0x14f: {  	v58 =	vmax.f32 v53, $0.0e+00;
	[tilespmem:$0x1180] =	vst v2;
	v52 =	vmin.f32 v5, $1.000000000e+00;
	v56 =	vsub.f32 v0, v7  }
0x150: {  	v59 =	vmin.f32 v58, $1.000000000e+00;
	[tilespmem:$0x1190] =	vst v52;
	v0 =	vsub.f32 v0, v1;
	v62 =	vmax.f32 v4, $0.0e+00  }
0x151: {  	[tilespmem:$0x11C0] =	vst v59;
	v63 =	vmin.f32 v62, $1.000000000e+00;
	v60 =	vmax.f32 v56, $0.0e+00  }
0x152: {  	v0 =	vmax.f32 v0, $0.0e+00;
	[tilespmem:$0x11E0] =	vst v63;
	v61 =	vmin.f32 v60, $1.000000000e+00  }
0x153: {  	p0 =	sne.s32 s9, $0x1;
	v0 =	vmin.f32 v0, $1.000000000e+00;
	[tilespmem:$0x11D0] =	vst v61  }
.Ltmp0:
0x154: {  	s31 =	rddreg [dreg:$0xc];
	[tilespmem:$0x11F0] =	vst v0;
	(pc) =	sbr.rel @p0 .LBB2_1-.Ltmp0, $4  }
0x155: {  	[hbm4b:s31+s8] =	stream.linear.scatter [tilespmem:s2], [sflag:$0x5], $0x200, $0x38;
	[tilespmem:$0x1200] =	vst v63  }
0x156: {  	_ =	swait.ge [sflag:s10], $0x200  }
0x157: {  	[sflag:s10] =	ssyncset.done $0x0  }
0x158: {  	s9 =	sadd.s32 $0xFFFFFFFF, s9;
	[sflag:s10] =	ssyncadd.s32 $0xFFFFFE00  }
0x159: {  	_ =	sfence.sel $0x180000  }
0x15a: {  	[bflag:$0x0] =	sbarrier.arrive $0xFFFF  }
0x15b: {  	_ =	strace $0x90000047  }
0x15c: {  	s0 =	stileid.u32;
	[bflag:$0x2] =	sbarrier.arrive $0xFFFF  }
0x15d: {  	p0 =	sne.s32 s0, $0x0;
	s0 =	rddreg [dreg:$0x9]  }
0x15e: {  	s0 =	sadd.s32 @!p0 $0x100000, s0  }
0x15f: {  	[sflag:s0] =	ssyncadd.tile.s32 @!p0 $0x1;
	_ =	shalt  }
.Lfunc_end2:
_tile_overlayer_lowered:
.L_overlay_start_2:
0x160: {  	(tag) =	ssettag $0x2  }
0x161: {  	s0 =	rddreg [dreg:$0x0];
	s2 =	stileid.u32  }
0x162: {  	s1 =	rddreg [dreg:$0x1];
	p0 =	sne.s32 s2, $0x0  }
0x163: {  	s3 =	rddreg [dreg:$0x2];
	[bflag:$0x3] =	sbarrier.arrive $0xFFFF;
	s2 =	simm.s32 @!p0 $0x1C05  }
0x164: {  	[timem:s3], [sflag:s2] =	dma.local @!p0 [hbm:s0], s1  }
0x165: {  	s0 =	simm.s32 @!p0 $0x5  }
0x166: {  	_ =	swait.ge @!p0 [sflag:s0], s1  }
0x167: {  	s1 =	ssub.s32 @!p0 $0x0, s1;
	[sflag:s0] =	ssyncset.done @!p0 $0x0  }
0x168: {  	[sflag:s0] =	ssyncadd.s32 @!p0 s1  }
0x169: {  	[bflag:$0x3] =	sbarrier.arrive $0xFFFF  }
0x16a: {  	_ =	shalt  }

</sc_bundles>
